<compile_context>
chip_gen: v7x
topology: tpu7x:2x2x1
jax: 0.10.2.dev20260603
libtpu: 0.0.44.dev20260713+nightly
codegen_flags: <defaults>
</compile_context>

<pallas_src>
import functools

import jax
import jax.numpy as jnp
from jax import lax
from jax.experimental import pallas as pl
from jax.experimental.pallas import tpu as pltpu
from jax.experimental.pallas import tpu_sc as plsc

_B = 1024
_L = 200
_H = 128
_VOCAB = 100000
_EPS = 1e-12

_NW = 32
_SEQ_PER_W = _B // _NW
_CH = 40
_NCH = _B * _L // _CH
_CH_PER_W = _NCH // _NW


def _allsum(v):
    dnums = lax.GatherDimensionNumbers(
        offset_dims=(), collapsed_slice_dims=(0,), start_index_map=(0,))
    lane = lax.iota(jnp.int32, 16)
    for sh in (1, 2, 4, 8):
        idx = ((lane + sh) & 15).reshape(16, 1)
        rot = lax.gather(v, idx, dnums, slice_sizes=(1,),
                         mode=lax.GatherScatterMode.PROMISE_IN_BOUNDS)
        v = v + rot
    return v


def _ln_row(buf, pos_v, ws, bs, r, pos_r):
    xs = []
    for j in range(_H // 16):
        x = buf[r, pl.ds(j * 16, 16)]
        p = pos_v[pos_r, pl.ds(j * 16, 16)]
        xs.append(x + p)
    acc = xs[0]
    acc2 = xs[0] * xs[0]
    for j in range(1, _H // 16):
        acc = acc + xs[j]
        acc2 = acc2 + xs[j] * xs[j]
    tot = _allsum(acc)
    tot2 = _allsum(acc2)
    mean = tot * (1.0 / _H)
    ex2 = tot2 * (1.0 / _H)
    a = ex2 - mean * mean + _EPS
    bits = lax.bitcast_convert_type(a, jnp.int32)
    seed = jnp.int32(0x5F3759DF) - lax.shift_right_logical(bits, 1)
    y = lax.bitcast_convert_type(seed, jnp.float32)
    half = a * 0.5
    for _ in range(2):
        y = y * (1.5 - half * y * y)
    for j in range(_H // 16):
        t = (xs[j] - mean) * y
        buf[r, pl.ds(j * 16, 16)] = t * ws[j] + bs[j]


_NBUF = 4


def _sc_body(ids_hbm, table_hbm, postt_hbm, w_hbm, b_hbm, out_hbm,
             idx_v, pos_v, w_v, b_v, *bufs_and_sems):
    nc = 2
    wid = lax.axis_index("s") * nc + lax.axis_index("c")
    bufs = bufs_and_sems[:_NBUF]
    gsems = bufs_and_sems[_NBUF:2 * _NBUF]
    osems = bufs_and_sems[2 * _NBUF:]
    base_chunk = wid * _CH_PER_W

    pltpu.sync_copy(ids_hbm.at[pl.ds(base_chunk, _CH_PER_W)], idx_v)
    pltpu.sync_copy(postt_hbm, pos_v)
    pltpu.sync_copy(w_hbm, w_v)
    pltpu.sync_copy(b_hbm, b_v)

    def gather(k, c):
        pltpu.async_copy(table_hbm.at[idx_v.at[c]], bufs[k], gsems[k])

    def wait_gather(k, c):
        pltpu.make_async_copy(table_hbm.at[idx_v.at[c]], bufs[k],
                              gsems[k]).wait()

    def scatter(k, c):
        row0 = (base_chunk + c) * _CH
        pltpu.async_copy(bufs[k], out_hbm.at[pl.ds(row0, _CH)], osems[k])

    def wait_scatter(k, c):
        row0 = (base_chunk + c) * _CH
        pltpu.make_async_copy(bufs[k], out_hbm.at[pl.ds(row0, _CH)],
                              osems[k]).wait()

    ws = [w_v[pl.ds(j * 16, 16)] for j in range(_H // 16)]
    bs = [b_v[pl.ds(j * 16, 16)] for j in range(_H // 16)]

    def compute(k, c):
        poff = lax.rem(c, 5) * _CH

        @plsc.parallel_loop(0, _CH, unroll=2)
        def row_step(r):
            _ln_row(bufs[k], pos_v, ws, bs, r, poff + r)

    for k in range(_NBUF):
        gather(k, k)

    nsteps = _CH_PER_W // _NBUF

    def step(t, carry):
        for k in range(_NBUF):
            c = t * _NBUF + k
            wait_gather(k, c)
            compute(k, c)
            scatter(k, c)
        for k in range(_NBUF):
            c = t * _NBUF + k

            @pl.when(t < nsteps - 1)
            def _():
                wait_scatter(k, c)
                gather(k, c + _NBUF)

        return carry

    lax.fori_loop(0, nsteps, step, 0)
    for k in range(_NBUF):
        wait_scatter(k, _CH_PER_W - _NBUF + k)


@jax.jit
def _camembert_sc(ids2d, table, postt, w, b):
    mesh = plsc.VectorSubcoreMesh(core_axis_name="c", subcore_axis_name="s")
    run = pl.kernel(
        _sc_body,
        out_type=jax.ShapeDtypeStruct((_B * _L, _H), jnp.float32),
        mesh=mesh,
        scratch_types=(
            [pltpu.VMEM((_CH_PER_W, _CH), jnp.int32),
             pltpu.VMEM((_L, _H), jnp.float32),
             pltpu.VMEM((_H,), jnp.float32),
             pltpu.VMEM((_H,), jnp.float32)]
            + [pltpu.VMEM((_CH, _H), jnp.float32) for _ in range(_NBUF)]
            + [pltpu.SemaphoreType.DMA for _ in range(2 * _NBUF)]
        ),
    )
    return run(ids2d, table, postt, w, b)


def kernel(input_ids, word_embeddings, position_embeddings,
           token_type_embeddings, ln_weight, ln_bias):
    ids2d = input_ids.astype(jnp.int32).reshape(_NCH, _CH)
    postt = position_embeddings[:_L] + token_type_embeddings[0]
    out = _camembert_sc(ids2d, word_embeddings, postt, ln_weight, ln_bias)
    return out.reshape(_B, _L, _H)

# --- scband reference (transcript-rebuilt; emitter-appended) ---
"""Pipeline reference for scband-camembert-embeddings-41661182771572 (READ-ONLY COPY).

The authoritative reference and input builder live on the scoring server;
editing this copy changes nothing except your own understanding.
"""

import jax, jax.numpy as jnp
import numpy as np

VOCAB = 100000
HIDDEN = 128
MAX_POS = 512
TYPE_VOCAB = 1
B, L = 1024, 200
EPS = 1e-12

def setup_inputs(seed: int = 0) -> dict:
    key = jax.random.key(seed)
    k0, k1, k2, k3 = jax.random.split(key, 4)
    input_ids = jax.random.randint(k0, (B, L), 0, VOCAB, dtype=jnp.int64 if jax.config.jax_enable_x64 else jnp.int32)
    word_embeddings = jax.random.normal(k1, (VOCAB, HIDDEN), dtype=jnp.float32) * 0.02
    position_embeddings = jax.random.normal(k2, (MAX_POS, HIDDEN), dtype=jnp.float32) * 0.02
    token_type_embeddings = jax.random.normal(k3, (TYPE_VOCAB, HIDDEN), dtype=jnp.float32) * 0.02
    ln_weight = jnp.ones((HIDDEN,), dtype=jnp.float32)
    ln_bias = jnp.zeros((HIDDEN,), dtype=jnp.float32)
    return {
        "input_ids": input_ids,
        "word_embeddings": word_embeddings,
        "position_embeddings": position_embeddings,
        "token_type_embeddings": token_type_embeddings,
        "ln_weight": ln_weight,
        "ln_bias": ln_bias,
    }

def reference(input_ids, word_embeddings, position_embeddings, token_type_embeddings, ln_weight, ln_bias):
    batch_size, seq_length = input_ids.shape
    position_ids = jnp.arange(seq_length)[None, :]
    token_type_ids = jnp.zeros((batch_size, seq_length), dtype=jnp.int32)
    inputs_embeds = jnp.take(word_embeddings, input_ids, axis=0)
    position_embeds = jnp.take(position_embeddings, position_ids, axis=0)
    position_embeds = jnp.broadcast_to(position_embeds, (batch_size, seq_length, position_embeddings.shape[-1]))
    token_type_embeds = jnp.take(token_type_embeddings, token_type_ids, axis=0)
    embeddings = inputs_embeds + position_embeds + token_type_embeds
    mean = jnp.mean(embeddings, axis=-1, keepdims=True)
    var = jnp.mean(jnp.square(embeddings - mean), axis=-1, keepdims=True)
    normed = (embeddings - mean) / jnp.sqrt(var + EPS)
    out = normed * ln_weight + ln_bias
    return out

if __name__ == "__main__":
    import jax
    _d = setup_inputs()
    print(jax.jit(kernel)(*tuple(_d.values())))

</pallas_src>

<mosaic_0001>
#map = affine_map<(d0, d1) -> (0, 0)>
#map1 = affine_map<(d0, d1) -> (0)>
module attributes {stable_mosaic.version = 14 : i64} {
  func.func @_sc_body(%arg0: i32, %arg1: i32, %arg2: memref<5120x40xi32, #tpu.memory_space<hbm>>, %arg3: memref<100000x128xf32, #tpu.memory_space<hbm>>, %arg4: memref<200x128xf32, #tpu.memory_space<hbm>>, %arg5: memref<128xf32, #tpu.memory_space<hbm>>, %arg6: memref<128xf32, #tpu.memory_space<hbm>>, %arg7: memref<204800x128xf32, #tpu.memory_space<hbm>>, %arg8: memref<160x40xi32, #tpu.memory_space<vmem>>, %arg9: memref<200x128xf32, #tpu.memory_space<vmem>>, %arg10: memref<128xf32, #tpu.memory_space<vmem>>, %arg11: memref<128xf32, #tpu.memory_space<vmem>>, %arg12: memref<40x128xf32, #tpu.memory_space<vmem>>, %arg13: memref<40x128xf32, #tpu.memory_space<vmem>>, %arg14: memref<40x128xf32, #tpu.memory_space<vmem>>, %arg15: memref<40x128xf32, #tpu.memory_space<vmem>>, %arg16: memref<!tpu.dma_semaphore, #tpu.memory_space<semaphore_mem>>, %arg17: memref<!tpu.dma_semaphore, #tpu.memory_space<semaphore_mem>>, %arg18: memref<!tpu.dma_semaphore, #tpu.memory_space<semaphore_mem>>, %arg19: memref<!tpu.dma_semaphore, #tpu.memory_space<semaphore_mem>>, %arg20: memref<!tpu.dma_semaphore, #tpu.memory_space<semaphore_mem>>, %arg21: memref<!tpu.dma_semaphore, #tpu.memory_space<semaphore_mem>>, %arg22: memref<!tpu.dma_semaphore, #tpu.memory_space<semaphore_mem>>, %arg23: memref<!tpu.dma_semaphore, #tpu.memory_space<semaphore_mem>>) attributes {dimension_semantics = [#tpu.dimension_semantics<core_parallel>, #tpu.dimension_semantics<subcore_parallel>], iteration_bounds = array<i64: 2, 16>, scalar_prefetch = 0 : i64, scratch_operands = 16 : i64, tpu.core_type = #tpu.core_type<sc_vector_subcore>, window_params = [{transform_indices = #map}, {transform_indices = #map}, {transform_indices = #map}, {transform_indices = #map1}, {transform_indices = #map1}, {transform_indices = #map}]} {
    %mul3A = arith.constant 2 : i32
    %mul3A_0 = arith.muli %arg1, %mul3A : i32
    %add3A = arith.addi %mul3A_0, %arg0 : i32
    %mul3A_1 = arith.constant 160 : i32
    %mul3A_2 = arith.muli %add3A, %mul3A_1 : i32
    "tpu.region"() ({
      %run_scoped3A = tpu.sem_alloc : memref<!tpu.dma_semaphore, #tpu.memory_space<semaphore_mem>>
      %dma_start3A_113 = arith.constant 0 : i32
      %dma_start3A_114 = tpu.memref_slice %arg2[%mul3A_2, %dma_start3A_113] : memref<5120x40xi32, #tpu.memory_space<hbm>> -> memref<160x40xi32, #tpu.memory_space<hbm>>
      %dma_start3A_115 = arith.constant 0 : i32
      %dma_start3A_116 = tpu.memref_slice %arg2[%mul3A_2, %dma_start3A_115] : memref<5120x40xi32, #tpu.memory_space<hbm>> -> memref<160x40xi32, #tpu.memory_space<hbm>>
      tpu.enqueue_dma source(%dma_start3A_116 : memref<160x40xi32, #tpu.memory_space<hbm>>) target(%arg8 : memref<160x40xi32, #tpu.memory_space<vmem>>) target_semaphore(%run_scoped3A : memref<!tpu.dma_semaphore, #tpu.memory_space<semaphore_mem>>)
      %dma_wait3A_117 = arith.constant 0 : i32
      %dma_wait3A_118 = tpu.memref_slice %arg2[%mul3A_2, %dma_wait3A_117] : memref<5120x40xi32, #tpu.memory_space<hbm>> -> memref<160x40xi32, #tpu.memory_space<hbm>>
      %dma_wait3A_119 = arith.constant 0 : i32
      %dma_wait3A_120 = tpu.memref_slice %arg2[%mul3A_2, %dma_wait3A_119] : memref<5120x40xi32, #tpu.memory_space<hbm>> -> memref<160x40xi32, #tpu.memory_space<hbm>>
      tpu.wait_dma2 semaphore(%run_scoped3A : memref<!tpu.dma_semaphore, #tpu.memory_space<semaphore_mem>>) src(%dma_wait3A_120 : memref<160x40xi32, #tpu.memory_space<hbm>>) dst(%arg8 : memref<160x40xi32, #tpu.memory_space<vmem>>)
      tpu.yield
    }) : () -> ()
    "tpu.region"() ({
      %run_scoped3A = tpu.sem_alloc : memref<!tpu.dma_semaphore, #tpu.memory_space<semaphore_mem>>
      tpu.enqueue_dma source(%arg4 : memref<200x128xf32, #tpu.memory_space<hbm>>) target(%arg9 : memref<200x128xf32, #tpu.memory_space<vmem>>) target_semaphore(%run_scoped3A : memref<!tpu.dma_semaphore, #tpu.memory_space<semaphore_mem>>)
      tpu.wait_dma2 semaphore(%run_scoped3A : memref<!tpu.dma_semaphore, #tpu.memory_space<semaphore_mem>>) src(%arg4 : memref<200x128xf32, #tpu.memory_space<hbm>>) dst(%arg9 : memref<200x128xf32, #tpu.memory_space<vmem>>)
      tpu.yield
    }) : () -> ()
    "tpu.region"() ({
      %run_scoped3A = tpu.sem_alloc : memref<!tpu.dma_semaphore, #tpu.memory_space<semaphore_mem>>
      tpu.enqueue_dma source(%arg5 : memref<128xf32, #tpu.memory_space<hbm>>) target(%arg10 : memref<128xf32, #tpu.memory_space<vmem>>) target_semaphore(%run_scoped3A : memref<!tpu.dma_semaphore, #tpu.memory_space<semaphore_mem>>)
      tpu.wait_dma2 semaphore(%run_scoped3A : memref<!tpu.dma_semaphore, #tpu.memory_space<semaphore_mem>>) src(%arg5 : memref<128xf32, #tpu.memory_space<hbm>>) dst(%arg10 : memref<128xf32, #tpu.memory_space<vmem>>)
      tpu.yield
    }) : () -> ()
    "tpu.region"() ({
      %run_scoped3A = tpu.sem_alloc : memref<!tpu.dma_semaphore, #tpu.memory_space<semaphore_mem>>
      tpu.enqueue_dma source(%arg6 : memref<128xf32, #tpu.memory_space<hbm>>) target(%arg11 : memref<128xf32, #tpu.memory_space<vmem>>) target_semaphore(%run_scoped3A : memref<!tpu.dma_semaphore, #tpu.memory_space<semaphore_mem>>)
      tpu.wait_dma2 semaphore(%run_scoped3A : memref<!tpu.dma_semaphore, #tpu.memory_space<semaphore_mem>>) src(%arg6 : memref<128xf32, #tpu.memory_space<hbm>>) dst(%arg11 : memref<128xf32, #tpu.memory_space<vmem>>)
      tpu.yield
    }) : () -> ()
    %get3A = arith.constant 0 : index
    %get3A_3 = tpu.vector_load %arg10[%get3A] {strides = array<i32>} : memref<128xf32, #tpu.memory_space<vmem>>, vector<16xf32>,
    %get3A_4 = vector.shape_cast %get3A_3 : vector<16xf32> to vector<16xf32>
    %get3A_5 = arith.constant 16 : index
    %get3A_6 = tpu.vector_load %arg10[%get3A_5] {strides = array<i32>} : memref<128xf32, #tpu.memory_space<vmem>>, vector<16xf32>,
    %get3A_7 = vector.shape_cast %get3A_6 : vector<16xf32> to vector<16xf32>
    %get3A_8 = arith.constant 32 : index
    %get3A_9 = tpu.vector_load %arg10[%get3A_8] {strides = array<i32>} : memref<128xf32, #tpu.memory_space<vmem>>, vector<16xf32>,
    %get3A_10 = vector.shape_cast %get3A_9 : vector<16xf32> to vector<16xf32>
    %get3A_11 = arith.constant 48 : index
    %get3A_12 = tpu.vector_load %arg10[%get3A_11] {strides = array<i32>} : memref<128xf32, #tpu.memory_space<vmem>>, vector<16xf32>,
    %get3A_13 = vector.shape_cast %get3A_12 : vector<16xf32> to vector<16xf32>
    %get3A_14 = arith.constant 64 : index
    %get3A_15 = tpu.vector_load %arg10[%get3A_14] {strides = array<i32>} : memref<128xf32, #tpu.memory_space<vmem>>, vector<16xf32>,
    %get3A_16 = vector.shape_cast %get3A_15 : vector<16xf32> to vector<16xf32>
    %get3A_17 = arith.constant 80 : index
    %get3A_18 = tpu.vector_load %arg10[%get3A_17] {strides = array<i32>} : memref<128xf32, #tpu.memory_space<vmem>>, vector<16xf32>,
    %get3A_19 = vector.shape_cast %get3A_18 : vector<16xf32> to vector<16xf32>
    %get3A_20 = arith.constant 96 : index
    %get3A_21 = tpu.vector_load %arg10[%get3A_20] {strides = array<i32>} : memref<128xf32, #tpu.memory_space<vmem>>, vector<16xf32>,
    %get3A_22 = vector.shape_cast %get3A_21 : vector<16xf32> to vector<16xf32>
    %get3A_23 = arith.constant 112 : index
    %get3A_24 = tpu.vector_load %arg10[%get3A_23] {strides = array<i32>} : memref<128xf32, #tpu.memory_space<vmem>>, vector<16xf32>,
    %get3A_25 = vector.shape_cast %get3A_24 : vector<16xf32> to vector<16xf32>
    %get3A_26 = arith.constant 0 : index
    %get3A_27 = tpu.vector_load %arg11[%get3A_26] {strides = array<i32>} : memref<128xf32, #tpu.memory_space<vmem>>, vector<16xf32>,
    %get3A_28 = vector.shape_cast %get3A_27 : vector<16xf32> to vector<16xf32>
    %get3A_29 = arith.constant 16 : index
    %get3A_30 = tpu.vector_load %arg11[%get3A_29] {strides = array<i32>} : memref<128xf32, #tpu.memory_space<vmem>>, vector<16xf32>,
    %get3A_31 = vector.shape_cast %get3A_30 : vector<16xf32> to vector<16xf32>
    %get3A_32 = arith.constant 32 : index
    %get3A_33 = tpu.vector_load %arg11[%get3A_32] {strides = array<i32>} : memref<128xf32, #tpu.memory_space<vmem>>, vector<16xf32>,
    %get3A_34 = vector.shape_cast %get3A_33 : vector<16xf32> to vector<16xf32>
    %get3A_35 = arith.constant 48 : index
    %get3A_36 = tpu.vector_load %arg11[%get3A_35] {strides = array<i32>} : memref<128xf32, #tpu.memory_space<vmem>>, vector<16xf32>,
    %get3A_37 = vector.shape_cast %get3A_36 : vector<16xf32> to vector<16xf32>
    %get3A_38 = arith.constant 64 : index
    %get3A_39 = tpu.vector_load %arg11[%get3A_38] {strides = array<i32>} : memref<128xf32, #tpu.memory_space<vmem>>, vector<16xf32>,
    %get3A_40 = vector.shape_cast %get3A_39 : vector<16xf32> to vector<16xf32>
    %get3A_41 = arith.constant 80 : index
    %get3A_42 = tpu.vector_load %arg11[%get3A_41] {strides = array<i32>} : memref<128xf32, #tpu.memory_space<vmem>>, vector<16xf32>,
    %get3A_43 = vector.shape_cast %get3A_42 : vector<16xf32> to vector<16xf32>
    %get3A_44 = arith.constant 96 : index
    %get3A_45 = tpu.vector_load %arg11[%get3A_44] {strides = array<i32>} : memref<128xf32, #tpu.memory_space<vmem>>, vector<16xf32>,
    %get3A_46 = vector.shape_cast %get3A_45 : vector<16xf32> to vector<16xf32>
    %get3A_47 = arith.constant 112 : index
    %get3A_48 = tpu.vector_load %arg11[%get3A_47] {strides = array<i32>} : memref<128xf32, #tpu.memory_space<vmem>>, vector<16xf32>,
    %get3A_49 = vector.shape_cast %get3A_48 : vector<16xf32> to vector<16xf32>
    %dma_start3A = arith.constant 0 : i32
    %dma_start3A_50 = arith.constant 0 : i32
    %dma_start3A_51 = tpu.memref_slice %arg8[%dma_start3A, %dma_start3A_50] : memref<160x40xi32, #tpu.memory_space<vmem>> -> memref<1x40xi32, #tpu.memory_space<vmem>>
    %dma_start3A_52 = tpu.memref_squeeze %dma_start3A_51 : memref<1x40xi32, #tpu.memory_space<vmem>> -> memref<40xi32, #tpu.memory_space<vmem>>
    %dma_start3A_53 = arith.constant 0 : i32
    %dma_start3A_54 = arith.constant 0 : i32
    %dma_start3A_55 = tpu.memref_slice %arg3[%dma_start3A_53, %dma_start3A_54] : memref<100000x128xf32, #tpu.memory_space<hbm>> -> memref<100000x128xf32, #tpu.memory_space<hbm>>
    tpu.enqueue_indirect_dma source(%dma_start3A_55 : memref<100000x128xf32, #tpu.memory_space<hbm>>) target(%arg12 : memref<40x128xf32, #tpu.memory_space<vmem>>) offsets(%dma_start3A_52 : memref<40xi32, #tpu.memory_space<vmem>>) semaphore(%arg16 : memref<!tpu.dma_semaphore, #tpu.memory_space<semaphore_mem>>)
    %dma_start3A_56 = arith.constant 1 : i32
    %dma_start3A_57 = arith.constant 0 : i32
    %dma_start3A_58 = tpu.memref_slice %arg8[%dma_start3A_56, %dma_start3A_57] : memref<160x40xi32, #tpu.memory_space<vmem>> -> memref<1x40xi32, #tpu.memory_space<vmem>>
    %dma_start3A_59 = tpu.memref_squeeze %dma_start3A_58 : memref<1x40xi32, #tpu.memory_space<vmem>> -> memref<40xi32, #tpu.memory_space<vmem>>
    %dma_start3A_60 = arith.constant 0 : i32
    %dma_start3A_61 = arith.constant 0 : i32
    %dma_start3A_62 = tpu.memref_slice %arg3[%dma_start3A_60, %dma_start3A_61] : memref<100000x128xf32, #tpu.memory_space<hbm>> -> memref<100000x128xf32, #tpu.memory_space<hbm>>
    tpu.enqueue_indirect_dma source(%dma_start3A_62 : memref<100000x128xf32, #tpu.memory_space<hbm>>) target(%arg13 : memref<40x128xf32, #tpu.memory_space<vmem>>) offsets(%dma_start3A_59 : memref<40xi32, #tpu.memory_space<vmem>>) semaphore(%arg17 : memref<!tpu.dma_semaphore, #tpu.memory_space<semaphore_mem>>)
    %dma_start3A_63 = arith.constant 2 : i32
    %dma_start3A_64 = arith.constant 0 : i32
    %dma_start3A_65 = tpu.memref_slice %arg8[%dma_start3A_63, %dma_start3A_64] : memref<160x40xi32, #tpu.memory_space<vmem>> -> memref<1x40xi32, #tpu.memory_space<vmem>>
    %dma_start3A_66 = tpu.memref_squeeze %dma_start3A_65 : memref<1x40xi32, #tpu.memory_space<vmem>> -> memref<40xi32, #tpu.memory_space<vmem>>
    %dma_start3A_67 = arith.constant 0 : i32
    %dma_start3A_68 = arith.constant 0 : i32
    %dma_start3A_69 = tpu.memref_slice %arg3[%dma_start3A_67, %dma_start3A_68] : memref<100000x128xf32, #tpu.memory_space<hbm>> -> memref<100000x128xf32, #tpu.memory_space<hbm>>
    tpu.enqueue_indirect_dma source(%dma_start3A_69 : memref<100000x128xf32, #tpu.memory_space<hbm>>) target(%arg14 : memref<40x128xf32, #tpu.memory_space<vmem>>) offsets(%dma_start3A_66 : memref<40xi32, #tpu.memory_space<vmem>>) semaphore(%arg18 : memref<!tpu.dma_semaphore, #tpu.memory_space<semaphore_mem>>)
    %dma_start3A_70 = arith.constant 3 : i32
    %dma_start3A_71 = arith.constant 0 : i32
    %dma_start3A_72 = tpu.memref_slice %arg8[%dma_start3A_70, %dma_start3A_71] : memref<160x40xi32, #tpu.memory_space<vmem>> -> memref<1x40xi32, #tpu.memory_space<vmem>>
    %dma_start3A_73 = tpu.memref_squeeze %dma_start3A_72 : memref<1x40xi32, #tpu.memory_space<vmem>> -> memref<40xi32, #tpu.memory_space<vmem>>
    %dma_start3A_74 = arith.constant 0 : i32
    %dma_start3A_75 = arith.constant 0 : i32
    %dma_start3A_76 = tpu.memref_slice %arg3[%dma_start3A_74, %dma_start3A_75] : memref<100000x128xf32, #tpu.memory_space<hbm>> -> memref<100000x128xf32, #tpu.memory_space<hbm>>
    tpu.enqueue_indirect_dma source(%dma_start3A_76 : memref<100000x128xf32, #tpu.memory_space<hbm>>) target(%arg15 : memref<40x128xf32, #tpu.memory_space<vmem>>) offsets(%dma_start3A_73 : memref<40xi32, #tpu.memory_space<vmem>>) semaphore(%arg19 : memref<!tpu.dma_semaphore, #tpu.memory_space<semaphore_mem>>)
    %scan3A = arith.constant 0 : i32
    %scan3A_77 = arith.constant 0 : i32
    %scan3A_78 = arith.constant 40 : i32
    %scan3A_79 = arith.addi %scan3A_77, %scan3A_78 : i32
    %scan3A_80 = arith.constant 1 : i32
    scf.for %scan3A_113 = %scan3A_77 to %scan3A_79 step %scan3A_80  : i32 {
      %mul3A_114 = arith.constant 4 : i32
      %mul3A_115 = arith.muli %scan3A_113, %mul3A_114 : i32
      %add3A_116 = arith.constant 0 : i32
      %add3A_117 = arith.addi %mul3A_115, %add3A_116 : i32
      %dma_wait3A_118 = arith.constant 0 : i32
      %dma_wait3A_119 = tpu.memref_slice %arg8[%add3A_117, %dma_wait3A_118] : memref<160x40xi32, #tpu.memory_space<vmem>> -> memref<1x40xi32, #tpu.memory_space<vmem>>
      %dma_wait3A_120 = tpu.memref_squeeze %dma_wait3A_119 : memref<1x40xi32, #tpu.memory_space<vmem>> -> memref<40xi32, #tpu.memory_space<vmem>>
      %dma_wait3A_121 = arith.constant 0 : i32
      %dma_wait3A_122 = arith.constant 0 : i32
      %dma_wait3A_123 = tpu.memref_slice %arg3[%dma_wait3A_121, %dma_wait3A_122] : memref<100000x128xf32, #tpu.memory_space<hbm>> -> memref<100000x128xf32, #tpu.memory_space<hbm>>
      tpu.wait_indirect_dma semaphore(%arg16 : memref<!tpu.dma_semaphore, #tpu.memory_space<semaphore_mem>>) src(%dma_wait3A_123 : memref<100000x128xf32, #tpu.memory_space<hbm>>) dst(%arg12 : memref<40x128xf32, #tpu.memory_space<vmem>>)
      %rem3A = arith.constant 5 : i32
      %rem3A_124 = arith.remsi %add3A_117, %rem3A : i32
      %mul3A_125 = arith.constant 40 : i32
      %mul3A_126 = arith.muli %rem3A_124, %mul3A_125 : i32
      %parallel_loop3A = arith.constant 0 : i32
      %parallel_loop3A_127 = arith.constant 40 : i32
      %parallel_loop3A_128 = arith.constant 1 : i32
      scf.for %parallel_loop3A_241 = %parallel_loop3A to %parallel_loop3A_127 step %parallel_loop3A_128  : i32 {
        %parallel_loop3A_242 = arith.addi %mul3A_126, %parallel_loop3A_241 : i32
        %parallel_loop3A_243 = arith.index_cast %parallel_loop3A_241 : i32 to index
        %parallel_loop3A_244 = arith.constant 0 : index
        %parallel_loop3A_245 = tpu.vector_load %arg12[%parallel_loop3A_243, %parallel_loop3A_244] {strides = array<i32>} : memref<40x128xf32, #tpu.memory_space<vmem>>, vector<1x16xf32>,
        %parallel_loop3A_246 = vector.shape_cast %parallel_loop3A_245 : vector<1x16xf32> to vector<16xf32>
        %parallel_loop3A_247 = arith.index_cast %parallel_loop3A_242 : i32 to index
        %parallel_loop3A_248 = arith.constant 0 : index
        %parallel_loop3A_249 = tpu.vector_load %arg9[%parallel_loop3A_247, %parallel_loop3A_248] {strides = array<i32>} : memref<200x128xf32, #tpu.memory_space<vmem>>, vector<1x16xf32>,
        %parallel_loop3A_250 = vector.shape_cast %parallel_loop3A_249 : vector<1x16xf32> to vector<16xf32>
        %parallel_loop3A_251 = arith.addf %parallel_loop3A_246, %parallel_loop3A_250 : vector<16xf32>
        %parallel_loop3A_252 = arith.index_cast %parallel_loop3A_241 : i32 to index
        %parallel_loop3A_253 = arith.constant 16 : index
        %parallel_loop3A_254 = tpu.vector_load %arg12[%parallel_loop3A_252, %parallel_loop3A_253] {strides = array<i32>} : memref<40x128xf32, #tpu.memory_space<vmem>>, vector<1x16xf32>,
        %parallel_loop3A_255 = vector.shape_cast %parallel_loop3A_254 : vector<1x16xf32> to vector<16xf32>
        %parallel_loop3A_256 = arith.index_cast %parallel_loop3A_242 : i32 to index
        %parallel_loop3A_257 = arith.constant 16 : index
        %parallel_loop3A_258 = tpu.vector_load %arg9[%parallel_loop3A_256, %parallel_loop3A_257] {strides = array<i32>} : memref<200x128xf32, #tpu.memory_space<vmem>>, vector<1x16xf32>,
        %parallel_loop3A_259 = vector.shape_cast %parallel_loop3A_258 : vector<1x16xf32> to vector<16xf32>
        %parallel_loop3A_260 = arith.addf %parallel_loop3A_255, %parallel_loop3A_259 : vector<16xf32>
        %parallel_loop3A_261 = arith.index_cast %parallel_loop3A_241 : i32 to index
        %parallel_loop3A_262 = arith.constant 32 : index
        %parallel_loop3A_263 = tpu.vector_load %arg12[%parallel_loop3A_261, %parallel_loop3A_262] {strides = array<i32>} : memref<40x128xf32, #tpu.memory_space<vmem>>, vector<1x16xf32>,
        %parallel_loop3A_264 = vector.shape_cast %parallel_loop3A_263 : vector<1x16xf32> to vector<16xf32>
        %parallel_loop3A_265 = arith.index_cast %parallel_loop3A_242 : i32 to index
        %parallel_loop3A_266 = arith.constant 32 : index
        %parallel_loop3A_267 = tpu.vector_load %arg9[%parallel_loop3A_265, %parallel_loop3A_266] {strides = array<i32>} : memref<200x128xf32, #tpu.memory_space<vmem>>, vector<1x16xf32>,
        %parallel_loop3A_268 = vector.shape_cast %parallel_loop3A_267 : vector<1x16xf32> to vector<16xf32>
        %parallel_loop3A_269 = arith.addf %parallel_loop3A_264, %parallel_loop3A_268 : vector<16xf32>
        %parallel_loop3A_270 = arith.index_cast %parallel_loop3A_241 : i32 to index
        %parallel_loop3A_271 = arith.constant 48 : index
        %parallel_loop3A_272 = tpu.vector_load %arg12[%parallel_loop3A_270, %parallel_loop3A_271] {strides = array<i32>} : memref<40x128xf32, #tpu.memory_space<vmem>>, vector<1x16xf32>,
        %parallel_loop3A_273 = vector.shape_cast %parallel_loop3A_272 : vector<1x16xf32> to vector<16xf32>
        %parallel_loop3A_274 = arith.index_cast %parallel_loop3A_242 : i32 to index
        %parallel_loop3A_275 = arith.constant 48 : index
        %parallel_loop3A_276 = tpu.vector_load %arg9[%parallel_loop3A_274, %parallel_loop3A_275] {strides = array<i32>} : memref<200x128xf32, #tpu.memory_space<vmem>>, vector<1x16xf32>,
        %parallel_loop3A_277 = vector.shape_cast %parallel_loop3A_276 : vector<1x16xf32> to vector<16xf32>
        %parallel_loop3A_278 = arith.addf %parallel_loop3A_273, %parallel_loop3A_277 : vector<16xf32>
        %parallel_loop3A_279 = arith.index_cast %parallel_loop3A_241 : i32 to index
        %parallel_loop3A_280 = arith.constant 64 : index
        %parallel_loop3A_281 = tpu.vector_load %arg12[%parallel_loop3A_279, %parallel_loop3A_280] {strides = array<i32>} : memref<40x128xf32, #tpu.memory_space<vmem>>, vector<1x16xf32>,
        %parallel_loop3A_282 = vector.shape_cast %parallel_loop3A_281 : vector<1x16xf32> to vector<16xf32>
        %parallel_loop3A_283 = arith.index_cast %parallel_loop3A_242 : i32 to index
        %parallel_loop3A_284 = arith.constant 64 : index
        %parallel_loop3A_285 = tpu.vector_load %arg9[%parallel_loop3A_283, %parallel_loop3A_284] {strides = array<i32>} : memref<200x128xf32, #tpu.memory_space<vmem>>, vector<1x16xf32>,
        %parallel_loop3A_286 = vector.shape_cast %parallel_loop3A_285 : vector<1x16xf32> to vector<16xf32>
        %parallel_loop3A_287 = arith.addf %parallel_loop3A_282, %parallel_loop3A_286 : vector<16xf32>
        %parallel_loop3A_288 = arith.index_cast %parallel_loop3A_241 : i32 to index
        %parallel_loop3A_289 = arith.constant 80 : index
        %parallel_loop3A_290 = tpu.vector_load %arg12[%parallel_loop3A_288, %parallel_loop3A_289] {strides = array<i32>} : memref<40x128xf32, #tpu.memory_space<vmem>>, vector<1x16xf32>,
        %parallel_loop3A_291 = vector.shape_cast %parallel_loop3A_290 : vector<1x16xf32> to vector<16xf32>
        %parallel_loop3A_292 = arith.index_cast %parallel_loop3A_242 : i32 to index
        %parallel_loop3A_293 = arith.constant 80 : index
        %parallel_loop3A_294 = tpu.vector_load %arg9[%parallel_loop3A_292, %parallel_loop3A_293] {strides = array<i32>} : memref<200x128xf32, #tpu.memory_space<vmem>>, vector<1x16xf32>,
        %parallel_loop3A_295 = vector.shape_cast %parallel_loop3A_294 : vector<1x16xf32> to vector<16xf32>
        %parallel_loop3A_296 = arith.addf %parallel_loop3A_291, %parallel_loop3A_295 : vector<16xf32>
        %parallel_loop3A_297 = arith.index_cast %parallel_loop3A_241 : i32 to index
        %parallel_loop3A_298 = arith.constant 96 : index
        %parallel_loop3A_299 = tpu.vector_load %arg12[%parallel_loop3A_297, %parallel_loop3A_298] {strides = array<i32>} : memref<40x128xf32, #tpu.memory_space<vmem>>, vector<1x16xf32>,
        %parallel_loop3A_300 = vector.shape_cast %parallel_loop3A_299 : vector<1x16xf32> to vector<16xf32>
        %parallel_loop3A_301 = arith.index_cast %parallel_loop3A_242 : i32 to index
        %parallel_loop3A_302 = arith.constant 96 : index
        %parallel_loop3A_303 = tpu.vector_load %arg9[%parallel_loop3A_301, %parallel_loop3A_302] {strides = array<i32>} : memref<200x128xf32, #tpu.memory_space<vmem>>, vector<1x16xf32>,
        %parallel_loop3A_304 = vector.shape_cast %parallel_loop3A_303 : vector<1x16xf32> to vector<16xf32>
        %parallel_loop3A_305 = arith.addf %parallel_loop3A_300, %parallel_loop3A_304 : vector<16xf32>
        %parallel_loop3A_306 = arith.index_cast %parallel_loop3A_241 : i32 to index
        %parallel_loop3A_307 = arith.constant 112 : index
        %parallel_loop3A_308 = tpu.vector_load %arg12[%parallel_loop3A_306, %parallel_loop3A_307] {strides = array<i32>} : memref<40x128xf32, #tpu.memory_space<vmem>>, vector<1x16xf32>,
        %parallel_loop3A_309 = vector.shape_cast %parallel_loop3A_308 : vector<1x16xf32> to vector<16xf32>
        %parallel_loop3A_310 = arith.index_cast %parallel_loop3A_242 : i32 to index
        %parallel_loop3A_311 = arith.constant 112 : index
        %parallel_loop3A_312 = tpu.vector_load %arg9[%parallel_loop3A_310, %parallel_loop3A_311] {strides = array<i32>} : memref<200x128xf32, #tpu.memory_space<vmem>>, vector<1x16xf32>,
        %parallel_loop3A_313 = vector.shape_cast %parallel_loop3A_312 : vector<1x16xf32> to vector<16xf32>
        %parallel_loop3A_314 = arith.addf %parallel_loop3A_309, %parallel_loop3A_313 : vector<16xf32>
        %parallel_loop3A_315 = arith.mulf %parallel_loop3A_251, %parallel_loop3A_251 : vector<16xf32>
        %parallel_loop3A_316 = arith.addf %parallel_loop3A_251, %parallel_loop3A_260 : vector<16xf32>
        %parallel_loop3A_317 = arith.mulf %parallel_loop3A_260, %parallel_loop3A_260 : vector<16xf32>
        %parallel_loop3A_318 = arith.addf %parallel_loop3A_315, %parallel_loop3A_317 : vector<16xf32>
        %parallel_loop3A_319 = arith.addf %parallel_loop3A_316, %parallel_loop3A_269 : vector<16xf32>
        %parallel_loop3A_320 = arith.mulf %parallel_loop3A_269, %parallel_loop3A_269 : vector<16xf32>
        %parallel_loop3A_321 = arith.addf %parallel_loop3A_318, %parallel_loop3A_320 : vector<16xf32>
        %parallel_loop3A_322 = arith.addf %parallel_loop3A_319, %parallel_loop3A_278 : vector<16xf32>
        %parallel_loop3A_323 = arith.mulf %parallel_loop3A_278, %parallel_loop3A_278 : vector<16xf32>
        %parallel_loop3A_324 = arith.addf %parallel_loop3A_321, %parallel_loop3A_323 : vector<16xf32>
        %parallel_loop3A_325 = arith.addf %parallel_loop3A_322, %parallel_loop3A_287 : vector<16xf32>
        %parallel_loop3A_326 = arith.mulf %parallel_loop3A_287, %parallel_loop3A_287 : vector<16xf32>
        %parallel_loop3A_327 = arith.addf %parallel_loop3A_324, %parallel_loop3A_326 : vector<16xf32>
        %parallel_loop3A_328 = arith.addf %parallel_loop3A_325, %parallel_loop3A_296 : vector<16xf32>
        %parallel_loop3A_329 = arith.mulf %parallel_loop3A_296, %parallel_loop3A_296 : vector<16xf32>
        %parallel_loop3A_330 = arith.addf %parallel_loop3A_327, %parallel_loop3A_329 : vector<16xf32>
        %parallel_loop3A_331 = arith.addf %parallel_loop3A_328, %parallel_loop3A_305 : vector<16xf32>
        %parallel_loop3A_332 = arith.mulf %parallel_loop3A_305, %parallel_loop3A_305 : vector<16xf32>
        %parallel_loop3A_333 = arith.addf %parallel_loop3A_330, %parallel_loop3A_332 : vector<16xf32>
        %parallel_loop3A_334 = arith.addf %parallel_loop3A_331, %parallel_loop3A_314 : vector<16xf32>
        %parallel_loop3A_335 = arith.mulf %parallel_loop3A_314, %parallel_loop3A_314 : vector<16xf32>
        %parallel_loop3A_336 = arith.addf %parallel_loop3A_333, %parallel_loop3A_335 : vector<16xf32>
        %parallel_loop3A_337 = tpu.iota {dimensions = array<i32: 0>} : vector<16xi32>
        %parallel_loop3A_338 = arith.constant 1 : i32
        %parallel_loop3A_339 = vector.broadcast %parallel_loop3A_338 : i32 to vector<16xi32>
        %parallel_loop3A_340 = arith.addi %parallel_loop3A_337, %parallel_loop3A_339 : vector<16xi32>
        %parallel_loop3A_341 = arith.constant 15 : i32
        %parallel_loop3A_342 = vector.broadcast %parallel_loop3A_341 : i32 to vector<16xi32>
        %parallel_loop3A_343 = arith.andi %parallel_loop3A_340, %parallel_loop3A_342 : vector<16xi32>
        %parallel_loop3A_344 = vector.shape_cast %parallel_loop3A_343 : vector<16xi32> to vector<16x1xi32>
        %parallel_loop3A_345 = vector.shape_cast %parallel_loop3A_344 : vector<16x1xi32> to vector<16xi32>
        %parallel_loop3A_346 = tpu.dynamic_gather %parallel_loop3A_334[%parallel_loop3A_345] in [0] : vector<16xf32>, vector<16xi32> -> vector<16xf32>
        %parallel_loop3A_347 = arith.addf %parallel_loop3A_334, %parallel_loop3A_346 : vector<16xf32>
        %parallel_loop3A_348 = arith.constant 2 : i32
        %parallel_loop3A_349 = vector.broadcast %parallel_loop3A_348 : i32 to vector<16xi32>
        %parallel_loop3A_350 = arith.addi %parallel_loop3A_337, %parallel_loop3A_349 : vector<16xi32>
        %parallel_loop3A_351 = arith.constant 15 : i32
        %parallel_loop3A_352 = vector.broadcast %parallel_loop3A_351 : i32 to vector<16xi32>
        %parallel_loop3A_353 = arith.andi %parallel_loop3A_350, %parallel_loop3A_352 : vector<16xi32>
        %parallel_loop3A_354 = vector.shape_cast %parallel_loop3A_353 : vector<16xi32> to vector<16x1xi32>
        %parallel_loop3A_355 = vector.shape_cast %parallel_loop3A_354 : vector<16x1xi32> to vector<16xi32>
        %parallel_loop3A_356 = tpu.dynamic_gather %parallel_loop3A_347[%parallel_loop3A_355] in [0] : vector<16xf32>, vector<16xi32> -> vector<16xf32>
        %parallel_loop3A_357 = arith.addf %parallel_loop3A_347, %parallel_loop3A_356 : vector<16xf32>
        %parallel_loop3A_358 = arith.constant 4 : i32
        %parallel_loop3A_359 = vector.broadcast %parallel_loop3A_358 : i32 to vector<16xi32>
        %parallel_loop3A_360 = arith.addi %parallel_loop3A_337, %parallel_loop3A_359 : vector<16xi32>
        %parallel_loop3A_361 = arith.constant 15 : i32
        %parallel_loop3A_362 = vector.broadcast %parallel_loop3A_361 : i32 to vector<16xi32>
        %parallel_loop3A_363 = arith.andi %parallel_loop3A_360, %parallel_loop3A_362 : vector<16xi32>
        %parallel_loop3A_364 = vector.shape_cast %parallel_loop3A_363 : vector<16xi32> to vector<16x1xi32>
        %parallel_loop3A_365 = vector.shape_cast %parallel_loop3A_364 : vector<16x1xi32> to vector<16xi32>
        %parallel_loop3A_366 = tpu.dynamic_gather %parallel_loop3A_357[%parallel_loop3A_365] in [0] : vector<16xf32>, vector<16xi32> -> vector<16xf32>
        %parallel_loop3A_367 = arith.addf %parallel_loop3A_357, %parallel_loop3A_366 : vector<16xf32>
        %parallel_loop3A_368 = arith.constant 8 : i32
        %parallel_loop3A_369 = vector.broadcast %parallel_loop3A_368 : i32 to vector<16xi32>
        %parallel_loop3A_370 = arith.addi %parallel_loop3A_337, %parallel_loop3A_369 : vector<16xi32>
        %parallel_loop3A_371 = arith.constant 15 : i32
        %parallel_loop3A_372 = vector.broadcast %parallel_loop3A_371 : i32 to vector<16xi32>
        %parallel_loop3A_373 = arith.andi %parallel_loop3A_370, %parallel_loop3A_372 : vector<16xi32>
        %parallel_loop3A_374 = vector.shape_cast %parallel_loop3A_373 : vector<16xi32> to vector<16x1xi32>
        %parallel_loop3A_375 = vector.shape_cast %parallel_loop3A_374 : vector<16x1xi32> to vector<16xi32>
        %parallel_loop3A_376 = tpu.dynamic_gather %parallel_loop3A_367[%parallel_loop3A_375] in [0] : vector<16xf32>, vector<16xi32> -> vector<16xf32>
        %parallel_loop3A_377 = arith.addf %parallel_loop3A_367, %parallel_loop3A_376 : vector<16xf32>
        %parallel_loop3A_378 = tpu.iota {dimensions = array<i32: 0>} : vector<16xi32>
        %parallel_loop3A_379 = arith.constant 1 : i32
        %parallel_loop3A_380 = vector.broadcast %parallel_loop3A_379 : i32 to vector<16xi32>
        %parallel_loop3A_381 = arith.addi %parallel_loop3A_378, %parallel_loop3A_380 : vector<16xi32>
        %parallel_loop3A_382 = arith.constant 15 : i32
        %parallel_loop3A_383 = vector.broadcast %parallel_loop3A_382 : i32 to vector<16xi32>
        %parallel_loop3A_384 = arith.andi %parallel_loop3A_381, %parallel_loop3A_383 : vector<16xi32>
        %parallel_loop3A_385 = vector.shape_cast %parallel_loop3A_384 : vector<16xi32> to vector<16x1xi32>
        %parallel_loop3A_386 = vector.shape_cast %parallel_loop3A_385 : vector<16x1xi32> to vector<16xi32>
        %parallel_loop3A_387 = tpu.dynamic_gather %parallel_loop3A_336[%parallel_loop3A_386] in [0] : vector<16xf32>, vector<16xi32> -> vector<16xf32>
        %parallel_loop3A_388 = arith.addf %parallel_loop3A_336, %parallel_loop3A_387 : vector<16xf32>
        %parallel_loop3A_389 = arith.constant 2 : i32
        %parallel_loop3A_390 = vector.broadcast %parallel_loop3A_389 : i32 to vector<16xi32>
        %parallel_loop3A_391 = arith.addi %parallel_loop3A_378, %parallel_loop3A_390 : vector<16xi32>
        %parallel_loop3A_392 = arith.constant 15 : i32
        %parallel_loop3A_393 = vector.broadcast %parallel_loop3A_392 : i32 to vector<16xi32>
        %parallel_loop3A_394 = arith.andi %parallel_loop3A_391, %parallel_loop3A_393 : vector<16xi32>
        %parallel_loop3A_395 = vector.shape_cast %parallel_loop3A_394 : vector<16xi32> to vector<16x1xi32>
        %parallel_loop3A_396 = vector.shape_cast %parallel_loop3A_395 : vector<16x1xi32> to vector<16xi32>
        %parallel_loop3A_397 = tpu.dynamic_gather %parallel_loop3A_388[%parallel_loop3A_396] in [0] : vector<16xf32>, vector<16xi32> -> vector<16xf32>
        %parallel_loop3A_398 = arith.addf %parallel_loop3A_388, %parallel_loop3A_397 : vector<16xf32>
        %parallel_loop3A_399 = arith.constant 4 : i32
        %parallel_loop3A_400 = vector.broadcast %parallel_loop3A_399 : i32 to vector<16xi32>
        %parallel_loop3A_401 = arith.addi %parallel_loop3A_378, %parallel_loop3A_400 : vector<16xi32>
        %parallel_loop3A_402 = arith.constant 15 : i32
        %parallel_loop3A_403 = vector.broadcast %parallel_loop3A_402 : i32 to vector<16xi32>
        %parallel_loop3A_404 = arith.andi %parallel_loop3A_401, %parallel_loop3A_403 : vector<16xi32>
        %parallel_loop3A_405 = vector.shape_cast %parallel_loop3A_404 : vector<16xi32> to vector<16x1xi32>
        %parallel_loop3A_406 = vector.shape_cast %parallel_loop3A_405 : vector<16x1xi32> to vector<16xi32>
        %parallel_loop3A_407 = tpu.dynamic_gather %parallel_loop3A_398[%parallel_loop3A_406] in [0] : vector<16xf32>, vector<16xi32> -> vector<16xf32>
        %parallel_loop3A_408 = arith.addf %parallel_loop3A_398, %parallel_loop3A_407 : vector<16xf32>
        %parallel_loop3A_409 = arith.constant 8 : i32
        %parallel_loop3A_410 = vector.broadcast %parallel_loop3A_409 : i32 to vector<16xi32>
        %parallel_loop3A_411 = arith.addi %parallel_loop3A_378, %parallel_loop3A_410 : vector<16xi32>
        %parallel_loop3A_412 = arith.constant 15 : i32
        %parallel_loop3A_413 = vector.broadcast %parallel_loop3A_412 : i32 to vector<16xi32>
        %parallel_loop3A_414 = arith.andi %parallel_loop3A_411, %parallel_loop3A_413 : vector<16xi32>
        %parallel_loop3A_415 = vector.shape_cast %parallel_loop3A_414 : vector<16xi32> to vector<16x1xi32>
        %parallel_loop3A_416 = vector.shape_cast %parallel_loop3A_415 : vector<16x1xi32> to vector<16xi32>
        %parallel_loop3A_417 = tpu.dynamic_gather %parallel_loop3A_408[%parallel_loop3A_416] in [0] : vector<16xf32>, vector<16xi32> -> vector<16xf32>
        %parallel_loop3A_418 = arith.addf %parallel_loop3A_408, %parallel_loop3A_417 : vector<16xf32>
        %parallel_loop3A_419 = arith.constant 7.812500e-03 : f32
        %parallel_loop3A_420 = vector.broadcast %parallel_loop3A_419 : f32 to vector<16xf32>
        %parallel_loop3A_421 = arith.mulf %parallel_loop3A_377, %parallel_loop3A_420 : vector<16xf32>
        %parallel_loop3A_422 = arith.constant 7.812500e-03 : f32
        %parallel_loop3A_423 = vector.broadcast %parallel_loop3A_422 : f32 to vector<16xf32>
        %parallel_loop3A_424 = arith.mulf %parallel_loop3A_418, %parallel_loop3A_423 : vector<16xf32>
        %parallel_loop3A_425 = arith.mulf %parallel_loop3A_421, %parallel_loop3A_421 : vector<16xf32>
        %parallel_loop3A_426 = arith.subf %parallel_loop3A_424, %parallel_loop3A_425 : vector<16xf32>
        %parallel_loop3A_427 = arith.constant 9.99999996E-13 : f32
        %parallel_loop3A_428 = vector.broadcast %parallel_loop3A_427 : f32 to vector<16xf32>
        %parallel_loop3A_429 = arith.addf %parallel_loop3A_426, %parallel_loop3A_428 : vector<16xf32>
        %parallel_loop3A_430 = tpu.bitcast %parallel_loop3A_429 : vector<16xf32> -> vector<16xi32>
        %parallel_loop3A_431 = arith.constant 1 : i32
        %parallel_loop3A_432 = vector.broadcast %parallel_loop3A_431 : i32 to vector<16xi32>
        %parallel_loop3A_433 = arith.shrui %parallel_loop3A_430, %parallel_loop3A_432 : vector<16xi32>
        %parallel_loop3A_434 = arith.constant 1597463007 : i32
        %parallel_loop3A_435 = vector.broadcast %parallel_loop3A_434 : i32 to vector<16xi32>
        %parallel_loop3A_436 = arith.subi %parallel_loop3A_435, %parallel_loop3A_433 : vector<16xi32>
        %parallel_loop3A_437 = tpu.bitcast %parallel_loop3A_436 : vector<16xi32> -> vector<16xf32>
        %parallel_loop3A_438 = arith.constant 5.000000e-01 : f32
        %parallel_loop3A_439 = vector.broadcast %parallel_loop3A_438 : f32 to vector<16xf32>
        %parallel_loop3A_440 = arith.mulf %parallel_loop3A_429, %parallel_loop3A_439 : vector<16xf32>
        %parallel_loop3A_441 = arith.mulf %parallel_loop3A_440, %parallel_loop3A_437 : vector<16xf32>
        %parallel_loop3A_442 = arith.mulf %parallel_loop3A_441, %parallel_loop3A_437 : vector<16xf32>
        %parallel_loop3A_443 = arith.constant 1.500000e+00 : f32
        %parallel_loop3A_444 = vector.broadcast %parallel_loop3A_443 : f32 to vector<16xf32>
        %parallel_loop3A_445 = arith.subf %parallel_loop3A_444, %parallel_loop3A_442 : vector<16xf32>
        %parallel_loop3A_446 = arith.mulf %parallel_loop3A_437, %parallel_loop3A_445 : vector<16xf32>
        %parallel_loop3A_447 = arith.mulf %parallel_loop3A_440, %parallel_loop3A_446 : vector<16xf32>
        %parallel_loop3A_448 = arith.mulf %parallel_loop3A_447, %parallel_loop3A_446 : vector<16xf32>
        %parallel_loop3A_449 = arith.constant 1.500000e+00 : f32
        %parallel_loop3A_450 = vector.broadcast %parallel_loop3A_449 : f32 to vector<16xf32>
        %parallel_loop3A_451 = arith.subf %parallel_loop3A_450, %parallel_loop3A_448 : vector<16xf32>
        %parallel_loop3A_452 = arith.mulf %parallel_loop3A_446, %parallel_loop3A_451 : vector<16xf32>
        %parallel_loop3A_453 = arith.subf %parallel_loop3A_251, %parallel_loop3A_421 : vector<16xf32>
        %parallel_loop3A_454 = arith.mulf %parallel_loop3A_453, %parallel_loop3A_452 : vector<16xf32>
        %parallel_loop3A_455 = arith.mulf %parallel_loop3A_454, %get3A_4 : vector<16xf32>
        %parallel_loop3A_456 = arith.addf %parallel_loop3A_455, %get3A_28 : vector<16xf32>
        %parallel_loop3A_457 = arith.index_cast %parallel_loop3A_241 : i32 to index
        %parallel_loop3A_458 = arith.constant 0 : index
        %parallel_loop3A_459 = tpu.vector_load %arg12[%parallel_loop3A_457, %parallel_loop3A_458] {strides = array<i32>} : memref<40x128xf32, #tpu.memory_space<vmem>>, vector<1x16xf32>,
        %parallel_loop3A_460 = vector.shape_cast %parallel_loop3A_459 : vector<1x16xf32> to vector<16xf32>
        %parallel_loop3A_461 = vector.shape_cast %parallel_loop3A_456 : vector<16xf32> to vector<1x16xf32>
        tpu.vector_store %arg12[%parallel_loop3A_457, %parallel_loop3A_458], %parallel_loop3A_461 {strides = array<i32>} : memref<40x128xf32, #tpu.memory_space<vmem>>, vector<1x16xf32>,
        %parallel_loop3A_462 = arith.subf %parallel_loop3A_260, %parallel_loop3A_421 : vector<16xf32>
        %parallel_loop3A_463 = arith.mulf %parallel_loop3A_462, %parallel_loop3A_452 : vector<16xf32>
        %parallel_loop3A_464 = arith.mulf %parallel_loop3A_463, %get3A_7 : vector<16xf32>
        %parallel_loop3A_465 = arith.addf %parallel_loop3A_464, %get3A_31 : vector<16xf32>
        %parallel_loop3A_466 = arith.index_cast %parallel_loop3A_241 : i32 to index
        %parallel_loop3A_467 = arith.constant 16 : index
        %parallel_loop3A_468 = tpu.vector_load %arg12[%parallel_loop3A_466, %parallel_loop3A_467] {strides = array<i32>} : memref<40x128xf32, #tpu.memory_space<vmem>>, vector<1x16xf32>,
        %parallel_loop3A_469 = vector.shape_cast %parallel_loop3A_468 : vector<1x16xf32> to vector<16xf32>
        %parallel_loop3A_470 = vector.shape_cast %parallel_loop3A_465 : vector<16xf32> to vector<1x16xf32>
        tpu.vector_store %arg12[%parallel_loop3A_466, %parallel_loop3A_467], %parallel_loop3A_470 {strides = array<i32>} : memref<40x128xf32, #tpu.memory_space<vmem>>, vector<1x16xf32>,
        %parallel_loop3A_471 = arith.subf %parallel_loop3A_269, %parallel_loop3A_421 : vector<16xf32>
        %parallel_loop3A_472 = arith.mulf %parallel_loop3A_471, %parallel_loop3A_452 : vector<16xf32>
        %parallel_loop3A_473 = arith.mulf %parallel_loop3A_472, %get3A_10 : vector<16xf32>
        %parallel_loop3A_474 = arith.addf %parallel_loop3A_473, %get3A_34 : vector<16xf32>
        %parallel_loop3A_475 = arith.index_cast %parallel_loop3A_241 : i32 to index
        %parallel_loop3A_476 = arith.constant 32 : index
        %parallel_loop3A_477 = tpu.vector_load %arg12[%parallel_loop3A_475, %parallel_loop3A_476] {strides = array<i32>} : memref<40x128xf32, #tpu.memory_space<vmem>>, vector<1x16xf32>,
        %parallel_loop3A_478 = vector.shape_cast %parallel_loop3A_477 : vector<1x16xf32> to vector<16xf32>
        %parallel_loop3A_479 = vector.shape_cast %parallel_loop3A_474 : vector<16xf32> to vector<1x16xf32>
        tpu.vector_store %arg12[%parallel_loop3A_475, %parallel_loop3A_476], %parallel_loop3A_479 {strides = array<i32>} : memref<40x128xf32, #tpu.memory_space<vmem>>, vector<1x16xf32>,
        %parallel_loop3A_480 = arith.subf %parallel_loop3A_278, %parallel_loop3A_421 : vector<16xf32>
        %parallel_loop3A_481 = arith.mulf %parallel_loop3A_480, %parallel_loop3A_452 : vector<16xf32>
        %parallel_loop3A_482 = arith.mulf %parallel_loop3A_481, %get3A_13 : vector<16xf32>
        %parallel_loop3A_483 = arith.addf %parallel_loop3A_482, %get3A_37 : vector<16xf32>
        %parallel_loop3A_484 = arith.index_cast %parallel_loop3A_241 : i32 to index
        %parallel_loop3A_485 = arith.constant 48 : index
        %parallel_loop3A_486 = tpu.vector_load %arg12[%parallel_loop3A_484, %parallel_loop3A_485] {strides = array<i32>} : memref<40x128xf32, #tpu.memory_space<vmem>>, vector<1x16xf32>,
        %parallel_loop3A_487 = vector.shape_cast %parallel_loop3A_486 : vector<1x16xf32> to vector<16xf32>
        %parallel_loop3A_488 = vector.shape_cast %parallel_loop3A_483 : vector<16xf32> to vector<1x16xf32>
        tpu.vector_store %arg12[%parallel_loop3A_484, %parallel_loop3A_485], %parallel_loop3A_488 {strides = array<i32>} : memref<40x128xf32, #tpu.memory_space<vmem>>, vector<1x16xf32>,
        %parallel_loop3A_489 = arith.subf %parallel_loop3A_287, %parallel_loop3A_421 : vector<16xf32>
        %parallel_loop3A_490 = arith.mulf %parallel_loop3A_489, %parallel_loop3A_452 : vector<16xf32>
        %parallel_loop3A_491 = arith.mulf %parallel_loop3A_490, %get3A_16 : vector<16xf32>
        %parallel_loop3A_492 = arith.addf %parallel_loop3A_491, %get3A_40 : vector<16xf32>
        %parallel_loop3A_493 = arith.index_cast %parallel_loop3A_241 : i32 to index
        %parallel_loop3A_494 = arith.constant 64 : index
        %parallel_loop3A_495 = tpu.vector_load %arg12[%parallel_loop3A_493, %parallel_loop3A_494] {strides = array<i32>} : memref<40x128xf32, #tpu.memory_space<vmem>>, vector<1x16xf32>,
        %parallel_loop3A_496 = vector.shape_cast %parallel_loop3A_495 : vector<1x16xf32> to vector<16xf32>
        %parallel_loop3A_497 = vector.shape_cast %parallel_loop3A_492 : vector<16xf32> to vector<1x16xf32>
        tpu.vector_store %arg12[%parallel_loop3A_493, %parallel_loop3A_494], %parallel_loop3A_497 {strides = array<i32>} : memref<40x128xf32, #tpu.memory_space<vmem>>, vector<1x16xf32>,
        %parallel_loop3A_498 = arith.subf %parallel_loop3A_296, %parallel_loop3A_421 : vector<16xf32>
        %parallel_loop3A_499 = arith.mulf %parallel_loop3A_498, %parallel_loop3A_452 : vector<16xf32>
        %parallel_loop3A_500 = arith.mulf %parallel_loop3A_499, %get3A_19 : vector<16xf32>
        %parallel_loop3A_501 = arith.addf %parallel_loop3A_500, %get3A_43 : vector<16xf32>
        %parallel_loop3A_502 = arith.index_cast %parallel_loop3A_241 : i32 to index
        %parallel_loop3A_503 = arith.constant 80 : index
        %parallel_loop3A_504 = tpu.vector_load %arg12[%parallel_loop3A_502, %parallel_loop3A_503] {strides = array<i32>} : memref<40x128xf32, #tpu.memory_space<vmem>>, vector<1x16xf32>,
        %parallel_loop3A_505 = vector.shape_cast %parallel_loop3A_504 : vector<1x16xf32> to vector<16xf32>
        %parallel_loop3A_506 = vector.shape_cast %parallel_loop3A_501 : vector<16xf32> to vector<1x16xf32>
        tpu.vector_store %arg12[%parallel_loop3A_502, %parallel_loop3A_503], %parallel_loop3A_506 {strides = array<i32>} : memref<40x128xf32, #tpu.memory_space<vmem>>, vector<1x16xf32>,
        %parallel_loop3A_507 = arith.subf %parallel_loop3A_305, %parallel_loop3A_421 : vector<16xf32>
        %parallel_loop3A_508 = arith.mulf %parallel_loop3A_507, %parallel_loop3A_452 : vector<16xf32>
        %parallel_loop3A_509 = arith.mulf %parallel_loop3A_508, %get3A_22 : vector<16xf32>
        %parallel_loop3A_510 = arith.addf %parallel_loop3A_509, %get3A_46 : vector<16xf32>
        %parallel_loop3A_511 = arith.index_cast %parallel_loop3A_241 : i32 to index
        %parallel_loop3A_512 = arith.constant 96 : index
        %parallel_loop3A_513 = tpu.vector_load %arg12[%parallel_loop3A_511, %parallel_loop3A_512] {strides = array<i32>} : memref<40x128xf32, #tpu.memory_space<vmem>>, vector<1x16xf32>,
        %parallel_loop3A_514 = vector.shape_cast %parallel_loop3A_513 : vector<1x16xf32> to vector<16xf32>
        %parallel_loop3A_515 = vector.shape_cast %parallel_loop3A_510 : vector<16xf32> to vector<1x16xf32>
        tpu.vector_store %arg12[%parallel_loop3A_511, %parallel_loop3A_512], %parallel_loop3A_515 {strides = array<i32>} : memref<40x128xf32, #tpu.memory_space<vmem>>, vector<1x16xf32>,
        %parallel_loop3A_516 = arith.subf %parallel_loop3A_314, %parallel_loop3A_421 : vector<16xf32>
        %parallel_loop3A_517 = arith.mulf %parallel_loop3A_516, %parallel_loop3A_452 : vector<16xf32>
        %parallel_loop3A_518 = arith.mulf %parallel_loop3A_517, %get3A_25 : vector<16xf32>
        %parallel_loop3A_519 = arith.addf %parallel_loop3A_518, %get3A_49 : vector<16xf32>
        %parallel_loop3A_520 = arith.index_cast %parallel_loop3A_241 : i32 to index
        %parallel_loop3A_521 = arith.constant 112 : index
        %parallel_loop3A_522 = tpu.vector_load %arg12[%parallel_loop3A_520, %parallel_loop3A_521] {strides = array<i32>} : memref<40x128xf32, #tpu.memory_space<vmem>>, vector<1x16xf32>,
        %parallel_loop3A_523 = vector.shape_cast %parallel_loop3A_522 : vector<1x16xf32> to vector<16xf32>
        %parallel_loop3A_524 = vector.shape_cast %parallel_loop3A_519 : vector<16xf32> to vector<1x16xf32>
        tpu.vector_store %arg12[%parallel_loop3A_520, %parallel_loop3A_521], %parallel_loop3A_524 {strides = array<i32>} : memref<40x128xf32, #tpu.memory_space<vmem>>, vector<1x16xf32>,
      } {sc.loop_unroll_factor = 2 : i64, sc.parallel_access}
      %add3A_129 = arith.addi %mul3A_2, %add3A_117 : i32
      %mul3A_130 = arith.constant 40 : i32
      %mul3A_131 = arith.muli %add3A_129, %mul3A_130 : i32
      %dma_start3A_132 = arith.constant 0 : i32
      %dma_start3A_133 = tpu.memref_slice %arg7[%mul3A_131, %dma_start3A_132] : memref<204800x128xf32, #tpu.memory_space<hbm>> -> memref<40x128xf32, #tpu.memory_space<hbm>>
      %dma_start3A_134 = arith.constant 0 : i32
      %dma_start3A_135 = tpu.memref_slice %arg7[%mul3A_131, %dma_start3A_134] : memref<204800x128xf32, #tpu.memory_space<hbm>> -> memref<40x128xf32, #tpu.memory_space<hbm>>
      tpu.enqueue_dma source(%arg12 : memref<40x128xf32, #tpu.memory_space<vmem>>) target(%dma_start3A_135 : memref<40x128xf32, #tpu.memory_space<hbm>>) target_semaphore(%arg20 : memref<!tpu.dma_semaphore, #tpu.memory_space<semaphore_mem>>)
      %mul3A_136 = arith.constant 4 : i32
      %mul3A_137 = arith.muli %scan3A_113, %mul3A_136 : i32
      %add3A_138 = arith.constant 1 : i32
      %add3A_139 = arith.addi %mul3A_137, %add3A_138 : i32
      %dma_wait3A_140 = arith.constant 0 : i32
      %dma_wait3A_141 = tpu.memref_slice %arg8[%add3A_139, %dma_wait3A_140] : memref<160x40xi32, #tpu.memory_space<vmem>> -> memref<1x40xi32, #tpu.memory_space<vmem>>
      %dma_wait3A_142 = tpu.memref_squeeze %dma_wait3A_141 : memref<1x40xi32, #tpu.memory_space<vmem>> -> memref<40xi32, #tpu.memory_space<vmem>>
      %dma_wait3A_143 = arith.constant 0 : i32
      %dma_wait3A_144 = arith.constant 0 : i32
      %dma_wait3A_145 = tpu.memref_slice %arg3[%dma_wait3A_143, %dma_wait3A_144] : memref<100000x128xf32, #tpu.memory_space<hbm>> -> memref<100000x128xf32, #tpu.memory_space<hbm>>
      tpu.wait_indirect_dma semaphore(%arg17 : memref<!tpu.dma_semaphore, #tpu.memory_space<semaphore_mem>>) src(%dma_wait3A_145 : memref<100000x128xf32, #tpu.memory_space<hbm>>) dst(%arg13 : memref<40x128xf32, #tpu.memory_space<vmem>>)
      %rem3A_146 = arith.constant 5 : i32
      %rem3A_147 = arith.remsi %add3A_139, %rem3A_146 : i32
      %mul3A_148 = arith.constant 40 : i32
      %mul3A_149 = arith.muli %rem3A_147, %mul3A_148 : i32
      %parallel_loop3A_150 = arith.constant 0 : i32
      %parallel_loop3A_151 = arith.constant 40 : i32
      %parallel_loop3A_152 = arith.constant 1 : i32
      scf.for %parallel_loop3A_241 = %parallel_loop3A_150 to %parallel_loop3A_151 step %parallel_loop3A_152  : i32 {
        %parallel_loop3A_242 = arith.addi %mul3A_149, %parallel_loop3A_241 : i32
        %parallel_loop3A_243 = arith.index_cast %parallel_loop3A_241 : i32 to index
        %parallel_loop3A_244 = arith.constant 0 : index
        %parallel_loop3A_245 = tpu.vector_load %arg13[%parallel_loop3A_243, %parallel_loop3A_244] {strides = array<i32>} : memref<40x128xf32, #tpu.memory_space<vmem>>, vector<1x16xf32>,
        %parallel_loop3A_246 = vector.shape_cast %parallel_loop3A_245 : vector<1x16xf32> to vector<16xf32>
        %parallel_loop3A_247 = arith.index_cast %parallel_loop3A_242 : i32 to index
        %parallel_loop3A_248 = arith.constant 0 : index
        %parallel_loop3A_249 = tpu.vector_load %arg9[%parallel_loop3A_247, %parallel_loop3A_248] {strides = array<i32>} : memref<200x128xf32, #tpu.memory_space<vmem>>, vector<1x16xf32>,
        %parallel_loop3A_250 = vector.shape_cast %parallel_loop3A_249 : vector<1x16xf32> to vector<16xf32>
        %parallel_loop3A_251 = arith.addf %parallel_loop3A_246, %parallel_loop3A_250 : vector<16xf32>
        %parallel_loop3A_252 = arith.index_cast %parallel_loop3A_241 : i32 to index
        %parallel_loop3A_253 = arith.constant 16 : index
        %parallel_loop3A_254 = tpu.vector_load %arg13[%parallel_loop3A_252, %parallel_loop3A_253] {strides = array<i32>} : memref<40x128xf32, #tpu.memory_space<vmem>>, vector<1x16xf32>,
        %parallel_loop3A_255 = vector.shape_cast %parallel_loop3A_254 : vector<1x16xf32> to vector<16xf32>
        %parallel_loop3A_256 = arith.index_cast %parallel_loop3A_242 : i32 to index
        %parallel_loop3A_257 = arith.constant 16 : index
        %parallel_loop3A_258 = tpu.vector_load %arg9[%parallel_loop3A_256, %parallel_loop3A_257] {strides = array<i32>} : memref<200x128xf32, #tpu.memory_space<vmem>>, vector<1x16xf32>,
        %parallel_loop3A_259 = vector.shape_cast %parallel_loop3A_258 : vector<1x16xf32> to vector<16xf32>
        %parallel_loop3A_260 = arith.addf %parallel_loop3A_255, %parallel_loop3A_259 : vector<16xf32>
        %parallel_loop3A_261 = arith.index_cast %parallel_loop3A_241 : i32 to index
        %parallel_loop3A_262 = arith.constant 32 : index
        %parallel_loop3A_263 = tpu.vector_load %arg13[%parallel_loop3A_261, %parallel_loop3A_262] {strides = array<i32>} : memref<40x128xf32, #tpu.memory_space<vmem>>, vector<1x16xf32>,
        %parallel_loop3A_264 = vector.shape_cast %parallel_loop3A_263 : vector<1x16xf32> to vector<16xf32>
        %parallel_loop3A_265 = arith.index_cast %parallel_loop3A_242 : i32 to index
        %parallel_loop3A_266 = arith.constant 32 : index
        %parallel_loop3A_267 = tpu.vector_load %arg9[%parallel_loop3A_265, %parallel_loop3A_266] {strides = array<i32>} : memref<200x128xf32, #tpu.memory_space<vmem>>, vector<1x16xf32>,
        %parallel_loop3A_268 = vector.shape_cast %parallel_loop3A_267 : vector<1x16xf32> to vector<16xf32>
        %parallel_loop3A_269 = arith.addf %parallel_loop3A_264, %parallel_loop3A_268 : vector<16xf32>
        %parallel_loop3A_270 = arith.index_cast %parallel_loop3A_241 : i32 to index
        %parallel_loop3A_271 = arith.constant 48 : index
        %parallel_loop3A_272 = tpu.vector_load %arg13[%parallel_loop3A_270, %parallel_loop3A_271] {strides = array<i32>} : memref<40x128xf32, #tpu.memory_space<vmem>>, vector<1x16xf32>,
        %parallel_loop3A_273 = vector.shape_cast %parallel_loop3A_272 : vector<1x16xf32> to vector<16xf32>
        %parallel_loop3A_274 = arith.index_cast %parallel_loop3A_242 : i32 to index
        %parallel_loop3A_275 = arith.constant 48 : index
        %parallel_loop3A_276 = tpu.vector_load %arg9[%parallel_loop3A_274, %parallel_loop3A_275] {strides = array<i32>} : memref<200x128xf32, #tpu.memory_space<vmem>>, vector<1x16xf32>,
        %parallel_loop3A_277 = vector.shape_cast %parallel_loop3A_276 : vector<1x16xf32> to vector<16xf32>
        %parallel_loop3A_278 = arith.addf %parallel_loop3A_273, %parallel_loop3A_277 : vector<16xf32>
        %parallel_loop3A_279 = arith.index_cast %parallel_loop3A_241 : i32 to index
        %parallel_loop3A_280 = arith.constant 64 : index
        %parallel_loop3A_281 = tpu.vector_load %arg13[%parallel_loop3A_279, %parallel_loop3A_280] {strides = array<i32>} : memref<40x128xf32, #tpu.memory_space<vmem>>, vector<1x16xf32>,
        %parallel_loop3A_282 = vector.shape_cast %parallel_loop3A_281 : vector<1x16xf32> to vector<16xf32>
        %parallel_loop3A_283 = arith.index_cast %parallel_loop3A_242 : i32 to index
        %parallel_loop3A_284 = arith.constant 64 : index
        %parallel_loop3A_285 = tpu.vector_load %arg9[%parallel_loop3A_283, %parallel_loop3A_284] {strides = array<i32>} : memref<200x128xf32, #tpu.memory_space<vmem>>, vector<1x16xf32>,
        %parallel_loop3A_286 = vector.shape_cast %parallel_loop3A_285 : vector<1x16xf32> to vector<16xf32>
        %parallel_loop3A_287 = arith.addf %parallel_loop3A_282, %parallel_loop3A_286 : vector<16xf32>
        %parallel_loop3A_288 = arith.index_cast %parallel_loop3A_241 : i32 to index
        %parallel_loop3A_289 = arith.constant 80 : index
        %parallel_loop3A_290 = tpu.vector_load %arg13[%parallel_loop3A_288, %parallel_loop3A_289] {strides = array<i32>} : memref<40x128xf32, #tpu.memory_space<vmem>>, vector<1x16xf32>,
        %parallel_loop3A_291 = vector.shape_cast %parallel_loop3A_290 : vector<1x16xf32> to vector<16xf32>
        %parallel_loop3A_292 = arith.index_cast %parallel_loop3A_242 : i32 to index
        %parallel_loop3A_293 = arith.constant 80 : index
        %parallel_loop3A_294 = tpu.vector_load %arg9[%parallel_loop3A_292, %parallel_loop3A_293] {strides = array<i32>} : memref<200x128xf32, #tpu.memory_space<vmem>>, vector<1x16xf32>,
        %parallel_loop3A_295 = vector.shape_cast %parallel_loop3A_294 : vector<1x16xf32> to vector<16xf32>
        %parallel_loop3A_296 = arith.addf %parallel_loop3A_291, %parallel_loop3A_295 : vector<16xf32>
        %parallel_loop3A_297 = arith.index_cast %parallel_loop3A_241 : i32 to index
        %parallel_loop3A_298 = arith.constant 96 : index
        %parallel_loop3A_299 = tpu.vector_load %arg13[%parallel_loop3A_297, %parallel_loop3A_298] {strides = array<i32>} : memref<40x128xf32, #tpu.memory_space<vmem>>, vector<1x16xf32>,
        %parallel_loop3A_300 = vector.shape_cast %parallel_loop3A_299 : vector<1x16xf32> to vector<16xf32>
        %parallel_loop3A_301 = arith.index_cast %parallel_loop3A_242 : i32 to index
        %parallel_loop3A_302 = arith.constant 96 : index
        %parallel_loop3A_303 = tpu.vector_load %arg9[%parallel_loop3A_301, %parallel_loop3A_302] {strides = array<i32>} : memref<200x128xf32, #tpu.memory_space<vmem>>, vector<1x16xf32>,
        %parallel_loop3A_304 = vector.shape_cast %parallel_loop3A_303 : vector<1x16xf32> to vector<16xf32>
        %parallel_loop3A_305 = arith.addf %parallel_loop3A_300, %parallel_loop3A_304 : vector<16xf32>
        %parallel_loop3A_306 = arith.index_cast %parallel_loop3A_241 : i32 to index
        %parallel_loop3A_307 = arith.constant 112 : index
        %parallel_loop3A_308 = tpu.vector_load %arg13[%parallel_loop3A_306, %parallel_loop3A_307] {strides = array<i32>} : memref<40x128xf32, #tpu.memory_space<vmem>>, vector<1x16xf32>,
        %parallel_loop3A_309 = vector.shape_cast %parallel_loop3A_308 : vector<1x16xf32> to vector<16xf32>
        %parallel_loop3A_310 = arith.index_cast %parallel_loop3A_242 : i32 to index
        %parallel_loop3A_311 = arith.constant 112 : index
        %parallel_loop3A_312 = tpu.vector_load %arg9[%parallel_loop3A_310, %parallel_loop3A_311] {strides = array<i32>} : memref<200x128xf32, #tpu.memory_space<vmem>>, vector<1x16xf32>,
        %parallel_loop3A_313 = vector.shape_cast %parallel_loop3A_312 : vector<1x16xf32> to vector<16xf32>
        %parallel_loop3A_314 = arith.addf %parallel_loop3A_309, %parallel_loop3A_313 : vector<16xf32>
        %parallel_loop3A_315 = arith.mulf %parallel_loop3A_251, %parallel_loop3A_251 : vector<16xf32>
        %parallel_loop3A_316 = arith.addf %parallel_loop3A_251, %parallel_loop3A_260 : vector<16xf32>
        %parallel_loop3A_317 = arith.mulf %parallel_loop3A_260, %parallel_loop3A_260 : vector<16xf32>
        %parallel_loop3A_318 = arith.addf %parallel_loop3A_315, %parallel_loop3A_317 : vector<16xf32>
        %parallel_loop3A_319 = arith.addf %parallel_loop3A_316, %parallel_loop3A_269 : vector<16xf32>
        %parallel_loop3A_320 = arith.mulf %parallel_loop3A_269, %parallel_loop3A_269 : vector<16xf32>
        %parallel_loop3A_321 = arith.addf %parallel_loop3A_318, %parallel_loop3A_320 : vector<16xf32>
        %parallel_loop3A_322 = arith.addf %parallel_loop3A_319, %parallel_loop3A_278 : vector<16xf32>
        %parallel_loop3A_323 = arith.mulf %parallel_loop3A_278, %parallel_loop3A_278 : vector<16xf32>
        %parallel_loop3A_324 = arith.addf %parallel_loop3A_321, %parallel_loop3A_323 : vector<16xf32>
        %parallel_loop3A_325 = arith.addf %parallel_loop3A_322, %parallel_loop3A_287 : vector<16xf32>
        %parallel_loop3A_326 = arith.mulf %parallel_loop3A_287, %parallel_loop3A_287 : vector<16xf32>
        %parallel_loop3A_327 = arith.addf %parallel_loop3A_324, %parallel_loop3A_326 : vector<16xf32>
        %parallel_loop3A_328 = arith.addf %parallel_loop3A_325, %parallel_loop3A_296 : vector<16xf32>
        %parallel_loop3A_329 = arith.mulf %parallel_loop3A_296, %parallel_loop3A_296 : vector<16xf32>
        %parallel_loop3A_330 = arith.addf %parallel_loop3A_327, %parallel_loop3A_329 : vector<16xf32>
        %parallel_loop3A_331 = arith.addf %parallel_loop3A_328, %parallel_loop3A_305 : vector<16xf32>
        %parallel_loop3A_332 = arith.mulf %parallel_loop3A_305, %parallel_loop3A_305 : vector<16xf32>
        %parallel_loop3A_333 = arith.addf %parallel_loop3A_330, %parallel_loop3A_332 : vector<16xf32>
        %parallel_loop3A_334 = arith.addf %parallel_loop3A_331, %parallel_loop3A_314 : vector<16xf32>
        %parallel_loop3A_335 = arith.mulf %parallel_loop3A_314, %parallel_loop3A_314 : vector<16xf32>
        %parallel_loop3A_336 = arith.addf %parallel_loop3A_333, %parallel_loop3A_335 : vector<16xf32>
        %parallel_loop3A_337 = tpu.iota {dimensions = array<i32: 0>} : vector<16xi32>
        %parallel_loop3A_338 = arith.constant 1 : i32
        %parallel_loop3A_339 = vector.broadcast %parallel_loop3A_338 : i32 to vector<16xi32>
        %parallel_loop3A_340 = arith.addi %parallel_loop3A_337, %parallel_loop3A_339 : vector<16xi32>
        %parallel_loop3A_341 = arith.constant 15 : i32
        %parallel_loop3A_342 = vector.broadcast %parallel_loop3A_341 : i32 to vector<16xi32>
        %parallel_loop3A_343 = arith.andi %parallel_loop3A_340, %parallel_loop3A_342 : vector<16xi32>
        %parallel_loop3A_344 = vector.shape_cast %parallel_loop3A_343 : vector<16xi32> to vector<16x1xi32>
        %parallel_loop3A_345 = vector.shape_cast %parallel_loop3A_344 : vector<16x1xi32> to vector<16xi32>
        %parallel_loop3A_346 = tpu.dynamic_gather %parallel_loop3A_334[%parallel_loop3A_345] in [0] : vector<16xf32>, vector<16xi32> -> vector<16xf32>
        %parallel_loop3A_347 = arith.addf %parallel_loop3A_334, %parallel_loop3A_346 : vector<16xf32>
        %parallel_loop3A_348 = arith.constant 2 : i32
        %parallel_loop3A_349 = vector.broadcast %parallel_loop3A_348 : i32 to vector<16xi32>
        %parallel_loop3A_350 = arith.addi %parallel_loop3A_337, %parallel_loop3A_349 : vector<16xi32>
        %parallel_loop3A_351 = arith.constant 15 : i32
        %parallel_loop3A_352 = vector.broadcast %parallel_loop3A_351 : i32 to vector<16xi32>
        %parallel_loop3A_353 = arith.andi %parallel_loop3A_350, %parallel_loop3A_352 : vector<16xi32>
        %parallel_loop3A_354 = vector.shape_cast %parallel_loop3A_353 : vector<16xi32> to vector<16x1xi32>
        %parallel_loop3A_355 = vector.shape_cast %parallel_loop3A_354 : vector<16x1xi32> to vector<16xi32>
        %parallel_loop3A_356 = tpu.dynamic_gather %parallel_loop3A_347[%parallel_loop3A_355] in [0] : vector<16xf32>, vector<16xi32> -> vector<16xf32>
        %parallel_loop3A_357 = arith.addf %parallel_loop3A_347, %parallel_loop3A_356 : vector<16xf32>
        %parallel_loop3A_358 = arith.constant 4 : i32
        %parallel_loop3A_359 = vector.broadcast %parallel_loop3A_358 : i32 to vector<16xi32>
        %parallel_loop3A_360 = arith.addi %parallel_loop3A_337, %parallel_loop3A_359 : vector<16xi32>
        %parallel_loop3A_361 = arith.constant 15 : i32
        %parallel_loop3A_362 = vector.broadcast %parallel_loop3A_361 : i32 to vector<16xi32>
        %parallel_loop3A_363 = arith.andi %parallel_loop3A_360, %parallel_loop3A_362 : vector<16xi32>
        %parallel_loop3A_364 = vector.shape_cast %parallel_loop3A_363 : vector<16xi32> to vector<16x1xi32>
        %parallel_loop3A_365 = vector.shape_cast %parallel_loop3A_364 : vector<16x1xi32> to vector<16xi32>
        %parallel_loop3A_366 = tpu.dynamic_gather %parallel_loop3A_357[%parallel_loop3A_365] in [0] : vector<16xf32>, vector<16xi32> -> vector<16xf32>
        %parallel_loop3A_367 = arith.addf %parallel_loop3A_357, %parallel_loop3A_366 : vector<16xf32>
        %parallel_loop3A_368 = arith.constant 8 : i32
        %parallel_loop3A_369 = vector.broadcast %parallel_loop3A_368 : i32 to vector<16xi32>
        %parallel_loop3A_370 = arith.addi %parallel_loop3A_337, %parallel_loop3A_369 : vector<16xi32>
        %parallel_loop3A_371 = arith.constant 15 : i32
        %parallel_loop3A_372 = vector.broadcast %parallel_loop3A_371 : i32 to vector<16xi32>
        %parallel_loop3A_373 = arith.andi %parallel_loop3A_370, %parallel_loop3A_372 : vector<16xi32>
        %parallel_loop3A_374 = vector.shape_cast %parallel_loop3A_373 : vector<16xi32> to vector<16x1xi32>
        %parallel_loop3A_375 = vector.shape_cast %parallel_loop3A_374 : vector<16x1xi32> to vector<16xi32>
        %parallel_loop3A_376 = tpu.dynamic_gather %parallel_loop3A_367[%parallel_loop3A_375] in [0] : vector<16xf32>, vector<16xi32> -> vector<16xf32>
        %parallel_loop3A_377 = arith.addf %parallel_loop3A_367, %parallel_loop3A_376 : vector<16xf32>
        %parallel_loop3A_378 = tpu.iota {dimensions = array<i32: 0>} : vector<16xi32>
        %parallel_loop3A_379 = arith.constant 1 : i32
        %parallel_loop3A_380 = vector.broadcast %parallel_loop3A_379 : i32 to vector<16xi32>
        %parallel_loop3A_381 = arith.addi %parallel_loop3A_378, %parallel_loop3A_380 : vector<16xi32>
        %parallel_loop3A_382 = arith.constant 15 : i32
        %parallel_loop3A_383 = vector.broadcast %parallel_loop3A_382 : i32 to vector<16xi32>
        %parallel_loop3A_384 = arith.andi %parallel_loop3A_381, %parallel_loop3A_383 : vector<16xi32>
        %parallel_loop3A_385 = vector.shape_cast %parallel_loop3A_384 : vector<16xi32> to vector<16x1xi32>
        %parallel_loop3A_386 = vector.shape_cast %parallel_loop3A_385 : vector<16x1xi32> to vector<16xi32>
        %parallel_loop3A_387 = tpu.dynamic_gather %parallel_loop3A_336[%parallel_loop3A_386] in [0] : vector<16xf32>, vector<16xi32> -> vector<16xf32>
        %parallel_loop3A_388 = arith.addf %parallel_loop3A_336, %parallel_loop3A_387 : vector<16xf32>
        %parallel_loop3A_389 = arith.constant 2 : i32
        %parallel_loop3A_390 = vector.broadcast %parallel_loop3A_389 : i32 to vector<16xi32>
        %parallel_loop3A_391 = arith.addi %parallel_loop3A_378, %parallel_loop3A_390 : vector<16xi32>
        %parallel_loop3A_392 = arith.constant 15 : i32
        %parallel_loop3A_393 = vector.broadcast %parallel_loop3A_392 : i32 to vector<16xi32>
        %parallel_loop3A_394 = arith.andi %parallel_loop3A_391, %parallel_loop3A_393 : vector<16xi32>
        %parallel_loop3A_395 = vector.shape_cast %parallel_loop3A_394 : vector<16xi32> to vector<16x1xi32>
        %parallel_loop3A_396 = vector.shape_cast %parallel_loop3A_395 : vector<16x1xi32> to vector<16xi32>
        %parallel_loop3A_397 = tpu.dynamic_gather %parallel_loop3A_388[%parallel_loop3A_396] in [0] : vector<16xf32>, vector<16xi32> -> vector<16xf32>
        %parallel_loop3A_398 = arith.addf %parallel_loop3A_388, %parallel_loop3A_397 : vector<16xf32>
        %parallel_loop3A_399 = arith.constant 4 : i32
        %parallel_loop3A_400 = vector.broadcast %parallel_loop3A_399 : i32 to vector<16xi32>
        %parallel_loop3A_401 = arith.addi %parallel_loop3A_378, %parallel_loop3A_400 : vector<16xi32>
        %parallel_loop3A_402 = arith.constant 15 : i32
        %parallel_loop3A_403 = vector.broadcast %parallel_loop3A_402 : i32 to vector<16xi32>
        %parallel_loop3A_404 = arith.andi %parallel_loop3A_401, %parallel_loop3A_403 : vector<16xi32>
        %parallel_loop3A_405 = vector.shape_cast %parallel_loop3A_404 : vector<16xi32> to vector<16x1xi32>
        %parallel_loop3A_406 = vector.shape_cast %parallel_loop3A_405 : vector<16x1xi32> to vector<16xi32>
        %parallel_loop3A_407 = tpu.dynamic_gather %parallel_loop3A_398[%parallel_loop3A_406] in [0] : vector<16xf32>, vector<16xi32> -> vector<16xf32>
        %parallel_loop3A_408 = arith.addf %parallel_loop3A_398, %parallel_loop3A_407 : vector<16xf32>
        %parallel_loop3A_409 = arith.constant 8 : i32
        %parallel_loop3A_410 = vector.broadcast %parallel_loop3A_409 : i32 to vector<16xi32>
        %parallel_loop3A_411 = arith.addi %parallel_loop3A_378, %parallel_loop3A_410 : vector<16xi32>
        %parallel_loop3A_412 = arith.constant 15 : i32
        %parallel_loop3A_413 = vector.broadcast %parallel_loop3A_412 : i32 to vector<16xi32>
        %parallel_loop3A_414 = arith.andi %parallel_loop3A_411, %parallel_loop3A_413 : vector<16xi32>
        %parallel_loop3A_415 = vector.shape_cast %parallel_loop3A_414 : vector<16xi32> to vector<16x1xi32>
        %parallel_loop3A_416 = vector.shape_cast %parallel_loop3A_415 : vector<16x1xi32> to vector<16xi32>
        %parallel_loop3A_417 = tpu.dynamic_gather %parallel_loop3A_408[%parallel_loop3A_416] in [0] : vector<16xf32>, vector<16xi32> -> vector<16xf32>
        %parallel_loop3A_418 = arith.addf %parallel_loop3A_408, %parallel_loop3A_417 : vector<16xf32>
        %parallel_loop3A_419 = arith.constant 7.812500e-03 : f32
        %parallel_loop3A_420 = vector.broadcast %parallel_loop3A_419 : f32 to vector<16xf32>
        %parallel_loop3A_421 = arith.mulf %parallel_loop3A_377, %parallel_loop3A_420 : vector<16xf32>
        %parallel_loop3A_422 = arith.constant 7.812500e-03 : f32
        %parallel_loop3A_423 = vector.broadcast %parallel_loop3A_422 : f32 to vector<16xf32>
        %parallel_loop3A_424 = arith.mulf %parallel_loop3A_418, %parallel_loop3A_423 : vector<16xf32>
        %parallel_loop3A_425 = arith.mulf %parallel_loop3A_421, %parallel_loop3A_421 : vector<16xf32>
        %parallel_loop3A_426 = arith.subf %parallel_loop3A_424, %parallel_loop3A_425 : vector<16xf32>
        %parallel_loop3A_427 = arith.constant 9.99999996E-13 : f32
        %parallel_loop3A_428 = vector.broadcast %parallel_loop3A_427 : f32 to vector<16xf32>
        %parallel_loop3A_429 = arith.addf %parallel_loop3A_426, %parallel_loop3A_428 : vector<16xf32>
        %parallel_loop3A_430 = tpu.bitcast %parallel_loop3A_429 : vector<16xf32> -> vector<16xi32>
        %parallel_loop3A_431 = arith.constant 1 : i32
        %parallel_loop3A_432 = vector.broadcast %parallel_loop3A_431 : i32 to vector<16xi32>
        %parallel_loop3A_433 = arith.shrui %parallel_loop3A_430, %parallel_loop3A_432 : vector<16xi32>
        %parallel_loop3A_434 = arith.constant 1597463007 : i32
        %parallel_loop3A_435 = vector.broadcast %parallel_loop3A_434 : i32 to vector<16xi32>
        %parallel_loop3A_436 = arith.subi %parallel_loop3A_435, %parallel_loop3A_433 : vector<16xi32>
        %parallel_loop3A_437 = tpu.bitcast %parallel_loop3A_436 : vector<16xi32> -> vector<16xf32>
        %parallel_loop3A_438 = arith.constant 5.000000e-01 : f32
        %parallel_loop3A_439 = vector.broadcast %parallel_loop3A_438 : f32 to vector<16xf32>
        %parallel_loop3A_440 = arith.mulf %parallel_loop3A_429, %parallel_loop3A_439 : vector<16xf32>
        %parallel_loop3A_441 = arith.mulf %parallel_loop3A_440, %parallel_loop3A_437 : vector<16xf32>
        %parallel_loop3A_442 = arith.mulf %parallel_loop3A_441, %parallel_loop3A_437 : vector<16xf32>
        %parallel_loop3A_443 = arith.constant 1.500000e+00 : f32
        %parallel_loop3A_444 = vector.broadcast %parallel_loop3A_443 : f32 to vector<16xf32>
        %parallel_loop3A_445 = arith.subf %parallel_loop3A_444, %parallel_loop3A_442 : vector<16xf32>
        %parallel_loop3A_446 = arith.mulf %parallel_loop3A_437, %parallel_loop3A_445 : vector<16xf32>
        %parallel_loop3A_447 = arith.mulf %parallel_loop3A_440, %parallel_loop3A_446 : vector<16xf32>
        %parallel_loop3A_448 = arith.mulf %parallel_loop3A_447, %parallel_loop3A_446 : vector<16xf32>
        %parallel_loop3A_449 = arith.constant 1.500000e+00 : f32
        %parallel_loop3A_450 = vector.broadcast %parallel_loop3A_449 : f32 to vector<16xf32>
        %parallel_loop3A_451 = arith.subf %parallel_loop3A_450, %parallel_loop3A_448 : vector<16xf32>
        %parallel_loop3A_452 = arith.mulf %parallel_loop3A_446, %parallel_loop3A_451 : vector<16xf32>
        %parallel_loop3A_453 = arith.subf %parallel_loop3A_251, %parallel_loop3A_421 : vector<16xf32>
        %parallel_loop3A_454 = arith.mulf %parallel_loop3A_453, %parallel_loop3A_452 : vector<16xf32>
        %parallel_loop3A_455 = arith.mulf %parallel_loop3A_454, %get3A_4 : vector<16xf32>
        %parallel_loop3A_456 = arith.addf %parallel_loop3A_455, %get3A_28 : vector<16xf32>
        %parallel_loop3A_457 = arith.index_cast %parallel_loop3A_241 : i32 to index
        %parallel_loop3A_458 = arith.constant 0 : index
        %parallel_loop3A_459 = tpu.vector_load %arg13[%parallel_loop3A_457, %parallel_loop3A_458] {strides = array<i32>} : memref<40x128xf32, #tpu.memory_space<vmem>>, vector<1x16xf32>,
        %parallel_loop3A_460 = vector.shape_cast %parallel_loop3A_459 : vector<1x16xf32> to vector<16xf32>
        %parallel_loop3A_461 = vector.shape_cast %parallel_loop3A_456 : vector<16xf32> to vector<1x16xf32>
        tpu.vector_store %arg13[%parallel_loop3A_457, %parallel_loop3A_458], %parallel_loop3A_461 {strides = array<i32>} : memref<40x128xf32, #tpu.memory_space<vmem>>, vector<1x16xf32>,
        %parallel_loop3A_462 = arith.subf %parallel_loop3A_260, %parallel_loop3A_421 : vector<16xf32>
        %parallel_loop3A_463 = arith.mulf %parallel_loop3A_462, %parallel_loop3A_452 : vector<16xf32>
        %parallel_loop3A_464 = arith.mulf %parallel_loop3A_463, %get3A_7 : vector<16xf32>
        %parallel_loop3A_465 = arith.addf %parallel_loop3A_464, %get3A_31 : vector<16xf32>
        %parallel_loop3A_466 = arith.index_cast %parallel_loop3A_241 : i32 to index
        %parallel_loop3A_467 = arith.constant 16 : index
        %parallel_loop3A_468 = tpu.vector_load %arg13[%parallel_loop3A_466, %parallel_loop3A_467] {strides = array<i32>} : memref<40x128xf32, #tpu.memory_space<vmem>>, vector<1x16xf32>,
        %parallel_loop3A_469 = vector.shape_cast %parallel_loop3A_468 : vector<1x16xf32> to vector<16xf32>
        %parallel_loop3A_470 = vector.shape_cast %parallel_loop3A_465 : vector<16xf32> to vector<1x16xf32>
        tpu.vector_store %arg13[%parallel_loop3A_466, %parallel_loop3A_467], %parallel_loop3A_470 {strides = array<i32>} : memref<40x128xf32, #tpu.memory_space<vmem>>, vector<1x16xf32>,
        %parallel_loop3A_471 = arith.subf %parallel_loop3A_269, %parallel_loop3A_421 : vector<16xf32>
        %parallel_loop3A_472 = arith.mulf %parallel_loop3A_471, %parallel_loop3A_452 : vector<16xf32>
        %parallel_loop3A_473 = arith.mulf %parallel_loop3A_472, %get3A_10 : vector<16xf32>
        %parallel_loop3A_474 = arith.addf %parallel_loop3A_473, %get3A_34 : vector<16xf32>
        %parallel_loop3A_475 = arith.index_cast %parallel_loop3A_241 : i32 to index
        %parallel_loop3A_476 = arith.constant 32 : index
        %parallel_loop3A_477 = tpu.vector_load %arg13[%parallel_loop3A_475, %parallel_loop3A_476] {strides = array<i32>} : memref<40x128xf32, #tpu.memory_space<vmem>>, vector<1x16xf32>,
        %parallel_loop3A_478 = vector.shape_cast %parallel_loop3A_477 : vector<1x16xf32> to vector<16xf32>
        %parallel_loop3A_479 = vector.shape_cast %parallel_loop3A_474 : vector<16xf32> to vector<1x16xf32>
        tpu.vector_store %arg13[%parallel_loop3A_475, %parallel_loop3A_476], %parallel_loop3A_479 {strides = array<i32>} : memref<40x128xf32, #tpu.memory_space<vmem>>, vector<1x16xf32>,
        %parallel_loop3A_480 = arith.subf %parallel_loop3A_278, %parallel_loop3A_421 : vector<16xf32>
        %parallel_loop3A_481 = arith.mulf %parallel_loop3A_480, %parallel_loop3A_452 : vector<16xf32>
        %parallel_loop3A_482 = arith.mulf %parallel_loop3A_481, %get3A_13 : vector<16xf32>
        %parallel_loop3A_483 = arith.addf %parallel_loop3A_482, %get3A_37 : vector<16xf32>
        %parallel_loop3A_484 = arith.index_cast %parallel_loop3A_241 : i32 to index
        %parallel_loop3A_485 = arith.constant 48 : index
        %parallel_loop3A_486 = tpu.vector_load %arg13[%parallel_loop3A_484, %parallel_loop3A_485] {strides = array<i32>} : memref<40x128xf32, #tpu.memory_space<vmem>>, vector<1x16xf32>,
        %parallel_loop3A_487 = vector.shape_cast %parallel_loop3A_486 : vector<1x16xf32> to vector<16xf32>
        %parallel_loop3A_488 = vector.shape_cast %parallel_loop3A_483 : vector<16xf32> to vector<1x16xf32>
        tpu.vector_store %arg13[%parallel_loop3A_484, %parallel_loop3A_485], %parallel_loop3A_488 {strides = array<i32>} : memref<40x128xf32, #tpu.memory_space<vmem>>, vector<1x16xf32>,
        %parallel_loop3A_489 = arith.subf %parallel_loop3A_287, %parallel_loop3A_421 : vector<16xf32>
        %parallel_loop3A_490 = arith.mulf %parallel_loop3A_489, %parallel_loop3A_452 : vector<16xf32>
        %parallel_loop3A_491 = arith.mulf %parallel_loop3A_490, %get3A_16 : vector<16xf32>
        %parallel_loop3A_492 = arith.addf %parallel_loop3A_491, %get3A_40 : vector<16xf32>
        %parallel_loop3A_493 = arith.index_cast %parallel_loop3A_241 : i32 to index
        %parallel_loop3A_494 = arith.constant 64 : index
        %parallel_loop3A_495 = tpu.vector_load %arg13[%parallel_loop3A_493, %parallel_loop3A_494] {strides = array<i32>} : memref<40x128xf32, #tpu.memory_space<vmem>>, vector<1x16xf32>,
        %parallel_loop3A_496 = vector.shape_cast %parallel_loop3A_495 : vector<1x16xf32> to vector<16xf32>
        %parallel_loop3A_497 = vector.shape_cast %parallel_loop3A_492 : vector<16xf32> to vector<1x16xf32>
        tpu.vector_store %arg13[%parallel_loop3A_493, %parallel_loop3A_494], %parallel_loop3A_497 {strides = array<i32>} : memref<40x128xf32, #tpu.memory_space<vmem>>, vector<1x16xf32>,
        %parallel_loop3A_498 = arith.subf %parallel_loop3A_296, %parallel_loop3A_421 : vector<16xf32>
        %parallel_loop3A_499 = arith.mulf %parallel_loop3A_498, %parallel_loop3A_452 : vector<16xf32>
        %parallel_loop3A_500 = arith.mulf %parallel_loop3A_499, %get3A_19 : vector<16xf32>
        %parallel_loop3A_501 = arith.addf %parallel_loop3A_500, %get3A_43 : vector<16xf32>
        %parallel_loop3A_502 = arith.index_cast %parallel_loop3A_241 : i32 to index
        %parallel_loop3A_503 = arith.constant 80 : index
        %parallel_loop3A_504 = tpu.vector_load %arg13[%parallel_loop3A_502, %parallel_loop3A_503] {strides = array<i32>} : memref<40x128xf32, #tpu.memory_space<vmem>>, vector<1x16xf32>,
        %parallel_loop3A_505 = vector.shape_cast %parallel_loop3A_504 : vector<1x16xf32> to vector<16xf32>
        %parallel_loop3A_506 = vector.shape_cast %parallel_loop3A_501 : vector<16xf32> to vector<1x16xf32>
        tpu.vector_store %arg13[%parallel_loop3A_502, %parallel_loop3A_503], %parallel_loop3A_506 {strides = array<i32>} : memref<40x128xf32, #tpu.memory_space<vmem>>, vector<1x16xf32>,
        %parallel_loop3A_507 = arith.subf %parallel_loop3A_305, %parallel_loop3A_421 : vector<16xf32>
        %parallel_loop3A_508 = arith.mulf %parallel_loop3A_507, %parallel_loop3A_452 : vector<16xf32>
        %parallel_loop3A_509 = arith.mulf %parallel_loop3A_508, %get3A_22 : vector<16xf32>
        %parallel_loop3A_510 = arith.addf %parallel_loop3A_509, %get3A_46 : vector<16xf32>
        %parallel_loop3A_511 = arith.index_cast %parallel_loop3A_241 : i32 to index
        %parallel_loop3A_512 = arith.constant 96 : index
        %parallel_loop3A_513 = tpu.vector_load %arg13[%parallel_loop3A_511, %parallel_loop3A_512] {strides = array<i32>} : memref<40x128xf32, #tpu.memory_space<vmem>>, vector<1x16xf32>,
        %parallel_loop3A_514 = vector.shape_cast %parallel_loop3A_513 : vector<1x16xf32> to vector<16xf32>
        %parallel_loop3A_515 = vector.shape_cast %parallel_loop3A_510 : vector<16xf32> to vector<1x16xf32>
        tpu.vector_store %arg13[%parallel_loop3A_511, %parallel_loop3A_512], %parallel_loop3A_515 {strides = array<i32>} : memref<40x128xf32, #tpu.memory_space<vmem>>, vector<1x16xf32>,
        %parallel_loop3A_516 = arith.subf %parallel_loop3A_314, %parallel_loop3A_421 : vector<16xf32>
        %parallel_loop3A_517 = arith.mulf %parallel_loop3A_516, %parallel_loop3A_452 : vector<16xf32>
        %parallel_loop3A_518 = arith.mulf %parallel_loop3A_517, %get3A_25 : vector<16xf32>
        %parallel_loop3A_519 = arith.addf %parallel_loop3A_518, %get3A_49 : vector<16xf32>
        %parallel_loop3A_520 = arith.index_cast %parallel_loop3A_241 : i32 to index
        %parallel_loop3A_521 = arith.constant 112 : index
        %parallel_loop3A_522 = tpu.vector_load %arg13[%parallel_loop3A_520, %parallel_loop3A_521] {strides = array<i32>} : memref<40x128xf32, #tpu.memory_space<vmem>>, vector<1x16xf32>,
        %parallel_loop3A_523 = vector.shape_cast %parallel_loop3A_522 : vector<1x16xf32> to vector<16xf32>
        %parallel_loop3A_524 = vector.shape_cast %parallel_loop3A_519 : vector<16xf32> to vector<1x16xf32>
        tpu.vector_store %arg13[%parallel_loop3A_520, %parallel_loop3A_521], %parallel_loop3A_524 {strides = array<i32>} : memref<40x128xf32, #tpu.memory_space<vmem>>, vector<1x16xf32>,
      } {sc.loop_unroll_factor = 2 : i64, sc.parallel_access}
      %add3A_153 = arith.addi %mul3A_2, %add3A_139 : i32
      %mul3A_154 = arith.constant 40 : i32
      %mul3A_155 = arith.muli %add3A_153, %mul3A_154 : i32
      %dma_start3A_156 = arith.constant 0 : i32
      %dma_start3A_157 = tpu.memref_slice %arg7[%mul3A_155, %dma_start3A_156] : memref<204800x128xf32, #tpu.memory_space<hbm>> -> memref<40x128xf32, #tpu.memory_space<hbm>>
      %dma_start3A_158 = arith.constant 0 : i32
      %dma_start3A_159 = tpu.memref_slice %arg7[%mul3A_155, %dma_start3A_158] : memref<204800x128xf32, #tpu.memory_space<hbm>> -> memref<40x128xf32, #tpu.memory_space<hbm>>
      tpu.enqueue_dma source(%arg13 : memref<40x128xf32, #tpu.memory_space<vmem>>) target(%dma_start3A_159 : memref<40x128xf32, #tpu.memory_space<hbm>>) target_semaphore(%arg21 : memref<!tpu.dma_semaphore, #tpu.memory_space<semaphore_mem>>)
      %mul3A_160 = arith.constant 4 : i32
      %mul3A_161 = arith.muli %scan3A_113, %mul3A_160 : i32
      %add3A_162 = arith.constant 2 : i32
      %add3A_163 = arith.addi %mul3A_161, %add3A_162 : i32
      %dma_wait3A_164 = arith.constant 0 : i32
      %dma_wait3A_165 = tpu.memref_slice %arg8[%add3A_163, %dma_wait3A_164] : memref<160x40xi32, #tpu.memory_space<vmem>> -> memref<1x40xi32, #tpu.memory_space<vmem>>
      %dma_wait3A_166 = tpu.memref_squeeze %dma_wait3A_165 : memref<1x40xi32, #tpu.memory_space<vmem>> -> memref<40xi32, #tpu.memory_space<vmem>>
      %dma_wait3A_167 = arith.constant 0 : i32
      %dma_wait3A_168 = arith.constant 0 : i32
      %dma_wait3A_169 = tpu.memref_slice %arg3[%dma_wait3A_167, %dma_wait3A_168] : memref<100000x128xf32, #tpu.memory_space<hbm>> -> memref<100000x128xf32, #tpu.memory_space<hbm>>
      tpu.wait_indirect_dma semaphore(%arg18 : memref<!tpu.dma_semaphore, #tpu.memory_space<semaphore_mem>>) src(%dma_wait3A_169 : memref<100000x128xf32, #tpu.memory_space<hbm>>) dst(%arg14 : memref<40x128xf32, #tpu.memory_space<vmem>>)
      %rem3A_170 = arith.constant 5 : i32
      %rem3A_171 = arith.remsi %add3A_163, %rem3A_170 : i32
      %mul3A_172 = arith.constant 40 : i32
      %mul3A_173 = arith.muli %rem3A_171, %mul3A_172 : i32
      %parallel_loop3A_174 = arith.constant 0 : i32
      %parallel_loop3A_175 = arith.constant 40 : i32
      %parallel_loop3A_176 = arith.constant 1 : i32
      scf.for %parallel_loop3A_241 = %parallel_loop3A_174 to %parallel_loop3A_175 step %parallel_loop3A_176  : i32 {
        %parallel_loop3A_242 = arith.addi %mul3A_173, %parallel_loop3A_241 : i32
        %parallel_loop3A_243 = arith.index_cast %parallel_loop3A_241 : i32 to index
        %parallel_loop3A_244 = arith.constant 0 : index
        %parallel_loop3A_245 = tpu.vector_load %arg14[%parallel_loop3A_243, %parallel_loop3A_244] {strides = array<i32>} : memref<40x128xf32, #tpu.memory_space<vmem>>, vector<1x16xf32>,
        %parallel_loop3A_246 = vector.shape_cast %parallel_loop3A_245 : vector<1x16xf32> to vector<16xf32>
        %parallel_loop3A_247 = arith.index_cast %parallel_loop3A_242 : i32 to index
        %parallel_loop3A_248 = arith.constant 0 : index
        %parallel_loop3A_249 = tpu.vector_load %arg9[%parallel_loop3A_247, %parallel_loop3A_248] {strides = array<i32>} : memref<200x128xf32, #tpu.memory_space<vmem>>, vector<1x16xf32>,
        %parallel_loop3A_250 = vector.shape_cast %parallel_loop3A_249 : vector<1x16xf32> to vector<16xf32>
        %parallel_loop3A_251 = arith.addf %parallel_loop3A_246, %parallel_loop3A_250 : vector<16xf32>
        %parallel_loop3A_252 = arith.index_cast %parallel_loop3A_241 : i32 to index
        %parallel_loop3A_253 = arith.constant 16 : index
        %parallel_loop3A_254 = tpu.vector_load %arg14[%parallel_loop3A_252, %parallel_loop3A_253] {strides = array<i32>} : memref<40x128xf32, #tpu.memory_space<vmem>>, vector<1x16xf32>,
        %parallel_loop3A_255 = vector.shape_cast %parallel_loop3A_254 : vector<1x16xf32> to vector<16xf32>
        %parallel_loop3A_256 = arith.index_cast %parallel_loop3A_242 : i32 to index
        %parallel_loop3A_257 = arith.constant 16 : index
        %parallel_loop3A_258 = tpu.vector_load %arg9[%parallel_loop3A_256, %parallel_loop3A_257] {strides = array<i32>} : memref<200x128xf32, #tpu.memory_space<vmem>>, vector<1x16xf32>,
        %parallel_loop3A_259 = vector.shape_cast %parallel_loop3A_258 : vector<1x16xf32> to vector<16xf32>
        %parallel_loop3A_260 = arith.addf %parallel_loop3A_255, %parallel_loop3A_259 : vector<16xf32>
        %parallel_loop3A_261 = arith.index_cast %parallel_loop3A_241 : i32 to index
        %parallel_loop3A_262 = arith.constant 32 : index
        %parallel_loop3A_263 = tpu.vector_load %arg14[%parallel_loop3A_261, %parallel_loop3A_262] {strides = array<i32>} : memref<40x128xf32, #tpu.memory_space<vmem>>, vector<1x16xf32>,
        %parallel_loop3A_264 = vector.shape_cast %parallel_loop3A_263 : vector<1x16xf32> to vector<16xf32>
        %parallel_loop3A_265 = arith.index_cast %parallel_loop3A_242 : i32 to index
        %parallel_loop3A_266 = arith.constant 32 : index
        %parallel_loop3A_267 = tpu.vector_load %arg9[%parallel_loop3A_265, %parallel_loop3A_266] {strides = array<i32>} : memref<200x128xf32, #tpu.memory_space<vmem>>, vector<1x16xf32>,
        %parallel_loop3A_268 = vector.shape_cast %parallel_loop3A_267 : vector<1x16xf32> to vector<16xf32>
        %parallel_loop3A_269 = arith.addf %parallel_loop3A_264, %parallel_loop3A_268 : vector<16xf32>
        %parallel_loop3A_270 = arith.index_cast %parallel_loop3A_241 : i32 to index
        %parallel_loop3A_271 = arith.constant 48 : index
        %parallel_loop3A_272 = tpu.vector_load %arg14[%parallel_loop3A_270, %parallel_loop3A_271] {strides = array<i32>} : memref<40x128xf32, #tpu.memory_space<vmem>>, vector<1x16xf32>,
        %parallel_loop3A_273 = vector.shape_cast %parallel_loop3A_272 : vector<1x16xf32> to vector<16xf32>
        %parallel_loop3A_274 = arith.index_cast %parallel_loop3A_242 : i32 to index
        %parallel_loop3A_275 = arith.constant 48 : index
        %parallel_loop3A_276 = tpu.vector_load %arg9[%parallel_loop3A_274, %parallel_loop3A_275] {strides = array<i32>} : memref<200x128xf32, #tpu.memory_space<vmem>>, vector<1x16xf32>,
        %parallel_loop3A_277 = vector.shape_cast %parallel_loop3A_276 : vector<1x16xf32> to vector<16xf32>
        %parallel_loop3A_278 = arith.addf %parallel_loop3A_273, %parallel_loop3A_277 : vector<16xf32>
        %parallel_loop3A_279 = arith.index_cast %parallel_loop3A_241 : i32 to index
        %parallel_loop3A_280 = arith.constant 64 : index
        %parallel_loop3A_281 = tpu.vector_load %arg14[%parallel_loop3A_279, %parallel_loop3A_280] {strides = array<i32>} : memref<40x128xf32, #tpu.memory_space<vmem>>, vector<1x16xf32>,
        %parallel_loop3A_282 = vector.shape_cast %parallel_loop3A_281 : vector<1x16xf32> to vector<16xf32>
        %parallel_loop3A_283 = arith.index_cast %parallel_loop3A_242 : i32 to index
        %parallel_loop3A_284 = arith.constant 64 : index
        %parallel_loop3A_285 = tpu.vector_load %arg9[%parallel_loop3A_283, %parallel_loop3A_284] {strides = array<i32>} : memref<200x128xf32, #tpu.memory_space<vmem>>, vector<1x16xf32>,
        %parallel_loop3A_286 = vector.shape_cast %parallel_loop3A_285 : vector<1x16xf32> to vector<16xf32>
        %parallel_loop3A_287 = arith.addf %parallel_loop3A_282, %parallel_loop3A_286 : vector<16xf32>
        %parallel_loop3A_288 = arith.index_cast %parallel_loop3A_241 : i32 to index
        %parallel_loop3A_289 = arith.constant 80 : index
        %parallel_loop3A_290 = tpu.vector_load %arg14[%parallel_loop3A_288, %parallel_loop3A_289] {strides = array<i32>} : memref<40x128xf32, #tpu.memory_space<vmem>>, vector<1x16xf32>,
        %parallel_loop3A_291 = vector.shape_cast %parallel_loop3A_290 : vector<1x16xf32> to vector<16xf32>
        %parallel_loop3A_292 = arith.index_cast %parallel_loop3A_242 : i32 to index
        %parallel_loop3A_293 = arith.constant 80 : index
        %parallel_loop3A_294 = tpu.vector_load %arg9[%parallel_loop3A_292, %parallel_loop3A_293] {strides = array<i32>} : memref<200x128xf32, #tpu.memory_space<vmem>>, vector<1x16xf32>,
        %parallel_loop3A_295 = vector.shape_cast %parallel_loop3A_294 : vector<1x16xf32> to vector<16xf32>
        %parallel_loop3A_296 = arith.addf %parallel_loop3A_291, %parallel_loop3A_295 : vector<16xf32>
        %parallel_loop3A_297 = arith.index_cast %parallel_loop3A_241 : i32 to index
        %parallel_loop3A_298 = arith.constant 96 : index
        %parallel_loop3A_299 = tpu.vector_load %arg14[%parallel_loop3A_297, %parallel_loop3A_298] {strides = array<i32>} : memref<40x128xf32, #tpu.memory_space<vmem>>, vector<1x16xf32>,
        %parallel_loop3A_300 = vector.shape_cast %parallel_loop3A_299 : vector<1x16xf32> to vector<16xf32>
        %parallel_loop3A_301 = arith.index_cast %parallel_loop3A_242 : i32 to index
        %parallel_loop3A_302 = arith.constant 96 : index
        %parallel_loop3A_303 = tpu.vector_load %arg9[%parallel_loop3A_301, %parallel_loop3A_302] {strides = array<i32>} : memref<200x128xf32, #tpu.memory_space<vmem>>, vector<1x16xf32>,
        %parallel_loop3A_304 = vector.shape_cast %parallel_loop3A_303 : vector<1x16xf32> to vector<16xf32>
        %parallel_loop3A_305 = arith.addf %parallel_loop3A_300, %parallel_loop3A_304 : vector<16xf32>
        %parallel_loop3A_306 = arith.index_cast %parallel_loop3A_241 : i32 to index
        %parallel_loop3A_307 = arith.constant 112 : index
        %parallel_loop3A_308 = tpu.vector_load %arg14[%parallel_loop3A_306, %parallel_loop3A_307] {strides = array<i32>} : memref<40x128xf32, #tpu.memory_space<vmem>>, vector<1x16xf32>,
        %parallel_loop3A_309 = vector.shape_cast %parallel_loop3A_308 : vector<1x16xf32> to vector<16xf32>
        %parallel_loop3A_310 = arith.index_cast %parallel_loop3A_242 : i32 to index
        %parallel_loop3A_311 = arith.constant 112 : index
        %parallel_loop3A_312 = tpu.vector_load %arg9[%parallel_loop3A_310, %parallel_loop3A_311] {strides = array<i32>} : memref<200x128xf32, #tpu.memory_space<vmem>>, vector<1x16xf32>,
        %parallel_loop3A_313 = vector.shape_cast %parallel_loop3A_312 : vector<1x16xf32> to vector<16xf32>
        %parallel_loop3A_314 = arith.addf %parallel_loop3A_309, %parallel_loop3A_313 : vector<16xf32>
        %parallel_loop3A_315 = arith.mulf %parallel_loop3A_251, %parallel_loop3A_251 : vector<16xf32>
        %parallel_loop3A_316 = arith.addf %parallel_loop3A_251, %parallel_loop3A_260 : vector<16xf32>
        %parallel_loop3A_317 = arith.mulf %parallel_loop3A_260, %parallel_loop3A_260 : vector<16xf32>
        %parallel_loop3A_318 = arith.addf %parallel_loop3A_315, %parallel_loop3A_317 : vector<16xf32>
        %parallel_loop3A_319 = arith.addf %parallel_loop3A_316, %parallel_loop3A_269 : vector<16xf32>
        %parallel_loop3A_320 = arith.mulf %parallel_loop3A_269, %parallel_loop3A_269 : vector<16xf32>
        %parallel_loop3A_321 = arith.addf %parallel_loop3A_318, %parallel_loop3A_320 : vector<16xf32>
        %parallel_loop3A_322 = arith.addf %parallel_loop3A_319, %parallel_loop3A_278 : vector<16xf32>
        %parallel_loop3A_323 = arith.mulf %parallel_loop3A_278, %parallel_loop3A_278 : vector<16xf32>
        %parallel_loop3A_324 = arith.addf %parallel_loop3A_321, %parallel_loop3A_323 : vector<16xf32>
        %parallel_loop3A_325 = arith.addf %parallel_loop3A_322, %parallel_loop3A_287 : vector<16xf32>
        %parallel_loop3A_326 = arith.mulf %parallel_loop3A_287, %parallel_loop3A_287 : vector<16xf32>
        %parallel_loop3A_327 = arith.addf %parallel_loop3A_324, %parallel_loop3A_326 : vector<16xf32>
        %parallel_loop3A_328 = arith.addf %parallel_loop3A_325, %parallel_loop3A_296 : vector<16xf32>
        %parallel_loop3A_329 = arith.mulf %parallel_loop3A_296, %parallel_loop3A_296 : vector<16xf32>
        %parallel_loop3A_330 = arith.addf %parallel_loop3A_327, %parallel_loop3A_329 : vector<16xf32>
        %parallel_loop3A_331 = arith.addf %parallel_loop3A_328, %parallel_loop3A_305 : vector<16xf32>
        %parallel_loop3A_332 = arith.mulf %parallel_loop3A_305, %parallel_loop3A_305 : vector<16xf32>
        %parallel_loop3A_333 = arith.addf %parallel_loop3A_330, %parallel_loop3A_332 : vector<16xf32>
        %parallel_loop3A_334 = arith.addf %parallel_loop3A_331, %parallel_loop3A_314 : vector<16xf32>
        %parallel_loop3A_335 = arith.mulf %parallel_loop3A_314, %parallel_loop3A_314 : vector<16xf32>
        %parallel_loop3A_336 = arith.addf %parallel_loop3A_333, %parallel_loop3A_335 : vector<16xf32>
        %parallel_loop3A_337 = tpu.iota {dimensions = array<i32: 0>} : vector<16xi32>
        %parallel_loop3A_338 = arith.constant 1 : i32
        %parallel_loop3A_339 = vector.broadcast %parallel_loop3A_338 : i32 to vector<16xi32>
        %parallel_loop3A_340 = arith.addi %parallel_loop3A_337, %parallel_loop3A_339 : vector<16xi32>
        %parallel_loop3A_341 = arith.constant 15 : i32
        %parallel_loop3A_342 = vector.broadcast %parallel_loop3A_341 : i32 to vector<16xi32>
        %parallel_loop3A_343 = arith.andi %parallel_loop3A_340, %parallel_loop3A_342 : vector<16xi32>
        %parallel_loop3A_344 = vector.shape_cast %parallel_loop3A_343 : vector<16xi32> to vector<16x1xi32>
        %parallel_loop3A_345 = vector.shape_cast %parallel_loop3A_344 : vector<16x1xi32> to vector<16xi32>
        %parallel_loop3A_346 = tpu.dynamic_gather %parallel_loop3A_334[%parallel_loop3A_345] in [0] : vector<16xf32>, vector<16xi32> -> vector<16xf32>
        %parallel_loop3A_347 = arith.addf %parallel_loop3A_334, %parallel_loop3A_346 : vector<16xf32>
        %parallel_loop3A_348 = arith.constant 2 : i32
        %parallel_loop3A_349 = vector.broadcast %parallel_loop3A_348 : i32 to vector<16xi32>
        %parallel_loop3A_350 = arith.addi %parallel_loop3A_337, %parallel_loop3A_349 : vector<16xi32>
        %parallel_loop3A_351 = arith.constant 15 : i32
        %parallel_loop3A_352 = vector.broadcast %parallel_loop3A_351 : i32 to vector<16xi32>
        %parallel_loop3A_353 = arith.andi %parallel_loop3A_350, %parallel_loop3A_352 : vector<16xi32>
        %parallel_loop3A_354 = vector.shape_cast %parallel_loop3A_353 : vector<16xi32> to vector<16x1xi32>
        %parallel_loop3A_355 = vector.shape_cast %parallel_loop3A_354 : vector<16x1xi32> to vector<16xi32>
        %parallel_loop3A_356 = tpu.dynamic_gather %parallel_loop3A_347[%parallel_loop3A_355] in [0] : vector<16xf32>, vector<16xi32> -> vector<16xf32>
        %parallel_loop3A_357 = arith.addf %parallel_loop3A_347, %parallel_loop3A_356 : vector<16xf32>
        %parallel_loop3A_358 = arith.constant 4 : i32
        %parallel_loop3A_359 = vector.broadcast %parallel_loop3A_358 : i32 to vector<16xi32>
        %parallel_loop3A_360 = arith.addi %parallel_loop3A_337, %parallel_loop3A_359 : vector<16xi32>
        %parallel_loop3A_361 = arith.constant 15 : i32
        %parallel_loop3A_362 = vector.broadcast %parallel_loop3A_361 : i32 to vector<16xi32>
        %parallel_loop3A_363 = arith.andi %parallel_loop3A_360, %parallel_loop3A_362 : vector<16xi32>
        %parallel_loop3A_364 = vector.shape_cast %parallel_loop3A_363 : vector<16xi32> to vector<16x1xi32>
        %parallel_loop3A_365 = vector.shape_cast %parallel_loop3A_364 : vector<16x1xi32> to vector<16xi32>
        %parallel_loop3A_366 = tpu.dynamic_gather %parallel_loop3A_357[%parallel_loop3A_365] in [0] : vector<16xf32>, vector<16xi32> -> vector<16xf32>
        %parallel_loop3A_367 = arith.addf %parallel_loop3A_357, %parallel_loop3A_366 : vector<16xf32>
        %parallel_loop3A_368 = arith.constant 8 : i32
        %parallel_loop3A_369 = vector.broadcast %parallel_loop3A_368 : i32 to vector<16xi32>
        %parallel_loop3A_370 = arith.addi %parallel_loop3A_337, %parallel_loop3A_369 : vector<16xi32>
        %parallel_loop3A_371 = arith.constant 15 : i32
        %parallel_loop3A_372 = vector.broadcast %parallel_loop3A_371 : i32 to vector<16xi32>
        %parallel_loop3A_373 = arith.andi %parallel_loop3A_370, %parallel_loop3A_372 : vector<16xi32>
        %parallel_loop3A_374 = vector.shape_cast %parallel_loop3A_373 : vector<16xi32> to vector<16x1xi32>
        %parallel_loop3A_375 = vector.shape_cast %parallel_loop3A_374 : vector<16x1xi32> to vector<16xi32>
        %parallel_loop3A_376 = tpu.dynamic_gather %parallel_loop3A_367[%parallel_loop3A_375] in [0] : vector<16xf32>, vector<16xi32> -> vector<16xf32>
        %parallel_loop3A_377 = arith.addf %parallel_loop3A_367, %parallel_loop3A_376 : vector<16xf32>
        %parallel_loop3A_378 = tpu.iota {dimensions = array<i32: 0>} : vector<16xi32>
        %parallel_loop3A_379 = arith.constant 1 : i32
        %parallel_loop3A_380 = vector.broadcast %parallel_loop3A_379 : i32 to vector<16xi32>
        %parallel_loop3A_381 = arith.addi %parallel_loop3A_378, %parallel_loop3A_380 : vector<16xi32>
        %parallel_loop3A_382 = arith.constant 15 : i32
        %parallel_loop3A_383 = vector.broadcast %parallel_loop3A_382 : i32 to vector<16xi32>
        %parallel_loop3A_384 = arith.andi %parallel_loop3A_381, %parallel_loop3A_383 : vector<16xi32>
        %parallel_loop3A_385 = vector.shape_cast %parallel_loop3A_384 : vector<16xi32> to vector<16x1xi32>
        %parallel_loop3A_386 = vector.shape_cast %parallel_loop3A_385 : vector<16x1xi32> to vector<16xi32>
        %parallel_loop3A_387 = tpu.dynamic_gather %parallel_loop3A_336[%parallel_loop3A_386] in [0] : vector<16xf32>, vector<16xi32> -> vector<16xf32>
        %parallel_loop3A_388 = arith.addf %parallel_loop3A_336, %parallel_loop3A_387 : vector<16xf32>
        %parallel_loop3A_389 = arith.constant 2 : i32
        %parallel_loop3A_390 = vector.broadcast %parallel_loop3A_389 : i32 to vector<16xi32>
        %parallel_loop3A_391 = arith.addi %parallel_loop3A_378, %parallel_loop3A_390 : vector<16xi32>
        %parallel_loop3A_392 = arith.constant 15 : i32
        %parallel_loop3A_393 = vector.broadcast %parallel_loop3A_392 : i32 to vector<16xi32>
        %parallel_loop3A_394 = arith.andi %parallel_loop3A_391, %parallel_loop3A_393 : vector<16xi32>
        %parallel_loop3A_395 = vector.shape_cast %parallel_loop3A_394 : vector<16xi32> to vector<16x1xi32>
        %parallel_loop3A_396 = vector.shape_cast %parallel_loop3A_395 : vector<16x1xi32> to vector<16xi32>
        %parallel_loop3A_397 = tpu.dynamic_gather %parallel_loop3A_388[%parallel_loop3A_396] in [0] : vector<16xf32>, vector<16xi32> -> vector<16xf32>
        %parallel_loop3A_398 = arith.addf %parallel_loop3A_388, %parallel_loop3A_397 : vector<16xf32>
        %parallel_loop3A_399 = arith.constant 4 : i32
        %parallel_loop3A_400 = vector.broadcast %parallel_loop3A_399 : i32 to vector<16xi32>
        %parallel_loop3A_401 = arith.addi %parallel_loop3A_378, %parallel_loop3A_400 : vector<16xi32>
        %parallel_loop3A_402 = arith.constant 15 : i32
        %parallel_loop3A_403 = vector.broadcast %parallel_loop3A_402 : i32 to vector<16xi32>
        %parallel_loop3A_404 = arith.andi %parallel_loop3A_401, %parallel_loop3A_403 : vector<16xi32>
        %parallel_loop3A_405 = vector.shape_cast %parallel_loop3A_404 : vector<16xi32> to vector<16x1xi32>
        %parallel_loop3A_406 = vector.shape_cast %parallel_loop3A_405 : vector<16x1xi32> to vector<16xi32>
        %parallel_loop3A_407 = tpu.dynamic_gather %parallel_loop3A_398[%parallel_loop3A_406] in [0] : vector<16xf32>, vector<16xi32> -> vector<16xf32>
        %parallel_loop3A_408 = arith.addf %parallel_loop3A_398, %parallel_loop3A_407 : vector<16xf32>
        %parallel_loop3A_409 = arith.constant 8 : i32
        %parallel_loop3A_410 = vector.broadcast %parallel_loop3A_409 : i32 to vector<16xi32>
        %parallel_loop3A_411 = arith.addi %parallel_loop3A_378, %parallel_loop3A_410 : vector<16xi32>
        %parallel_loop3A_412 = arith.constant 15 : i32
        %parallel_loop3A_413 = vector.broadcast %parallel_loop3A_412 : i32 to vector<16xi32>
        %parallel_loop3A_414 = arith.andi %parallel_loop3A_411, %parallel_loop3A_413 : vector<16xi32>
        %parallel_loop3A_415 = vector.shape_cast %parallel_loop3A_414 : vector<16xi32> to vector<16x1xi32>
        %parallel_loop3A_416 = vector.shape_cast %parallel_loop3A_415 : vector<16x1xi32> to vector<16xi32>
        %parallel_loop3A_417 = tpu.dynamic_gather %parallel_loop3A_408[%parallel_loop3A_416] in [0] : vector<16xf32>, vector<16xi32> -> vector<16xf32>
        %parallel_loop3A_418 = arith.addf %parallel_loop3A_408, %parallel_loop3A_417 : vector<16xf32>
        %parallel_loop3A_419 = arith.constant 7.812500e-03 : f32
        %parallel_loop3A_420 = vector.broadcast %parallel_loop3A_419 : f32 to vector<16xf32>
        %parallel_loop3A_421 = arith.mulf %parallel_loop3A_377, %parallel_loop3A_420 : vector<16xf32>
        %parallel_loop3A_422 = arith.constant 7.812500e-03 : f32
        %parallel_loop3A_423 = vector.broadcast %parallel_loop3A_422 : f32 to vector<16xf32>
        %parallel_loop3A_424 = arith.mulf %parallel_loop3A_418, %parallel_loop3A_423 : vector<16xf32>
        %parallel_loop3A_425 = arith.mulf %parallel_loop3A_421, %parallel_loop3A_421 : vector<16xf32>
        %parallel_loop3A_426 = arith.subf %parallel_loop3A_424, %parallel_loop3A_425 : vector<16xf32>
        %parallel_loop3A_427 = arith.constant 9.99999996E-13 : f32
        %parallel_loop3A_428 = vector.broadcast %parallel_loop3A_427 : f32 to vector<16xf32>
        %parallel_loop3A_429 = arith.addf %parallel_loop3A_426, %parallel_loop3A_428 : vector<16xf32>
        %parallel_loop3A_430 = tpu.bitcast %parallel_loop3A_429 : vector<16xf32> -> vector<16xi32>
        %parallel_loop3A_431 = arith.constant 1 : i32
        %parallel_loop3A_432 = vector.broadcast %parallel_loop3A_431 : i32 to vector<16xi32>
        %parallel_loop3A_433 = arith.shrui %parallel_loop3A_430, %parallel_loop3A_432 : vector<16xi32>
        %parallel_loop3A_434 = arith.constant 1597463007 : i32
        %parallel_loop3A_435 = vector.broadcast %parallel_loop3A_434 : i32 to vector<16xi32>
        %parallel_loop3A_436 = arith.subi %parallel_loop3A_435, %parallel_loop3A_433 : vector<16xi32>
        %parallel_loop3A_437 = tpu.bitcast %parallel_loop3A_436 : vector<16xi32> -> vector<16xf32>
        %parallel_loop3A_438 = arith.constant 5.000000e-01 : f32
        %parallel_loop3A_439 = vector.broadcast %parallel_loop3A_438 : f32 to vector<16xf32>
        %parallel_loop3A_440 = arith.mulf %parallel_loop3A_429, %parallel_loop3A_439 : vector<16xf32>
        %parallel_loop3A_441 = arith.mulf %parallel_loop3A_440, %parallel_loop3A_437 : vector<16xf32>
        %parallel_loop3A_442 = arith.mulf %parallel_loop3A_441, %parallel_loop3A_437 : vector<16xf32>
        %parallel_loop3A_443 = arith.constant 1.500000e+00 : f32
        %parallel_loop3A_444 = vector.broadcast %parallel_loop3A_443 : f32 to vector<16xf32>
        %parallel_loop3A_445 = arith.subf %parallel_loop3A_444, %parallel_loop3A_442 : vector<16xf32>
        %parallel_loop3A_446 = arith.mulf %parallel_loop3A_437, %parallel_loop3A_445 : vector<16xf32>
        %parallel_loop3A_447 = arith.mulf %parallel_loop3A_440, %parallel_loop3A_446 : vector<16xf32>
        %parallel_loop3A_448 = arith.mulf %parallel_loop3A_447, %parallel_loop3A_446 : vector<16xf32>
        %parallel_loop3A_449 = arith.constant 1.500000e+00 : f32
        %parallel_loop3A_450 = vector.broadcast %parallel_loop3A_449 : f32 to vector<16xf32>
        %parallel_loop3A_451 = arith.subf %parallel_loop3A_450, %parallel_loop3A_448 : vector<16xf32>
        %parallel_loop3A_452 = arith.mulf %parallel_loop3A_446, %parallel_loop3A_451 : vector<16xf32>
        %parallel_loop3A_453 = arith.subf %parallel_loop3A_251, %parallel_loop3A_421 : vector<16xf32>
        %parallel_loop3A_454 = arith.mulf %parallel_loop3A_453, %parallel_loop3A_452 : vector<16xf32>
        %parallel_loop3A_455 = arith.mulf %parallel_loop3A_454, %get3A_4 : vector<16xf32>
        %parallel_loop3A_456 = arith.addf %parallel_loop3A_455, %get3A_28 : vector<16xf32>
        %parallel_loop3A_457 = arith.index_cast %parallel_loop3A_241 : i32 to index
        %parallel_loop3A_458 = arith.constant 0 : index
        %parallel_loop3A_459 = tpu.vector_load %arg14[%parallel_loop3A_457, %parallel_loop3A_458] {strides = array<i32>} : memref<40x128xf32, #tpu.memory_space<vmem>>, vector<1x16xf32>,
        %parallel_loop3A_460 = vector.shape_cast %parallel_loop3A_459 : vector<1x16xf32> to vector<16xf32>
        %parallel_loop3A_461 = vector.shape_cast %parallel_loop3A_456 : vector<16xf32> to vector<1x16xf32>
        tpu.vector_store %arg14[%parallel_loop3A_457, %parallel_loop3A_458], %parallel_loop3A_461 {strides = array<i32>} : memref<40x128xf32, #tpu.memory_space<vmem>>, vector<1x16xf32>,
        %parallel_loop3A_462 = arith.subf %parallel_loop3A_260, %parallel_loop3A_421 : vector<16xf32>
        %parallel_loop3A_463 = arith.mulf %parallel_loop3A_462, %parallel_loop3A_452 : vector<16xf32>
        %parallel_loop3A_464 = arith.mulf %parallel_loop3A_463, %get3A_7 : vector<16xf32>
        %parallel_loop3A_465 = arith.addf %parallel_loop3A_464, %get3A_31 : vector<16xf32>
        %parallel_loop3A_466 = arith.index_cast %parallel_loop3A_241 : i32 to index
        %parallel_loop3A_467 = arith.constant 16 : index
        %parallel_loop3A_468 = tpu.vector_load %arg14[%parallel_loop3A_466, %parallel_loop3A_467] {strides = array<i32>} : memref<40x128xf32, #tpu.memory_space<vmem>>, vector<1x16xf32>,
        %parallel_loop3A_469 = vector.shape_cast %parallel_loop3A_468 : vector<1x16xf32> to vector<16xf32>
        %parallel_loop3A_470 = vector.shape_cast %parallel_loop3A_465 : vector<16xf32> to vector<1x16xf32>
        tpu.vector_store %arg14[%parallel_loop3A_466, %parallel_loop3A_467], %parallel_loop3A_470 {strides = array<i32>} : memref<40x128xf32, #tpu.memory_space<vmem>>, vector<1x16xf32>,
        %parallel_loop3A_471 = arith.subf %parallel_loop3A_269, %parallel_loop3A_421 : vector<16xf32>
        %parallel_loop3A_472 = arith.mulf %parallel_loop3A_471, %parallel_loop3A_452 : vector<16xf32>
        %parallel_loop3A_473 = arith.mulf %parallel_loop3A_472, %get3A_10 : vector<16xf32>
        %parallel_loop3A_474 = arith.addf %parallel_loop3A_473, %get3A_34 : vector<16xf32>
        %parallel_loop3A_475 = arith.index_cast %parallel_loop3A_241 : i32 to index
        %parallel_loop3A_476 = arith.constant 32 : index
        %parallel_loop3A_477 = tpu.vector_load %arg14[%parallel_loop3A_475, %parallel_loop3A_476] {strides = array<i32>} : memref<40x128xf32, #tpu.memory_space<vmem>>, vector<1x16xf32>,
        %parallel_loop3A_478 = vector.shape_cast %parallel_loop3A_477 : vector<1x16xf32> to vector<16xf32>
        %parallel_loop3A_479 = vector.shape_cast %parallel_loop3A_474 : vector<16xf32> to vector<1x16xf32>
        tpu.vector_store %arg14[%parallel_loop3A_475, %parallel_loop3A_476], %parallel_loop3A_479 {strides = array<i32>} : memref<40x128xf32, #tpu.memory_space<vmem>>, vector<1x16xf32>,
        %parallel_loop3A_480 = arith.subf %parallel_loop3A_278, %parallel_loop3A_421 : vector<16xf32>
        %parallel_loop3A_481 = arith.mulf %parallel_loop3A_480, %parallel_loop3A_452 : vector<16xf32>
        %parallel_loop3A_482 = arith.mulf %parallel_loop3A_481, %get3A_13 : vector<16xf32>
        %parallel_loop3A_483 = arith.addf %parallel_loop3A_482, %get3A_37 : vector<16xf32>
        %parallel_loop3A_484 = arith.index_cast %parallel_loop3A_241 : i32 to index
        %parallel_loop3A_485 = arith.constant 48 : index
        %parallel_loop3A_486 = tpu.vector_load %arg14[%parallel_loop3A_484, %parallel_loop3A_485] {strides = array<i32>} : memref<40x128xf32, #tpu.memory_space<vmem>>, vector<1x16xf32>,
        %parallel_loop3A_487 = vector.shape_cast %parallel_loop3A_486 : vector<1x16xf32> to vector<16xf32>
        %parallel_loop3A_488 = vector.shape_cast %parallel_loop3A_483 : vector<16xf32> to vector<1x16xf32>
        tpu.vector_store %arg14[%parallel_loop3A_484, %parallel_loop3A_485], %parallel_loop3A_488 {strides = array<i32>} : memref<40x128xf32, #tpu.memory_space<vmem>>, vector<1x16xf32>,
        %parallel_loop3A_489 = arith.subf %parallel_loop3A_287, %parallel_loop3A_421 : vector<16xf32>
        %parallel_loop3A_490 = arith.mulf %parallel_loop3A_489, %parallel_loop3A_452 : vector<16xf32>
        %parallel_loop3A_491 = arith.mulf %parallel_loop3A_490, %get3A_16 : vector<16xf32>
        %parallel_loop3A_492 = arith.addf %parallel_loop3A_491, %get3A_40 : vector<16xf32>
        %parallel_loop3A_493 = arith.index_cast %parallel_loop3A_241 : i32 to index
        %parallel_loop3A_494 = arith.constant 64 : index
        %parallel_loop3A_495 = tpu.vector_load %arg14[%parallel_loop3A_493, %parallel_loop3A_494] {strides = array<i32>} : memref<40x128xf32, #tpu.memory_space<vmem>>, vector<1x16xf32>,
        %parallel_loop3A_496 = vector.shape_cast %parallel_loop3A_495 : vector<1x16xf32> to vector<16xf32>
        %parallel_loop3A_497 = vector.shape_cast %parallel_loop3A_492 : vector<16xf32> to vector<1x16xf32>
        tpu.vector_store %arg14[%parallel_loop3A_493, %parallel_loop3A_494], %parallel_loop3A_497 {strides = array<i32>} : memref<40x128xf32, #tpu.memory_space<vmem>>, vector<1x16xf32>,
        %parallel_loop3A_498 = arith.subf %parallel_loop3A_296, %parallel_loop3A_421 : vector<16xf32>
        %parallel_loop3A_499 = arith.mulf %parallel_loop3A_498, %parallel_loop3A_452 : vector<16xf32>
        %parallel_loop3A_500 = arith.mulf %parallel_loop3A_499, %get3A_19 : vector<16xf32>
        %parallel_loop3A_501 = arith.addf %parallel_loop3A_500, %get3A_43 : vector<16xf32>
        %parallel_loop3A_502 = arith.index_cast %parallel_loop3A_241 : i32 to index
        %parallel_loop3A_503 = arith.constant 80 : index
        %parallel_loop3A_504 = tpu.vector_load %arg14[%parallel_loop3A_502, %parallel_loop3A_503] {strides = array<i32>} : memref<40x128xf32, #tpu.memory_space<vmem>>, vector<1x16xf32>,
        %parallel_loop3A_505 = vector.shape_cast %parallel_loop3A_504 : vector<1x16xf32> to vector<16xf32>
        %parallel_loop3A_506 = vector.shape_cast %parallel_loop3A_501 : vector<16xf32> to vector<1x16xf32>
        tpu.vector_store %arg14[%parallel_loop3A_502, %parallel_loop3A_503], %parallel_loop3A_506 {strides = array<i32>} : memref<40x128xf32, #tpu.memory_space<vmem>>, vector<1x16xf32>,
        %parallel_loop3A_507 = arith.subf %parallel_loop3A_305, %parallel_loop3A_421 : vector<16xf32>
        %parallel_loop3A_508 = arith.mulf %parallel_loop3A_507, %parallel_loop3A_452 : vector<16xf32>
        %parallel_loop3A_509 = arith.mulf %parallel_loop3A_508, %get3A_22 : vector<16xf32>
        %parallel_loop3A_510 = arith.addf %parallel_loop3A_509, %get3A_46 : vector<16xf32>
        %parallel_loop3A_511 = arith.index_cast %parallel_loop3A_241 : i32 to index
        %parallel_loop3A_512 = arith.constant 96 : index
        %parallel_loop3A_513 = tpu.vector_load %arg14[%parallel_loop3A_511, %parallel_loop3A_512] {strides = array<i32>} : memref<40x128xf32, #tpu.memory_space<vmem>>, vector<1x16xf32>,
        %parallel_loop3A_514 = vector.shape_cast %parallel_loop3A_513 : vector<1x16xf32> to vector<16xf32>
        %parallel_loop3A_515 = vector.shape_cast %parallel_loop3A_510 : vector<16xf32> to vector<1x16xf32>
        tpu.vector_store %arg14[%parallel_loop3A_511, %parallel_loop3A_512], %parallel_loop3A_515 {strides = array<i32>} : memref<40x128xf32, #tpu.memory_space<vmem>>, vector<1x16xf32>,
        %parallel_loop3A_516 = arith.subf %parallel_loop3A_314, %parallel_loop3A_421 : vector<16xf32>
        %parallel_loop3A_517 = arith.mulf %parallel_loop3A_516, %parallel_loop3A_452 : vector<16xf32>
        %parallel_loop3A_518 = arith.mulf %parallel_loop3A_517, %get3A_25 : vector<16xf32>
        %parallel_loop3A_519 = arith.addf %parallel_loop3A_518, %get3A_49 : vector<16xf32>
        %parallel_loop3A_520 = arith.index_cast %parallel_loop3A_241 : i32 to index
        %parallel_loop3A_521 = arith.constant 112 : index
        %parallel_loop3A_522 = tpu.vector_load %arg14[%parallel_loop3A_520, %parallel_loop3A_521] {strides = array<i32>} : memref<40x128xf32, #tpu.memory_space<vmem>>, vector<1x16xf32>,
        %parallel_loop3A_523 = vector.shape_cast %parallel_loop3A_522 : vector<1x16xf32> to vector<16xf32>
        %parallel_loop3A_524 = vector.shape_cast %parallel_loop3A_519 : vector<16xf32> to vector<1x16xf32>
        tpu.vector_store %arg14[%parallel_loop3A_520, %parallel_loop3A_521], %parallel_loop3A_524 {strides = array<i32>} : memref<40x128xf32, #tpu.memory_space<vmem>>, vector<1x16xf32>,
      } {sc.loop_unroll_factor = 2 : i64, sc.parallel_access}
      %add3A_177 = arith.addi %mul3A_2, %add3A_163 : i32
      %mul3A_178 = arith.constant 40 : i32
      %mul3A_179 = arith.muli %add3A_177, %mul3A_178 : i32
      %dma_start3A_180 = arith.constant 0 : i32
      %dma_start3A_181 = tpu.memref_slice %arg7[%mul3A_179, %dma_start3A_180] : memref<204800x128xf32, #tpu.memory_space<hbm>> -> memref<40x128xf32, #tpu.memory_space<hbm>>
      %dma_start3A_182 = arith.constant 0 : i32
      %dma_start3A_183 = tpu.memref_slice %arg7[%mul3A_179, %dma_start3A_182] : memref<204800x128xf32, #tpu.memory_space<hbm>> -> memref<40x128xf32, #tpu.memory_space<hbm>>
      tpu.enqueue_dma source(%arg14 : memref<40x128xf32, #tpu.memory_space<vmem>>) target(%dma_start3A_183 : memref<40x128xf32, #tpu.memory_space<hbm>>) target_semaphore(%arg22 : memref<!tpu.dma_semaphore, #tpu.memory_space<semaphore_mem>>)
      %mul3A_184 = arith.constant 4 : i32
      %mul3A_185 = arith.muli %scan3A_113, %mul3A_184 : i32
      %add3A_186 = arith.constant 3 : i32
      %add3A_187 = arith.addi %mul3A_185, %add3A_186 : i32
      %dma_wait3A_188 = arith.constant 0 : i32
      %dma_wait3A_189 = tpu.memref_slice %arg8[%add3A_187, %dma_wait3A_188] : memref<160x40xi32, #tpu.memory_space<vmem>> -> memref<1x40xi32, #tpu.memory_space<vmem>>
      %dma_wait3A_190 = tpu.memref_squeeze %dma_wait3A_189 : memref<1x40xi32, #tpu.memory_space<vmem>> -> memref<40xi32, #tpu.memory_space<vmem>>
      %dma_wait3A_191 = arith.constant 0 : i32
      %dma_wait3A_192 = arith.constant 0 : i32
      %dma_wait3A_193 = tpu.memref_slice %arg3[%dma_wait3A_191, %dma_wait3A_192] : memref<100000x128xf32, #tpu.memory_space<hbm>> -> memref<100000x128xf32, #tpu.memory_space<hbm>>
      tpu.wait_indirect_dma semaphore(%arg19 : memref<!tpu.dma_semaphore, #tpu.memory_space<semaphore_mem>>) src(%dma_wait3A_193 : memref<100000x128xf32, #tpu.memory_space<hbm>>) dst(%arg15 : memref<40x128xf32, #tpu.memory_space<vmem>>)
      %rem3A_194 = arith.constant 5 : i32
      %rem3A_195 = arith.remsi %add3A_187, %rem3A_194 : i32
      %mul3A_196 = arith.constant 40 : i32
      %mul3A_197 = arith.muli %rem3A_195, %mul3A_196 : i32
      %parallel_loop3A_198 = arith.constant 0 : i32
      %parallel_loop3A_199 = arith.constant 40 : i32
      %parallel_loop3A_200 = arith.constant 1 : i32
      scf.for %parallel_loop3A_241 = %parallel_loop3A_198 to %parallel_loop3A_199 step %parallel_loop3A_200  : i32 {
        %parallel_loop3A_242 = arith.addi %mul3A_197, %parallel_loop3A_241 : i32
        %parallel_loop3A_243 = arith.index_cast %parallel_loop3A_241 : i32 to index
        %parallel_loop3A_244 = arith.constant 0 : index
        %parallel_loop3A_245 = tpu.vector_load %arg15[%parallel_loop3A_243, %parallel_loop3A_244] {strides = array<i32>} : memref<40x128xf32, #tpu.memory_space<vmem>>, vector<1x16xf32>,
        %parallel_loop3A_246 = vector.shape_cast %parallel_loop3A_245 : vector<1x16xf32> to vector<16xf32>
        %parallel_loop3A_247 = arith.index_cast %parallel_loop3A_242 : i32 to index
        %parallel_loop3A_248 = arith.constant 0 : index
        %parallel_loop3A_249 = tpu.vector_load %arg9[%parallel_loop3A_247, %parallel_loop3A_248] {strides = array<i32>} : memref<200x128xf32, #tpu.memory_space<vmem>>, vector<1x16xf32>,
        %parallel_loop3A_250 = vector.shape_cast %parallel_loop3A_249 : vector<1x16xf32> to vector<16xf32>
        %parallel_loop3A_251 = arith.addf %parallel_loop3A_246, %parallel_loop3A_250 : vector<16xf32>
        %parallel_loop3A_252 = arith.index_cast %parallel_loop3A_241 : i32 to index
        %parallel_loop3A_253 = arith.constant 16 : index
        %parallel_loop3A_254 = tpu.vector_load %arg15[%parallel_loop3A_252, %parallel_loop3A_253] {strides = array<i32>} : memref<40x128xf32, #tpu.memory_space<vmem>>, vector<1x16xf32>,
        %parallel_loop3A_255 = vector.shape_cast %parallel_loop3A_254 : vector<1x16xf32> to vector<16xf32>
        %parallel_loop3A_256 = arith.index_cast %parallel_loop3A_242 : i32 to index
        %parallel_loop3A_257 = arith.constant 16 : index
        %parallel_loop3A_258 = tpu.vector_load %arg9[%parallel_loop3A_256, %parallel_loop3A_257] {strides = array<i32>} : memref<200x128xf32, #tpu.memory_space<vmem>>, vector<1x16xf32>,
        %parallel_loop3A_259 = vector.shape_cast %parallel_loop3A_258 : vector<1x16xf32> to vector<16xf32>
        %parallel_loop3A_260 = arith.addf %parallel_loop3A_255, %parallel_loop3A_259 : vector<16xf32>
        %parallel_loop3A_261 = arith.index_cast %parallel_loop3A_241 : i32 to index
        %parallel_loop3A_262 = arith.constant 32 : index
        %parallel_loop3A_263 = tpu.vector_load %arg15[%parallel_loop3A_261, %parallel_loop3A_262] {strides = array<i32>} : memref<40x128xf32, #tpu.memory_space<vmem>>, vector<1x16xf32>,
        %parallel_loop3A_264 = vector.shape_cast %parallel_loop3A_263 : vector<1x16xf32> to vector<16xf32>
        %parallel_loop3A_265 = arith.index_cast %parallel_loop3A_242 : i32 to index
        %parallel_loop3A_266 = arith.constant 32 : index
        %parallel_loop3A_267 = tpu.vector_load %arg9[%parallel_loop3A_265, %parallel_loop3A_266] {strides = array<i32>} : memref<200x128xf32, #tpu.memory_space<vmem>>, vector<1x16xf32>,
        %parallel_loop3A_268 = vector.shape_cast %parallel_loop3A_267 : vector<1x16xf32> to vector<16xf32>
        %parallel_loop3A_269 = arith.addf %parallel_loop3A_264, %parallel_loop3A_268 : vector<16xf32>
        %parallel_loop3A_270 = arith.index_cast %parallel_loop3A_241 : i32 to index
        %parallel_loop3A_271 = arith.constant 48 : index
        %parallel_loop3A_272 = tpu.vector_load %arg15[%parallel_loop3A_270, %parallel_loop3A_271] {strides = array<i32>} : memref<40x128xf32, #tpu.memory_space<vmem>>, vector<1x16xf32>,
        %parallel_loop3A_273 = vector.shape_cast %parallel_loop3A_272 : vector<1x16xf32> to vector<16xf32>
        %parallel_loop3A_274 = arith.index_cast %parallel_loop3A_242 : i32 to index
        %parallel_loop3A_275 = arith.constant 48 : index
        %parallel_loop3A_276 = tpu.vector_load %arg9[%parallel_loop3A_274, %parallel_loop3A_275] {strides = array<i32>} : memref<200x128xf32, #tpu.memory_space<vmem>>, vector<1x16xf32>,
        %parallel_loop3A_277 = vector.shape_cast %parallel_loop3A_276 : vector<1x16xf32> to vector<16xf32>
        %parallel_loop3A_278 = arith.addf %parallel_loop3A_273, %parallel_loop3A_277 : vector<16xf32>
        %parallel_loop3A_279 = arith.index_cast %parallel_loop3A_241 : i32 to index
        %parallel_loop3A_280 = arith.constant 64 : index
        %parallel_loop3A_281 = tpu.vector_load %arg15[%parallel_loop3A_279, %parallel_loop3A_280] {strides = array<i32>} : memref<40x128xf32, #tpu.memory_space<vmem>>, vector<1x16xf32>,
        %parallel_loop3A_282 = vector.shape_cast %parallel_loop3A_281 : vector<1x16xf32> to vector<16xf32>
        %parallel_loop3A_283 = arith.index_cast %parallel_loop3A_242 : i32 to index
        %parallel_loop3A_284 = arith.constant 64 : index
        %parallel_loop3A_285 = tpu.vector_load %arg9[%parallel_loop3A_283, %parallel_loop3A_284] {strides = array<i32>} : memref<200x128xf32, #tpu.memory_space<vmem>>, vector<1x16xf32>,
        %parallel_loop3A_286 = vector.shape_cast %parallel_loop3A_285 : vector<1x16xf32> to vector<16xf32>
        %parallel_loop3A_287 = arith.addf %parallel_loop3A_282, %parallel_loop3A_286 : vector<16xf32>
        %parallel_loop3A_288 = arith.index_cast %parallel_loop3A_241 : i32 to index
        %parallel_loop3A_289 = arith.constant 80 : index
        %parallel_loop3A_290 = tpu.vector_load %arg15[%parallel_loop3A_288, %parallel_loop3A_289] {strides = array<i32>} : memref<40x128xf32, #tpu.memory_space<vmem>>, vector<1x16xf32>,
        %parallel_loop3A_291 = vector.shape_cast %parallel_loop3A_290 : vector<1x16xf32> to vector<16xf32>
        %parallel_loop3A_292 = arith.index_cast %parallel_loop3A_242 : i32 to index
        %parallel_loop3A_293 = arith.constant 80 : index
        %parallel_loop3A_294 = tpu.vector_load %arg9[%parallel_loop3A_292, %parallel_loop3A_293] {strides = array<i32>} : memref<200x128xf32, #tpu.memory_space<vmem>>, vector<1x16xf32>,
        %parallel_loop3A_295 = vector.shape_cast %parallel_loop3A_294 : vector<1x16xf32> to vector<16xf32>
        %parallel_loop3A_296 = arith.addf %parallel_loop3A_291, %parallel_loop3A_295 : vector<16xf32>
        %parallel_loop3A_297 = arith.index_cast %parallel_loop3A_241 : i32 to index
        %parallel_loop3A_298 = arith.constant 96 : index
        %parallel_loop3A_299 = tpu.vector_load %arg15[%parallel_loop3A_297, %parallel_loop3A_298] {strides = array<i32>} : memref<40x128xf32, #tpu.memory_space<vmem>>, vector<1x16xf32>,
        %parallel_loop3A_300 = vector.shape_cast %parallel_loop3A_299 : vector<1x16xf32> to vector<16xf32>
        %parallel_loop3A_301 = arith.index_cast %parallel_loop3A_242 : i32 to index
        %parallel_loop3A_302 = arith.constant 96 : index
        %parallel_loop3A_303 = tpu.vector_load %arg9[%parallel_loop3A_301, %parallel_loop3A_302] {strides = array<i32>} : memref<200x128xf32, #tpu.memory_space<vmem>>, vector<1x16xf32>,
        %parallel_loop3A_304 = vector.shape_cast %parallel_loop3A_303 : vector<1x16xf32> to vector<16xf32>
        %parallel_loop3A_305 = arith.addf %parallel_loop3A_300, %parallel_loop3A_304 : vector<16xf32>
        %parallel_loop3A_306 = arith.index_cast %parallel_loop3A_241 : i32 to index
        %parallel_loop3A_307 = arith.constant 112 : index
        %parallel_loop3A_308 = tpu.vector_load %arg15[%parallel_loop3A_306, %parallel_loop3A_307] {strides = array<i32>} : memref<40x128xf32, #tpu.memory_space<vmem>>, vector<1x16xf32>,
        %parallel_loop3A_309 = vector.shape_cast %parallel_loop3A_308 : vector<1x16xf32> to vector<16xf32>
        %parallel_loop3A_310 = arith.index_cast %parallel_loop3A_242 : i32 to index
        %parallel_loop3A_311 = arith.constant 112 : index
        %parallel_loop3A_312 = tpu.vector_load %arg9[%parallel_loop3A_310, %parallel_loop3A_311] {strides = array<i32>} : memref<200x128xf32, #tpu.memory_space<vmem>>, vector<1x16xf32>,
        %parallel_loop3A_313 = vector.shape_cast %parallel_loop3A_312 : vector<1x16xf32> to vector<16xf32>
        %parallel_loop3A_314 = arith.addf %parallel_loop3A_309, %parallel_loop3A_313 : vector<16xf32>
        %parallel_loop3A_315 = arith.mulf %parallel_loop3A_251, %parallel_loop3A_251 : vector<16xf32>
        %parallel_loop3A_316 = arith.addf %parallel_loop3A_251, %parallel_loop3A_260 : vector<16xf32>
        %parallel_loop3A_317 = arith.mulf %parallel_loop3A_260, %parallel_loop3A_260 : vector<16xf32>
        %parallel_loop3A_318 = arith.addf %parallel_loop3A_315, %parallel_loop3A_317 : vector<16xf32>
        %parallel_loop3A_319 = arith.addf %parallel_loop3A_316, %parallel_loop3A_269 : vector<16xf32>
        %parallel_loop3A_320 = arith.mulf %parallel_loop3A_269, %parallel_loop3A_269 : vector<16xf32>
        %parallel_loop3A_321 = arith.addf %parallel_loop3A_318, %parallel_loop3A_320 : vector<16xf32>
        %parallel_loop3A_322 = arith.addf %parallel_loop3A_319, %parallel_loop3A_278 : vector<16xf32>
        %parallel_loop3A_323 = arith.mulf %parallel_loop3A_278, %parallel_loop3A_278 : vector<16xf32>
        %parallel_loop3A_324 = arith.addf %parallel_loop3A_321, %parallel_loop3A_323 : vector<16xf32>
        %parallel_loop3A_325 = arith.addf %parallel_loop3A_322, %parallel_loop3A_287 : vector<16xf32>
        %parallel_loop3A_326 = arith.mulf %parallel_loop3A_287, %parallel_loop3A_287 : vector<16xf32>
        %parallel_loop3A_327 = arith.addf %parallel_loop3A_324, %parallel_loop3A_326 : vector<16xf32>
        %parallel_loop3A_328 = arith.addf %parallel_loop3A_325, %parallel_loop3A_296 : vector<16xf32>
        %parallel_loop3A_329 = arith.mulf %parallel_loop3A_296, %parallel_loop3A_296 : vector<16xf32>
        %parallel_loop3A_330 = arith.addf %parallel_loop3A_327, %parallel_loop3A_329 : vector<16xf32>
        %parallel_loop3A_331 = arith.addf %parallel_loop3A_328, %parallel_loop3A_305 : vector<16xf32>
        %parallel_loop3A_332 = arith.mulf %parallel_loop3A_305, %parallel_loop3A_305 : vector<16xf32>
        %parallel_loop3A_333 = arith.addf %parallel_loop3A_330, %parallel_loop3A_332 : vector<16xf32>
        %parallel_loop3A_334 = arith.addf %parallel_loop3A_331, %parallel_loop3A_314 : vector<16xf32>
        %parallel_loop3A_335 = arith.mulf %parallel_loop3A_314, %parallel_loop3A_314 : vector<16xf32>
        %parallel_loop3A_336 = arith.addf %parallel_loop3A_333, %parallel_loop3A_335 : vector<16xf32>
        %parallel_loop3A_337 = tpu.iota {dimensions = array<i32: 0>} : vector<16xi32>
        %parallel_loop3A_338 = arith.constant 1 : i32
        %parallel_loop3A_339 = vector.broadcast %parallel_loop3A_338 : i32 to vector<16xi32>
        %parallel_loop3A_340 = arith.addi %parallel_loop3A_337, %parallel_loop3A_339 : vector<16xi32>
        %parallel_loop3A_341 = arith.constant 15 : i32
        %parallel_loop3A_342 = vector.broadcast %parallel_loop3A_341 : i32 to vector<16xi32>
        %parallel_loop3A_343 = arith.andi %parallel_loop3A_340, %parallel_loop3A_342 : vector<16xi32>
        %parallel_loop3A_344 = vector.shape_cast %parallel_loop3A_343 : vector<16xi32> to vector<16x1xi32>
        %parallel_loop3A_345 = vector.shape_cast %parallel_loop3A_344 : vector<16x1xi32> to vector<16xi32>
        %parallel_loop3A_346 = tpu.dynamic_gather %parallel_loop3A_334[%parallel_loop3A_345] in [0] : vector<16xf32>, vector<16xi32> -> vector<16xf32>
        %parallel_loop3A_347 = arith.addf %parallel_loop3A_334, %parallel_loop3A_346 : vector<16xf32>
        %parallel_loop3A_348 = arith.constant 2 : i32
        %parallel_loop3A_349 = vector.broadcast %parallel_loop3A_348 : i32 to vector<16xi32>
        %parallel_loop3A_350 = arith.addi %parallel_loop3A_337, %parallel_loop3A_349 : vector<16xi32>
        %parallel_loop3A_351 = arith.constant 15 : i32
        %parallel_loop3A_352 = vector.broadcast %parallel_loop3A_351 : i32 to vector<16xi32>
        %parallel_loop3A_353 = arith.andi %parallel_loop3A_350, %parallel_loop3A_352 : vector<16xi32>
        %parallel_loop3A_354 = vector.shape_cast %parallel_loop3A_353 : vector<16xi32> to vector<16x1xi32>
        %parallel_loop3A_355 = vector.shape_cast %parallel_loop3A_354 : vector<16x1xi32> to vector<16xi32>
        %parallel_loop3A_356 = tpu.dynamic_gather %parallel_loop3A_347[%parallel_loop3A_355] in [0] : vector<16xf32>, vector<16xi32> -> vector<16xf32>
        %parallel_loop3A_357 = arith.addf %parallel_loop3A_347, %parallel_loop3A_356 : vector<16xf32>
        %parallel_loop3A_358 = arith.constant 4 : i32
        %parallel_loop3A_359 = vector.broadcast %parallel_loop3A_358 : i32 to vector<16xi32>
        %parallel_loop3A_360 = arith.addi %parallel_loop3A_337, %parallel_loop3A_359 : vector<16xi32>
        %parallel_loop3A_361 = arith.constant 15 : i32
        %parallel_loop3A_362 = vector.broadcast %parallel_loop3A_361 : i32 to vector<16xi32>
        %parallel_loop3A_363 = arith.andi %parallel_loop3A_360, %parallel_loop3A_362 : vector<16xi32>
        %parallel_loop3A_364 = vector.shape_cast %parallel_loop3A_363 : vector<16xi32> to vector<16x1xi32>
        %parallel_loop3A_365 = vector.shape_cast %parallel_loop3A_364 : vector<16x1xi32> to vector<16xi32>
        %parallel_loop3A_366 = tpu.dynamic_gather %parallel_loop3A_357[%parallel_loop3A_365] in [0] : vector<16xf32>, vector<16xi32> -> vector<16xf32>
        %parallel_loop3A_367 = arith.addf %parallel_loop3A_357, %parallel_loop3A_366 : vector<16xf32>
        %parallel_loop3A_368 = arith.constant 8 : i32
        %parallel_loop3A_369 = vector.broadcast %parallel_loop3A_368 : i32 to vector<16xi32>
        %parallel_loop3A_370 = arith.addi %parallel_loop3A_337, %parallel_loop3A_369 : vector<16xi32>
        %parallel_loop3A_371 = arith.constant 15 : i32
        %parallel_loop3A_372 = vector.broadcast %parallel_loop3A_371 : i32 to vector<16xi32>
        %parallel_loop3A_373 = arith.andi %parallel_loop3A_370, %parallel_loop3A_372 : vector<16xi32>
        %parallel_loop3A_374 = vector.shape_cast %parallel_loop3A_373 : vector<16xi32> to vector<16x1xi32>
        %parallel_loop3A_375 = vector.shape_cast %parallel_loop3A_374 : vector<16x1xi32> to vector<16xi32>
        %parallel_loop3A_376 = tpu.dynamic_gather %parallel_loop3A_367[%parallel_loop3A_375] in [0] : vector<16xf32>, vector<16xi32> -> vector<16xf32>
        %parallel_loop3A_377 = arith.addf %parallel_loop3A_367, %parallel_loop3A_376 : vector<16xf32>
        %parallel_loop3A_378 = tpu.iota {dimensions = array<i32: 0>} : vector<16xi32>
        %parallel_loop3A_379 = arith.constant 1 : i32
        %parallel_loop3A_380 = vector.broadcast %parallel_loop3A_379 : i32 to vector<16xi32>
        %parallel_loop3A_381 = arith.addi %parallel_loop3A_378, %parallel_loop3A_380 : vector<16xi32>
        %parallel_loop3A_382 = arith.constant 15 : i32
        %parallel_loop3A_383 = vector.broadcast %parallel_loop3A_382 : i32 to vector<16xi32>
        %parallel_loop3A_384 = arith.andi %parallel_loop3A_381, %parallel_loop3A_383 : vector<16xi32>
        %parallel_loop3A_385 = vector.shape_cast %parallel_loop3A_384 : vector<16xi32> to vector<16x1xi32>
        %parallel_loop3A_386 = vector.shape_cast %parallel_loop3A_385 : vector<16x1xi32> to vector<16xi32>
        %parallel_loop3A_387 = tpu.dynamic_gather %parallel_loop3A_336[%parallel_loop3A_386] in [0] : vector<16xf32>, vector<16xi32> -> vector<16xf32>
        %parallel_loop3A_388 = arith.addf %parallel_loop3A_336, %parallel_loop3A_387 : vector<16xf32>
        %parallel_loop3A_389 = arith.constant 2 : i32
        %parallel_loop3A_390 = vector.broadcast %parallel_loop3A_389 : i32 to vector<16xi32>
        %parallel_loop3A_391 = arith.addi %parallel_loop3A_378, %parallel_loop3A_390 : vector<16xi32>
        %parallel_loop3A_392 = arith.constant 15 : i32
        %parallel_loop3A_393 = vector.broadcast %parallel_loop3A_392 : i32 to vector<16xi32>
        %parallel_loop3A_394 = arith.andi %parallel_loop3A_391, %parallel_loop3A_393 : vector<16xi32>
        %parallel_loop3A_395 = vector.shape_cast %parallel_loop3A_394 : vector<16xi32> to vector<16x1xi32>
        %parallel_loop3A_396 = vector.shape_cast %parallel_loop3A_395 : vector<16x1xi32> to vector<16xi32>
        %parallel_loop3A_397 = tpu.dynamic_gather %parallel_loop3A_388[%parallel_loop3A_396] in [0] : vector<16xf32>, vector<16xi32> -> vector<16xf32>
        %parallel_loop3A_398 = arith.addf %parallel_loop3A_388, %parallel_loop3A_397 : vector<16xf32>
        %parallel_loop3A_399 = arith.constant 4 : i32
        %parallel_loop3A_400 = vector.broadcast %parallel_loop3A_399 : i32 to vector<16xi32>
        %parallel_loop3A_401 = arith.addi %parallel_loop3A_378, %parallel_loop3A_400 : vector<16xi32>
        %parallel_loop3A_402 = arith.constant 15 : i32
        %parallel_loop3A_403 = vector.broadcast %parallel_loop3A_402 : i32 to vector<16xi32>
        %parallel_loop3A_404 = arith.andi %parallel_loop3A_401, %parallel_loop3A_403 : vector<16xi32>
        %parallel_loop3A_405 = vector.shape_cast %parallel_loop3A_404 : vector<16xi32> to vector<16x1xi32>
        %parallel_loop3A_406 = vector.shape_cast %parallel_loop3A_405 : vector<16x1xi32> to vector<16xi32>
        %parallel_loop3A_407 = tpu.dynamic_gather %parallel_loop3A_398[%parallel_loop3A_406] in [0] : vector<16xf32>, vector<16xi32> -> vector<16xf32>
        %parallel_loop3A_408 = arith.addf %parallel_loop3A_398, %parallel_loop3A_407 : vector<16xf32>
        %parallel_loop3A_409 = arith.constant 8 : i32
        %parallel_loop3A_410 = vector.broadcast %parallel_loop3A_409 : i32 to vector<16xi32>
        %parallel_loop3A_411 = arith.addi %parallel_loop3A_378, %parallel_loop3A_410 : vector<16xi32>
        %parallel_loop3A_412 = arith.constant 15 : i32
        %parallel_loop3A_413 = vector.broadcast %parallel_loop3A_412 : i32 to vector<16xi32>
        %parallel_loop3A_414 = arith.andi %parallel_loop3A_411, %parallel_loop3A_413 : vector<16xi32>
        %parallel_loop3A_415 = vector.shape_cast %parallel_loop3A_414 : vector<16xi32> to vector<16x1xi32>
        %parallel_loop3A_416 = vector.shape_cast %parallel_loop3A_415 : vector<16x1xi32> to vector<16xi32>
        %parallel_loop3A_417 = tpu.dynamic_gather %parallel_loop3A_408[%parallel_loop3A_416] in [0] : vector<16xf32>, vector<16xi32> -> vector<16xf32>
        %parallel_loop3A_418 = arith.addf %parallel_loop3A_408, %parallel_loop3A_417 : vector<16xf32>
        %parallel_loop3A_419 = arith.constant 7.812500e-03 : f32
        %parallel_loop3A_420 = vector.broadcast %parallel_loop3A_419 : f32 to vector<16xf32>
        %parallel_loop3A_421 = arith.mulf %parallel_loop3A_377, %parallel_loop3A_420 : vector<16xf32>
        %parallel_loop3A_422 = arith.constant 7.812500e-03 : f32
        %parallel_loop3A_423 = vector.broadcast %parallel_loop3A_422 : f32 to vector<16xf32>
        %parallel_loop3A_424 = arith.mulf %parallel_loop3A_418, %parallel_loop3A_423 : vector<16xf32>
        %parallel_loop3A_425 = arith.mulf %parallel_loop3A_421, %parallel_loop3A_421 : vector<16xf32>
        %parallel_loop3A_426 = arith.subf %parallel_loop3A_424, %parallel_loop3A_425 : vector<16xf32>
        %parallel_loop3A_427 = arith.constant 9.99999996E-13 : f32
        %parallel_loop3A_428 = vector.broadcast %parallel_loop3A_427 : f32 to vector<16xf32>
        %parallel_loop3A_429 = arith.addf %parallel_loop3A_426, %parallel_loop3A_428 : vector<16xf32>
        %parallel_loop3A_430 = tpu.bitcast %parallel_loop3A_429 : vector<16xf32> -> vector<16xi32>
        %parallel_loop3A_431 = arith.constant 1 : i32
        %parallel_loop3A_432 = vector.broadcast %parallel_loop3A_431 : i32 to vector<16xi32>
        %parallel_loop3A_433 = arith.shrui %parallel_loop3A_430, %parallel_loop3A_432 : vector<16xi32>
        %parallel_loop3A_434 = arith.constant 1597463007 : i32
        %parallel_loop3A_435 = vector.broadcast %parallel_loop3A_434 : i32 to vector<16xi32>
        %parallel_loop3A_436 = arith.subi %parallel_loop3A_435, %parallel_loop3A_433 : vector<16xi32>
        %parallel_loop3A_437 = tpu.bitcast %parallel_loop3A_436 : vector<16xi32> -> vector<16xf32>
        %parallel_loop3A_438 = arith.constant 5.000000e-01 : f32
        %parallel_loop3A_439 = vector.broadcast %parallel_loop3A_438 : f32 to vector<16xf32>
        %parallel_loop3A_440 = arith.mulf %parallel_loop3A_429, %parallel_loop3A_439 : vector<16xf32>
        %parallel_loop3A_441 = arith.mulf %parallel_loop3A_440, %parallel_loop3A_437 : vector<16xf32>
        %parallel_loop3A_442 = arith.mulf %parallel_loop3A_441, %parallel_loop3A_437 : vector<16xf32>
        %parallel_loop3A_443 = arith.constant 1.500000e+00 : f32
        %parallel_loop3A_444 = vector.broadcast %parallel_loop3A_443 : f32 to vector<16xf32>
        %parallel_loop3A_445 = arith.subf %parallel_loop3A_444, %parallel_loop3A_442 : vector<16xf32>
        %parallel_loop3A_446 = arith.mulf %parallel_loop3A_437, %parallel_loop3A_445 : vector<16xf32>
        %parallel_loop3A_447 = arith.mulf %parallel_loop3A_440, %parallel_loop3A_446 : vector<16xf32>
        %parallel_loop3A_448 = arith.mulf %parallel_loop3A_447, %parallel_loop3A_446 : vector<16xf32>
        %parallel_loop3A_449 = arith.constant 1.500000e+00 : f32
        %parallel_loop3A_450 = vector.broadcast %parallel_loop3A_449 : f32 to vector<16xf32>
        %parallel_loop3A_451 = arith.subf %parallel_loop3A_450, %parallel_loop3A_448 : vector<16xf32>
        %parallel_loop3A_452 = arith.mulf %parallel_loop3A_446, %parallel_loop3A_451 : vector<16xf32>
        %parallel_loop3A_453 = arith.subf %parallel_loop3A_251, %parallel_loop3A_421 : vector<16xf32>
        %parallel_loop3A_454 = arith.mulf %parallel_loop3A_453, %parallel_loop3A_452 : vector<16xf32>
        %parallel_loop3A_455 = arith.mulf %parallel_loop3A_454, %get3A_4 : vector<16xf32>
        %parallel_loop3A_456 = arith.addf %parallel_loop3A_455, %get3A_28 : vector<16xf32>
        %parallel_loop3A_457 = arith.index_cast %parallel_loop3A_241 : i32 to index
        %parallel_loop3A_458 = arith.constant 0 : index
        %parallel_loop3A_459 = tpu.vector_load %arg15[%parallel_loop3A_457, %parallel_loop3A_458] {strides = array<i32>} : memref<40x128xf32, #tpu.memory_space<vmem>>, vector<1x16xf32>,
        %parallel_loop3A_460 = vector.shape_cast %parallel_loop3A_459 : vector<1x16xf32> to vector<16xf32>
        %parallel_loop3A_461 = vector.shape_cast %parallel_loop3A_456 : vector<16xf32> to vector<1x16xf32>
        tpu.vector_store %arg15[%parallel_loop3A_457, %parallel_loop3A_458], %parallel_loop3A_461 {strides = array<i32>} : memref<40x128xf32, #tpu.memory_space<vmem>>, vector<1x16xf32>,
        %parallel_loop3A_462 = arith.subf %parallel_loop3A_260, %parallel_loop3A_421 : vector<16xf32>
        %parallel_loop3A_463 = arith.mulf %parallel_loop3A_462, %parallel_loop3A_452 : vector<16xf32>
        %parallel_loop3A_464 = arith.mulf %parallel_loop3A_463, %get3A_7 : vector<16xf32>
        %parallel_loop3A_465 = arith.addf %parallel_loop3A_464, %get3A_31 : vector<16xf32>
        %parallel_loop3A_466 = arith.index_cast %parallel_loop3A_241 : i32 to index
        %parallel_loop3A_467 = arith.constant 16 : index
        %parallel_loop3A_468 = tpu.vector_load %arg15[%parallel_loop3A_466, %parallel_loop3A_467] {strides = array<i32>} : memref<40x128xf32, #tpu.memory_space<vmem>>, vector<1x16xf32>,
        %parallel_loop3A_469 = vector.shape_cast %parallel_loop3A_468 : vector<1x16xf32> to vector<16xf32>
        %parallel_loop3A_470 = vector.shape_cast %parallel_loop3A_465 : vector<16xf32> to vector<1x16xf32>
        tpu.vector_store %arg15[%parallel_loop3A_466, %parallel_loop3A_467], %parallel_loop3A_470 {strides = array<i32>} : memref<40x128xf32, #tpu.memory_space<vmem>>, vector<1x16xf32>,
        %parallel_loop3A_471 = arith.subf %parallel_loop3A_269, %parallel_loop3A_421 : vector<16xf32>
        %parallel_loop3A_472 = arith.mulf %parallel_loop3A_471, %parallel_loop3A_452 : vector<16xf32>
        %parallel_loop3A_473 = arith.mulf %parallel_loop3A_472, %get3A_10 : vector<16xf32>
        %parallel_loop3A_474 = arith.addf %parallel_loop3A_473, %get3A_34 : vector<16xf32>
        %parallel_loop3A_475 = arith.index_cast %parallel_loop3A_241 : i32 to index
        %parallel_loop3A_476 = arith.constant 32 : index
        %parallel_loop3A_477 = tpu.vector_load %arg15[%parallel_loop3A_475, %parallel_loop3A_476] {strides = array<i32>} : memref<40x128xf32, #tpu.memory_space<vmem>>, vector<1x16xf32>,
        %parallel_loop3A_478 = vector.shape_cast %parallel_loop3A_477 : vector<1x16xf32> to vector<16xf32>
        %parallel_loop3A_479 = vector.shape_cast %parallel_loop3A_474 : vector<16xf32> to vector<1x16xf32>
        tpu.vector_store %arg15[%parallel_loop3A_475, %parallel_loop3A_476], %parallel_loop3A_479 {strides = array<i32>} : memref<40x128xf32, #tpu.memory_space<vmem>>, vector<1x16xf32>,
        %parallel_loop3A_480 = arith.subf %parallel_loop3A_278, %parallel_loop3A_421 : vector<16xf32>
        %parallel_loop3A_481 = arith.mulf %parallel_loop3A_480, %parallel_loop3A_452 : vector<16xf32>
        %parallel_loop3A_482 = arith.mulf %parallel_loop3A_481, %get3A_13 : vector<16xf32>
        %parallel_loop3A_483 = arith.addf %parallel_loop3A_482, %get3A_37 : vector<16xf32>
        %parallel_loop3A_484 = arith.index_cast %parallel_loop3A_241 : i32 to index
        %parallel_loop3A_485 = arith.constant 48 : index
        %parallel_loop3A_486 = tpu.vector_load %arg15[%parallel_loop3A_484, %parallel_loop3A_485] {strides = array<i32>} : memref<40x128xf32, #tpu.memory_space<vmem>>, vector<1x16xf32>,
        %parallel_loop3A_487 = vector.shape_cast %parallel_loop3A_486 : vector<1x16xf32> to vector<16xf32>
        %parallel_loop3A_488 = vector.shape_cast %parallel_loop3A_483 : vector<16xf32> to vector<1x16xf32>
        tpu.vector_store %arg15[%parallel_loop3A_484, %parallel_loop3A_485], %parallel_loop3A_488 {strides = array<i32>} : memref<40x128xf32, #tpu.memory_space<vmem>>, vector<1x16xf32>,
        %parallel_loop3A_489 = arith.subf %parallel_loop3A_287, %parallel_loop3A_421 : vector<16xf32>
        %parallel_loop3A_490 = arith.mulf %parallel_loop3A_489, %parallel_loop3A_452 : vector<16xf32>
        %parallel_loop3A_491 = arith.mulf %parallel_loop3A_490, %get3A_16 : vector<16xf32>
        %parallel_loop3A_492 = arith.addf %parallel_loop3A_491, %get3A_40 : vector<16xf32>
        %parallel_loop3A_493 = arith.index_cast %parallel_loop3A_241 : i32 to index
        %parallel_loop3A_494 = arith.constant 64 : index
        %parallel_loop3A_495 = tpu.vector_load %arg15[%parallel_loop3A_493, %parallel_loop3A_494] {strides = array<i32>} : memref<40x128xf32, #tpu.memory_space<vmem>>, vector<1x16xf32>,
        %parallel_loop3A_496 = vector.shape_cast %parallel_loop3A_495 : vector<1x16xf32> to vector<16xf32>
        %parallel_loop3A_497 = vector.shape_cast %parallel_loop3A_492 : vector<16xf32> to vector<1x16xf32>
        tpu.vector_store %arg15[%parallel_loop3A_493, %parallel_loop3A_494], %parallel_loop3A_497 {strides = array<i32>} : memref<40x128xf32, #tpu.memory_space<vmem>>, vector<1x16xf32>,
        %parallel_loop3A_498 = arith.subf %parallel_loop3A_296, %parallel_loop3A_421 : vector<16xf32>
        %parallel_loop3A_499 = arith.mulf %parallel_loop3A_498, %parallel_loop3A_452 : vector<16xf32>
        %parallel_loop3A_500 = arith.mulf %parallel_loop3A_499, %get3A_19 : vector<16xf32>
        %parallel_loop3A_501 = arith.addf %parallel_loop3A_500, %get3A_43 : vector<16xf32>
        %parallel_loop3A_502 = arith.index_cast %parallel_loop3A_241 : i32 to index
        %parallel_loop3A_503 = arith.constant 80 : index
        %parallel_loop3A_504 = tpu.vector_load %arg15[%parallel_loop3A_502, %parallel_loop3A_503] {strides = array<i32>} : memref<40x128xf32, #tpu.memory_space<vmem>>, vector<1x16xf32>,
        %parallel_loop3A_505 = vector.shape_cast %parallel_loop3A_504 : vector<1x16xf32> to vector<16xf32>
        %parallel_loop3A_506 = vector.shape_cast %parallel_loop3A_501 : vector<16xf32> to vector<1x16xf32>
        tpu.vector_store %arg15[%parallel_loop3A_502, %parallel_loop3A_503], %parallel_loop3A_506 {strides = array<i32>} : memref<40x128xf32, #tpu.memory_space<vmem>>, vector<1x16xf32>,
        %parallel_loop3A_507 = arith.subf %parallel_loop3A_305, %parallel_loop3A_421 : vector<16xf32>
        %parallel_loop3A_508 = arith.mulf %parallel_loop3A_507, %parallel_loop3A_452 : vector<16xf32>
        %parallel_loop3A_509 = arith.mulf %parallel_loop3A_508, %get3A_22 : vector<16xf32>
        %parallel_loop3A_510 = arith.addf %parallel_loop3A_509, %get3A_46 : vector<16xf32>
        %parallel_loop3A_511 = arith.index_cast %parallel_loop3A_241 : i32 to index
        %parallel_loop3A_512 = arith.constant 96 : index
        %parallel_loop3A_513 = tpu.vector_load %arg15[%parallel_loop3A_511, %parallel_loop3A_512] {strides = array<i32>} : memref<40x128xf32, #tpu.memory_space<vmem>>, vector<1x16xf32>,
        %parallel_loop3A_514 = vector.shape_cast %parallel_loop3A_513 : vector<1x16xf32> to vector<16xf32>
        %parallel_loop3A_515 = vector.shape_cast %parallel_loop3A_510 : vector<16xf32> to vector<1x16xf32>
        tpu.vector_store %arg15[%parallel_loop3A_511, %parallel_loop3A_512], %parallel_loop3A_515 {strides = array<i32>} : memref<40x128xf32, #tpu.memory_space<vmem>>, vector<1x16xf32>,
        %parallel_loop3A_516 = arith.subf %parallel_loop3A_314, %parallel_loop3A_421 : vector<16xf32>
        %parallel_loop3A_517 = arith.mulf %parallel_loop3A_516, %parallel_loop3A_452 : vector<16xf32>
        %parallel_loop3A_518 = arith.mulf %parallel_loop3A_517, %get3A_25 : vector<16xf32>
        %parallel_loop3A_519 = arith.addf %parallel_loop3A_518, %get3A_49 : vector<16xf32>
        %parallel_loop3A_520 = arith.index_cast %parallel_loop3A_241 : i32 to index
        %parallel_loop3A_521 = arith.constant 112 : index
        %parallel_loop3A_522 = tpu.vector_load %arg15[%parallel_loop3A_520, %parallel_loop3A_521] {strides = array<i32>} : memref<40x128xf32, #tpu.memory_space<vmem>>, vector<1x16xf32>,
        %parallel_loop3A_523 = vector.shape_cast %parallel_loop3A_522 : vector<1x16xf32> to vector<16xf32>
        %parallel_loop3A_524 = vector.shape_cast %parallel_loop3A_519 : vector<16xf32> to vector<1x16xf32>
        tpu.vector_store %arg15[%parallel_loop3A_520, %parallel_loop3A_521], %parallel_loop3A_524 {strides = array<i32>} : memref<40x128xf32, #tpu.memory_space<vmem>>, vector<1x16xf32>,
      } {sc.loop_unroll_factor = 2 : i64, sc.parallel_access}
      %add3A_201 = arith.addi %mul3A_2, %add3A_187 : i32
      %mul3A_202 = arith.constant 40 : i32
      %mul3A_203 = arith.muli %add3A_201, %mul3A_202 : i32
      %dma_start3A_204 = arith.constant 0 : i32
      %dma_start3A_205 = tpu.memref_slice %arg7[%mul3A_203, %dma_start3A_204] : memref<204800x128xf32, #tpu.memory_space<hbm>> -> memref<40x128xf32, #tpu.memory_space<hbm>>
      %dma_start3A_206 = arith.constant 0 : i32
      %dma_start3A_207 = tpu.memref_slice %arg7[%mul3A_203, %dma_start3A_206] : memref<204800x128xf32, #tpu.memory_space<hbm>> -> memref<40x128xf32, #tpu.memory_space<hbm>>
      tpu.enqueue_dma source(%arg15 : memref<40x128xf32, #tpu.memory_space<vmem>>) target(%dma_start3A_207 : memref<40x128xf32, #tpu.memory_space<hbm>>) target_semaphore(%arg23 : memref<!tpu.dma_semaphore, #tpu.memory_space<semaphore_mem>>)
      %mul3A_208 = arith.constant 4 : i32
      %mul3A_209 = arith.muli %scan3A_113, %mul3A_208 : i32
      %add3A_210 = arith.constant 0 : i32
      %add3A_211 = arith.addi %mul3A_209, %add3A_210 : i32
      %lt3A = arith.constant 39 : i32
      %lt3A_212 = arith.cmpi slt, %scan3A_113, %lt3A : i32
      %convert_element_type3A = arith.extui %lt3A_212 : i1 to i32
      %cond3A = arith.constant 0 : i32
      %cond3A_213 = arith.cmpi ne, %convert_element_type3A, %cond3A : i32
      scf.if %cond3A_213 {
        %add3A_241 = arith.addi %mul3A_2, %add3A_211 : i32
        %mul3A_242 = arith.constant 40 : i32
        %mul3A_243 = arith.muli %add3A_241, %mul3A_242 : i32
        %dma_wait3A_244 = arith.constant 0 : i32
        %dma_wait3A_245 = tpu.memref_slice %arg7[%mul3A_243, %dma_wait3A_244] : memref<204800x128xf32, #tpu.memory_space<hbm>> -> memref<40x128xf32, #tpu.memory_space<hbm>>
        %dma_wait3A_246 = arith.constant 0 : i32
        %dma_wait3A_247 = tpu.memref_slice %arg7[%mul3A_243, %dma_wait3A_246] : memref<204800x128xf32, #tpu.memory_space<hbm>> -> memref<40x128xf32, #tpu.memory_space<hbm>>
        tpu.wait_dma2 semaphore(%arg20 : memref<!tpu.dma_semaphore, #tpu.memory_space<semaphore_mem>>) src(%arg12 : memref<40x128xf32, #tpu.memory_space<vmem>>) dst(%dma_wait3A_247 : memref<40x128xf32, #tpu.memory_space<hbm>>)
        %add3A_248 = arith.constant 4 : i32
        %add3A_249 = arith.addi %add3A_211, %add3A_248 : i32
        %dma_start3A_250 = arith.constant 0 : i32
        %dma_start3A_251 = tpu.memref_slice %arg8[%add3A_249, %dma_start3A_250] : memref<160x40xi32, #tpu.memory_space<vmem>> -> memref<1x40xi32, #tpu.memory_space<vmem>>
        %dma_start3A_252 = tpu.memref_squeeze %dma_start3A_251 : memref<1x40xi32, #tpu.memory_space<vmem>> -> memref<40xi32, #tpu.memory_space<vmem>>
        %dma_start3A_253 = arith.constant 0 : i32
        %dma_start3A_254 = arith.constant 0 : i32
        %dma_start3A_255 = tpu.memref_slice %arg3[%dma_start3A_253, %dma_start3A_254] : memref<100000x128xf32, #tpu.memory_space<hbm>> -> memref<100000x128xf32, #tpu.memory_space<hbm>>
        tpu.enqueue_indirect_dma source(%dma_start3A_255 : memref<100000x128xf32, #tpu.memory_space<hbm>>) target(%arg12 : memref<40x128xf32, #tpu.memory_space<vmem>>) offsets(%dma_start3A_252 : memref<40xi32, #tpu.memory_space<vmem>>) semaphore(%arg16 : memref<!tpu.dma_semaphore, #tpu.memory_space<semaphore_mem>>)
      } else {
      }
      %mul3A_214 = arith.constant 4 : i32
      %mul3A_215 = arith.muli %scan3A_113, %mul3A_214 : i32
      %add3A_216 = arith.constant 1 : i32
      %add3A_217 = arith.addi %mul3A_215, %add3A_216 : i32
      %lt3A_218 = arith.constant 39 : i32
      %lt3A_219 = arith.cmpi slt, %scan3A_113, %lt3A_218 : i32
      %convert_element_type3A_220 = arith.extui %lt3A_219 : i1 to i32
      %cond3A_221 = arith.constant 0 : i32
      %cond3A_222 = arith.cmpi ne, %convert_element_type3A_220, %cond3A_221 : i32
      scf.if %cond3A_222 {
        %add3A_241 = arith.addi %mul3A_2, %add3A_217 : i32
        %mul3A_242 = arith.constant 40 : i32
        %mul3A_243 = arith.muli %add3A_241, %mul3A_242 : i32
        %dma_wait3A_244 = arith.constant 0 : i32
        %dma_wait3A_245 = tpu.memref_slice %arg7[%mul3A_243, %dma_wait3A_244] : memref<204800x128xf32, #tpu.memory_space<hbm>> -> memref<40x128xf32, #tpu.memory_space<hbm>>
        %dma_wait3A_246 = arith.constant 0 : i32
        %dma_wait3A_247 = tpu.memref_slice %arg7[%mul3A_243, %dma_wait3A_246] : memref<204800x128xf32, #tpu.memory_space<hbm>> -> memref<40x128xf32, #tpu.memory_space<hbm>>
        tpu.wait_dma2 semaphore(%arg21 : memref<!tpu.dma_semaphore, #tpu.memory_space<semaphore_mem>>) src(%arg13 : memref<40x128xf32, #tpu.memory_space<vmem>>) dst(%dma_wait3A_247 : memref<40x128xf32, #tpu.memory_space<hbm>>)
        %add3A_248 = arith.constant 4 : i32
        %add3A_249 = arith.addi %add3A_217, %add3A_248 : i32
        %dma_start3A_250 = arith.constant 0 : i32
        %dma_start3A_251 = tpu.memref_slice %arg8[%add3A_249, %dma_start3A_250] : memref<160x40xi32, #tpu.memory_space<vmem>> -> memref<1x40xi32, #tpu.memory_space<vmem>>
        %dma_start3A_252 = tpu.memref_squeeze %dma_start3A_251 : memref<1x40xi32, #tpu.memory_space<vmem>> -> memref<40xi32, #tpu.memory_space<vmem>>
        %dma_start3A_253 = arith.constant 0 : i32
        %dma_start3A_254 = arith.constant 0 : i32
        %dma_start3A_255 = tpu.memref_slice %arg3[%dma_start3A_253, %dma_start3A_254] : memref<100000x128xf32, #tpu.memory_space<hbm>> -> memref<100000x128xf32, #tpu.memory_space<hbm>>
        tpu.enqueue_indirect_dma source(%dma_start3A_255 : memref<100000x128xf32, #tpu.memory_space<hbm>>) target(%arg13 : memref<40x128xf32, #tpu.memory_space<vmem>>) offsets(%dma_start3A_252 : memref<40xi32, #tpu.memory_space<vmem>>) semaphore(%arg17 : memref<!tpu.dma_semaphore, #tpu.memory_space<semaphore_mem>>)
      } else {
      }
      %mul3A_223 = arith.constant 4 : i32
      %mul3A_224 = arith.muli %scan3A_113, %mul3A_223 : i32
      %add3A_225 = arith.constant 2 : i32
      %add3A_226 = arith.addi %mul3A_224, %add3A_225 : i32
      %lt3A_227 = arith.constant 39 : i32
      %lt3A_228 = arith.cmpi slt, %scan3A_113, %lt3A_227 : i32
      %convert_element_type3A_229 = arith.extui %lt3A_228 : i1 to i32
      %cond3A_230 = arith.constant 0 : i32
      %cond3A_231 = arith.cmpi ne, %convert_element_type3A_229, %cond3A_230 : i32
      scf.if %cond3A_231 {
        %add3A_241 = arith.addi %mul3A_2, %add3A_226 : i32
        %mul3A_242 = arith.constant 40 : i32
        %mul3A_243 = arith.muli %add3A_241, %mul3A_242 : i32
        %dma_wait3A_244 = arith.constant 0 : i32
        %dma_wait3A_245 = tpu.memref_slice %arg7[%mul3A_243, %dma_wait3A_244] : memref<204800x128xf32, #tpu.memory_space<hbm>> -> memref<40x128xf32, #tpu.memory_space<hbm>>
        %dma_wait3A_246 = arith.constant 0 : i32
        %dma_wait3A_247 = tpu.memref_slice %arg7[%mul3A_243, %dma_wait3A_246] : memref<204800x128xf32, #tpu.memory_space<hbm>> -> memref<40x128xf32, #tpu.memory_space<hbm>>
        tpu.wait_dma2 semaphore(%arg22 : memref<!tpu.dma_semaphore, #tpu.memory_space<semaphore_mem>>) src(%arg14 : memref<40x128xf32, #tpu.memory_space<vmem>>) dst(%dma_wait3A_247 : memref<40x128xf32, #tpu.memory_space<hbm>>)
        %add3A_248 = arith.constant 4 : i32
        %add3A_249 = arith.addi %add3A_226, %add3A_248 : i32
        %dma_start3A_250 = arith.constant 0 : i32
        %dma_start3A_251 = tpu.memref_slice %arg8[%add3A_249, %dma_start3A_250] : memref<160x40xi32, #tpu.memory_space<vmem>> -> memref<1x40xi32, #tpu.memory_space<vmem>>
        %dma_start3A_252 = tpu.memref_squeeze %dma_start3A_251 : memref<1x40xi32, #tpu.memory_space<vmem>> -> memref<40xi32, #tpu.memory_space<vmem>>
        %dma_start3A_253 = arith.constant 0 : i32
        %dma_start3A_254 = arith.constant 0 : i32
        %dma_start3A_255 = tpu.memref_slice %arg3[%dma_start3A_253, %dma_start3A_254] : memref<100000x128xf32, #tpu.memory_space<hbm>> -> memref<100000x128xf32, #tpu.memory_space<hbm>>
        tpu.enqueue_indirect_dma source(%dma_start3A_255 : memref<100000x128xf32, #tpu.memory_space<hbm>>) target(%arg14 : memref<40x128xf32, #tpu.memory_space<vmem>>) offsets(%dma_start3A_252 : memref<40xi32, #tpu.memory_space<vmem>>) semaphore(%arg18 : memref<!tpu.dma_semaphore, #tpu.memory_space<semaphore_mem>>)
      } else {
      }
      %mul3A_232 = arith.constant 4 : i32
      %mul3A_233 = arith.muli %scan3A_113, %mul3A_232 : i32
      %add3A_234 = arith.constant 3 : i32
      %add3A_235 = arith.addi %mul3A_233, %add3A_234 : i32
      %lt3A_236 = arith.constant 39 : i32
      %lt3A_237 = arith.cmpi slt, %scan3A_113, %lt3A_236 : i32
      %convert_element_type3A_238 = arith.extui %lt3A_237 : i1 to i32
      %cond3A_239 = arith.constant 0 : i32
      %cond3A_240 = arith.cmpi ne, %convert_element_type3A_238, %cond3A_239 : i32
      scf.if %cond3A_240 {
        %add3A_241 = arith.addi %mul3A_2, %add3A_235 : i32
        %mul3A_242 = arith.constant 40 : i32
        %mul3A_243 = arith.muli %add3A_241, %mul3A_242 : i32
        %dma_wait3A_244 = arith.constant 0 : i32
        %dma_wait3A_245 = tpu.memref_slice %arg7[%mul3A_243, %dma_wait3A_244] : memref<204800x128xf32, #tpu.memory_space<hbm>> -> memref<40x128xf32, #tpu.memory_space<hbm>>
        %dma_wait3A_246 = arith.constant 0 : i32
        %dma_wait3A_247 = tpu.memref_slice %arg7[%mul3A_243, %dma_wait3A_246] : memref<204800x128xf32, #tpu.memory_space<hbm>> -> memref<40x128xf32, #tpu.memory_space<hbm>>
        tpu.wait_dma2 semaphore(%arg23 : memref<!tpu.dma_semaphore, #tpu.memory_space<semaphore_mem>>) src(%arg15 : memref<40x128xf32, #tpu.memory_space<vmem>>) dst(%dma_wait3A_247 : memref<40x128xf32, #tpu.memory_space<hbm>>)
        %add3A_248 = arith.constant 4 : i32
        %add3A_249 = arith.addi %add3A_235, %add3A_248 : i32
        %dma_start3A_250 = arith.constant 0 : i32
        %dma_start3A_251 = tpu.memref_slice %arg8[%add3A_249, %dma_start3A_250] : memref<160x40xi32, #tpu.memory_space<vmem>> -> memref<1x40xi32, #tpu.memory_space<vmem>>
        %dma_start3A_252 = tpu.memref_squeeze %dma_start3A_251 : memref<1x40xi32, #tpu.memory_space<vmem>> -> memref<40xi32, #tpu.memory_space<vmem>>
        %dma_start3A_253 = arith.constant 0 : i32
        %dma_start3A_254 = arith.constant 0 : i32
        %dma_start3A_255 = tpu.memref_slice %arg3[%dma_start3A_253, %dma_start3A_254] : memref<100000x128xf32, #tpu.memory_space<hbm>> -> memref<100000x128xf32, #tpu.memory_space<hbm>>
        tpu.enqueue_indirect_dma source(%dma_start3A_255 : memref<100000x128xf32, #tpu.memory_space<hbm>>) target(%arg15 : memref<40x128xf32, #tpu.memory_space<vmem>>) offsets(%dma_start3A_252 : memref<40xi32, #tpu.memory_space<vmem>>) semaphore(%arg19 : memref<!tpu.dma_semaphore, #tpu.memory_space<semaphore_mem>>)
      } else {
      }
    }
    %scan3A_81 = arith.constant 40 : i32
    %add3A_82 = arith.constant 156 : i32
    %add3A_83 = arith.addi %mul3A_2, %add3A_82 : i32
    %mul3A_84 = arith.constant 40 : i32
    %mul3A_85 = arith.muli %add3A_83, %mul3A_84 : i32
    %dma_wait3A = arith.constant 0 : i32
    %dma_wait3A_86 = tpu.memref_slice %arg7[%mul3A_85, %dma_wait3A] : memref<204800x128xf32, #tpu.memory_space<hbm>> -> memref<40x128xf32, #tpu.memory_space<hbm>>
    %dma_wait3A_87 = arith.constant 0 : i32
    %dma_wait3A_88 = tpu.memref_slice %arg7[%mul3A_85, %dma_wait3A_87] : memref<204800x128xf32, #tpu.memory_space<hbm>> -> memref<40x128xf32, #tpu.memory_space<hbm>>
    tpu.wait_dma2 semaphore(%arg20 : memref<!tpu.dma_semaphore, #tpu.memory_space<semaphore_mem>>) src(%arg12 : memref<40x128xf32, #tpu.memory_space<vmem>>) dst(%dma_wait3A_88 : memref<40x128xf32, #tpu.memory_space<hbm>>)
    %add3A_89 = arith.constant 157 : i32
    %add3A_90 = arith.addi %mul3A_2, %add3A_89 : i32
    %mul3A_91 = arith.constant 40 : i32
    %mul3A_92 = arith.muli %add3A_90, %mul3A_91 : i32
    %dma_wait3A_93 = arith.constant 0 : i32
    %dma_wait3A_94 = tpu.memref_slice %arg7[%mul3A_92, %dma_wait3A_93] : memref<204800x128xf32, #tpu.memory_space<hbm>> -> memref<40x128xf32, #tpu.memory_space<hbm>>
    %dma_wait3A_95 = arith.constant 0 : i32
    %dma_wait3A_96 = tpu.memref_slice %arg7[%mul3A_92, %dma_wait3A_95] : memref<204800x128xf32, #tpu.memory_space<hbm>> -> memref<40x128xf32, #tpu.memory_space<hbm>>
    tpu.wait_dma2 semaphore(%arg21 : memref<!tpu.dma_semaphore, #tpu.memory_space<semaphore_mem>>) src(%arg13 : memref<40x128xf32, #tpu.memory_space<vmem>>) dst(%dma_wait3A_96 : memref<40x128xf32, #tpu.memory_space<hbm>>)
    %add3A_97 = arith.constant 158 : i32
    %add3A_98 = arith.addi %mul3A_2, %add3A_97 : i32
    %mul3A_99 = arith.constant 40 : i32
    %mul3A_100 = arith.muli %add3A_98, %mul3A_99 : i32
    %dma_wait3A_101 = arith.constant 0 : i32
    %dma_wait3A_102 = tpu.memref_slice %arg7[%mul3A_100, %dma_wait3A_101] : memref<204800x128xf32, #tpu.memory_space<hbm>> -> memref<40x128xf32, #tpu.memory_space<hbm>>
    %dma_wait3A_103 = arith.constant 0 : i32
    %dma_wait3A_104 = tpu.memref_slice %arg7[%mul3A_100, %dma_wait3A_103] : memref<204800x128xf32, #tpu.memory_space<hbm>> -> memref<40x128xf32, #tpu.memory_space<hbm>>
    tpu.wait_dma2 semaphore(%arg22 : memref<!tpu.dma_semaphore, #tpu.memory_space<semaphore_mem>>) src(%arg14 : memref<40x128xf32, #tpu.memory_space<vmem>>) dst(%dma_wait3A_104 : memref<40x128xf32, #tpu.memory_space<hbm>>)
    %add3A_105 = arith.constant 159 : i32
    %add3A_106 = arith.addi %mul3A_2, %add3A_105 : i32
    %mul3A_107 = arith.constant 40 : i32
    %mul3A_108 = arith.muli %add3A_106, %mul3A_107 : i32
    %dma_wait3A_109 = arith.constant 0 : i32
    %dma_wait3A_110 = tpu.memref_slice %arg7[%mul3A_108, %dma_wait3A_109] : memref<204800x128xf32, #tpu.memory_space<hbm>> -> memref<40x128xf32, #tpu.memory_space<hbm>>
    %dma_wait3A_111 = arith.constant 0 : i32
    %dma_wait3A_112 = tpu.memref_slice %arg7[%mul3A_108, %dma_wait3A_111] : memref<204800x128xf32, #tpu.memory_space<hbm>> -> memref<40x128xf32, #tpu.memory_space<hbm>>
    tpu.wait_dma2 semaphore(%arg23 : memref<!tpu.dma_semaphore, #tpu.memory_space<semaphore_mem>>) src(%arg15 : memref<40x128xf32, #tpu.memory_space<vmem>>) dst(%dma_wait3A_112 : memref<40x128xf32, #tpu.memory_space<hbm>>)
    return
  }
}

</mosaic_0001>

<sc_bundles>
// kernel: _camembert_sc.3.cloned.1.call-start
scs
__scs_entry_jumppad:
0x0: {  	(pc) =	sbr.rel $0x88, $3  }
0x1: {  	(tag) =	ssettag $0x0;
	lr =	simm.s32 $0x1  }
0x2: {  	[smem:$0x3F9C] =	sst lr;
	_ =	strace $0xD0000000  }
0x3: {  	_ = 	snop  }
0x4: {  	_ = 	snop  }
0x5: {  	_ = 	snop  }
0x6: {  	_ = 	snop  }
0x7: {  	_ = 	snop  }
__scs_overlays_trampoline_lowered:
0x8: {  	[smem:$0x3FAB] =	sst s0  }
0x9: {  	[smem:$0x3FAC] =	sst s1  }
0xa: {  	[smem:$0x3FAD] =	sst s2  }
0xb: {  	[smem:$0x3FAE] =	sst s3  }
0xc: {  	[smem:$0x3FAF] =	sst s4  }
0xd: {  	[smem:$0x3FB0] =	sst s5  }
0xe: {  	[smem:$0x3FB1] =	sst s6  }
0xf: {  	[smem:$0x3FB2] =	sst s7  }
0x10: {  	[smem:$0x3FB3] =	sst s8  }
0x11: {  	[smem:$0x3FB4] =	sst s9;
	s0 =	simm.s32 @!p0 $0x0  }
0x12: {  	s1 =	sld [smem:$0x3F9A];
	s0 =	simm.s32 @p0 $0x1  }
0x13: {  	[smem:$0x3FB5] =	sst s0;
	s0 =	simm.s32 @!p1 $0x0  }
0x14: {  	s2 =	sld [smem:$0x3F99];
	s0 =	simm.s32 @p1 $0x1  }
0x15: {  	[smem:$0x3FB6] =	sst s0;
	s0 =	simm.s32 @!p2 $0x0  }
0x16: {  	s3 =	sld [smem:$0x3FDB];
	s0 =	simm.s32 @p2 $0x1  }
0x17: {  	s4 =	simm.s32 $0x1BF5;
	[smem:$0x3FB8] =	sst s0  }
0x18: {  	s0 =	sld [smem:$0x3F9B];
	_ =	swait.ge [sflag:s4], $0x0  }
0x19: {  	s7 =	sld [smem:$0x3F9C]  }
0x1a: {  	s8 =	sadd.s32 $0xFFFFE003, lr  }
0x1b: {  	s9 =	sadd.s32 $0xFFFFFEF7, lr;
	s5 =	simm.s32 $0xFFFFFFFF;
	p2 =	slt.u32 s8, $0xFFFFF086  }
0x1c: {  	p1 =	slt.u32 s9, $0xF7A;
	s5 =	simm.s32 @!p2 $0x0  }
0x1d: {  	s5 =	simm.s32 @p1 $0x1;
	p0 =	seq.s32 s7, s2  }
0x1e: {  	s7 =	smul.u32 @!p0 $0xF7A, s2;
	p2 =	seq.s32 @!p0 s5, $0x0  }
0x1f: {  	s9 =	smul.u32 $0xF7A, s1;
	s8 =	simm.s32 @!p0 $0x1BF5;
	p2 =	por !p2, p0  }
0x20: {  	[sflag:s8] =	ssyncset.s32 @!p0 $0xFFFFF086;
	s6 =	sadd.s32 @!p0 s3, s7;
	s7 =	simm.s32 @!p0 $0x108  }
0x21: {  	s3 =	sadd.s32 s3, s9;
	s6 =	sadd.s32 @!p0 $0x88, s6;
	s7 =	simm.s32 @p2 $0x1082  }
0x22: {  	[simem:s7], [sflag:s8] =	dma.local @!p0 [hbm:s6], $0xF7A  }
0x23: {  	s9 =	sor.u32 $0xD0000000, s2;
	s6 =	simm.s32 $0x108;
	_ =	swait.ge @!p0 [sflag:s8], $0x0  }
0x24: {  	s3 =	sadd.s32 $0x88, s3;
	s6 =	simm.s32 @!p1 $0x1082;
	[sflag:s4] =	ssyncset.s32 $0xFFFFF086  }
0x25: {  	[simem:s6], [sflag:s4] =	dma.local [hbm:s3], $0xF7A  }
0x26: {  	[smem:$0x3F9C] =	sst s1;
	(tag) =	ssettag s2;
	_ =	strace s9  }
0x27: {  	s1 =	sld [smem:$0x3FAC]  }
0x28: {  	s2 =	sld [smem:$0x3FAD]  }
0x29: {  	s4 =	sld [smem:$0x3FAF]  }
0x2a: {  	p0 =	seq.s32 s5, $0x0;
	s5 =	sld [smem:$0x3FB0]  }
0x2b: {  	s6 =	sld [smem:$0x3FB1]  }
0x2c: {  	s7 =	sld [smem:$0x3FB2]  }
0x2d: {  	s3 =	simm.s32 $0x108;
	s8 =	sld [smem:$0x3FB3]  }
0x2e: {  	s3 =	simm.s32 @!p0 $0x1082;
	s9 =	sld [smem:$0x3FB4]  }
0x2f: {  	lr =	sadd.s32 s0, s3;
	s0 =	sld [smem:$0x3FAB]  }
0x30: {  	s3 =	sld [smem:$0x3FAE]  }
0x31: {  	[smem:$0x3FB7] =	sst s10  }
0x32: {  	s10 =	sld [smem:$0x3FB5];
	_ =	sdelay $0x3  }
0x33: {  	p0 =	seq.s32 s10, $0x1;
	s10 =	sld [smem:$0x3FB7];
	_ =	sdelay $0x3  }
0x34: {  	[smem:$0x3FB7] =	sst s10  }
0x35: {  	s10 =	sld [smem:$0x3FB6];
	_ =	sdelay $0x3  }
0x36: {  	p1 =	seq.s32 s10, $0x1;
	s10 =	sld [smem:$0x3FB7];
	_ =	sdelay $0x3  }
0x37: {  	[smem:$0x3FB7] =	sst s10  }
0x38: {  	s10 =	sld [smem:$0x3FB8]  }
0x39: {  	_ = 	snop;
	(pc) =	sbr.ind lr, $3  }
0x3a: {  	_ = 	snop  }
0x3b: {  	_ = 	snop  }
0x3c: {  	p2 =	seq.s32 s10, $0x1;
	s10 =	sld [smem:$0x3FB7]  }
0x3d: {  	_ =	shalt  }
0x3e: {  	_ =	shalt  }
0x3f: {  	_ =	shalt  }
0x40: {  	_ =	shalt  }
0x41: {  	_ =	shalt  }
0x42: {  	_ =	shalt  }
0x43: {  	_ =	shalt  }
0x44: {  	_ =	shalt  }
0x45: {  	_ =	shalt  }
0x46: {  	_ =	shalt  }
0x47: {  	_ =	shalt  }
0x48: {  	_ =	shalt  }
0x49: {  	_ =	shalt  }
0x4a: {  	_ =	shalt  }
0x4b: {  	_ =	shalt  }
0x4c: {  	_ =	shalt  }
0x4d: {  	_ =	shalt  }
0x4e: {  	_ =	shalt  }
0x4f: {  	_ =	shalt  }
0x50: {  	_ =	shalt  }
0x51: {  	_ =	shalt  }
0x52: {  	_ =	shalt  }
0x53: {  	_ =	shalt  }
0x54: {  	_ =	shalt  }
0x55: {  	_ =	shalt  }
0x56: {  	_ =	shalt  }
0x57: {  	_ =	shalt  }
0x58: {  	_ =	shalt  }
0x59: {  	_ =	shalt  }
0x5a: {  	_ =	shalt  }
0x5b: {  	_ =	shalt  }
0x5c: {  	_ =	shalt  }
0x5d: {  	_ =	shalt  }
0x5e: {  	_ =	shalt  }
0x5f: {  	_ =	shalt  }
0x60: {  	_ =	shalt  }
0x61: {  	_ =	shalt  }
0x62: {  	_ =	shalt  }
0x63: {  	_ =	shalt  }
0x64: {  	_ =	shalt  }
0x65: {  	_ =	shalt  }
0x66: {  	_ =	shalt  }
0x67: {  	_ =	shalt  }
0x68: {  	_ =	shalt  }
0x69: {  	_ =	shalt  }
0x6a: {  	_ =	shalt  }
0x6b: {  	_ =	shalt  }
0x6c: {  	_ =	shalt  }
0x6d: {  	_ =	shalt  }
0x6e: {  	_ =	shalt  }
0x6f: {  	_ =	shalt  }
0x70: {  	_ =	shalt  }
0x71: {  	_ =	shalt  }
0x72: {  	_ =	shalt  }
0x73: {  	_ =	shalt  }
0x74: {  	_ =	shalt  }
0x75: {  	_ =	shalt  }
0x76: {  	_ =	shalt  }
0x77: {  	_ =	shalt  }
0x78: {  	_ =	shalt  }
0x79: {  	_ =	shalt  }
0x7a: {  	_ =	shalt  }
0x7b: {  	_ =	shalt  }
0x7c: {  	_ =	shalt  }
0x7d: {  	_ =	shalt  }
0x7e: {  	_ =	shalt  }
0x7f: {  	_ =	shalt  }
0x80: {  	_ =	shalt  }
0x81: {  	_ =	shalt  }
0x82: {  	_ =	shalt  }
0x83: {  	_ =	shalt  }
0x84: {  	_ =	shalt  }
0x85: {  	_ =	shalt  }
0x86: {  	_ =	shalt  }
0x87: {  	_ =	shalt  }
.Lfunc_end0:
.L_simem_size_0:
called_computation_lowered:
.L_overlay_start_0:
0x88: {  	s2 =	sld [smem:$0x3FD9]  }
0x89: {  	s3 =	sld [smem:$0x3FFE];
	_ =	sdelay $0x1  }
0x8a: {  	s1 =	srdreg.scid  }
0x8b: {  	s0 =	sand.u32 $0x1, s1  }
0x8c: {  	s17 =	sshll.u32 s0, $0xA;
	s2 =	sadd.s32 s3, s2  }
0x8d: {  	s2 =	sadd.s32 s2, s17  }
0x8e: {  	[smem:$0x3FC3] =	sst s2  }
0x8f: {  	_ = 	snop  }
0x90: {  	s2 =	sld [smem:$0x3FC8]  }
0x91: {  	s18 =	sld [smem:$0x3FC7]  }
0x92: {  	s4 =	sld [smem:$0x3FC6]  }
0x93: {  	s5 =	sld [smem:$0x3FC5]  }
0x94: {  	s6 =	sld [smem:$0x3FD0];
	(tm) =	ssettm $0x1  }
0x95: {  	s7 =	sld [smem:$0x3FFB];
	_ =	sdelay $0x3  }
0x96: {  	_ =	strace s7  }
0x97: {  	s7 =	sld [smem:$0x3FFC];
	_ =	sdelay $0x3  }
0x98: {  	_ =	strace s7  }
0x99: {  	s7 =	sld [smem:$0x3FFD];
	_ =	sdelay $0x3  }
0x9a: {  	_ =	strace s7  }
0x9b: {  	_ =	strace $0x8FFFFFFF  }
0x9c: {  	s19 =	sld [smem:$0x3FDB];
	_ =	sdelay $0x1  }
0x9d: {  	s8 =	simm.s32 $_scs_section_size  }
0x9e: {  	s9 =	simm.s32 $_size__tile_overlayer_lowered;
	s10 =	simm.s32 $_tile_overlayer_lowered  }
0x9f: {  	s22 =	simm.s32 $0x1BFF;
	s21 =	sshll.u32 s10, $0x1;
	s7 =	sadd.s32 s8, s19  }
0xa0: {  	s11 =	simm.s32 $0x0;
	s20 =	sshll.u32 s9, $0x1;
	s9 =	sadd.s32 s21, s7  }
0xa1: {  	[timem:s11], [sflag:s22] =	dma.local [hbm:s9], s20  }
0xa2: {  	_ =	swait.ge [sflag:s22], s20  }
0xa3: {  	s8 =	ssub.s32 $0x0, s20;
	[sflag:s22] =	ssyncset.done $0x0  }
0xa4: {  	[sflag:s22] =	ssyncadd.s32 s8;
	_ =	sdelay $0x1  }
0xa5: {  	s23 =	simm.s32 $0x1B8B  }
0xa6: {  	_ =	swait.ge [sflag:s23], $0x1  }
0xa7: {  	[sflag:s23] =	ssyncset.done $0x0  }
0xa8: {  	s25 =	simm.s32 $0x1B8E;
	s24 =	sld [smem:$0x3FFE];
	[sflag:s23] =	ssyncadd.s32 $0xFFFFFFFF  }
0xa9: {  	s26 =	simm.s32 $execute0_lowered;
	[smem:$0x3FD2] =	sst s25  }
0xaa: {  	s9 =	sshll.u32 s26, $0x1;
	_ =	strace $0x80000046;
	[dreg:$0x1] =	wrdreg $0xFFFFFFFF  }
0xab: {  	s28 =	simm.s32 $_size_execute0_lowered;
	s7 =	sadd.s32 s7, s9;
	[dreg:$0x0] =	wrdreg $0x0  }
0xac: {  	s9 =	sshll.u32 s28, $0x1;
	[dreg:$0x2] =	wrdreg s7  }
0xad: {  	[dreg:$0x3] =	wrdreg s9  }
0xae: {  	[dreg:$0x4] =	wrdreg $0xC0  }
0xaf: {  	_ =	task [dreg:s11], $0x5FFFF  }
0xb0: {  	[dreg:$0x1] =	wrdreg $0xFFFFFFFF  }
0xb1: {  	[dreg:$0x0] =	wrdreg $0x60  }
0xb2: {  	[dreg:$0x2] =	wrdreg s24  }
0xb3: {  	[dreg:$0x3] =	wrdreg s2  }
0xb4: {  	[dreg:$0x4] =	wrdreg s18  }
0xb5: {  	[dreg:$0x5] =	wrdreg s4  }
0xb6: {  	[dreg:$0x6] =	wrdreg s5  }
0xb7: {  	[dreg:$0x7] =	wrdreg s6  }
0xb8: {  	[dreg:$0x8] =	wrdreg $0x9  }
0xb9: {  	_ =	task.clear_ibuf [dreg:s11], $0x9FFFF;
	_ =	strace $0x90000046  }
0xba: {  	s29 =	simm.s32 $0x9;
	_ =	strace $0x80000048  }
0xbb: {  	_ =	swait.ge [sflag:s29], $0x1  }
0xbc: {  	[sflag:s29] =	ssyncadd.s32 $0xFFFFFFFF  }
0xbd: {  	_ =	strace $0x90000048  }
0xbe: {  	_ =	sfence  }
0xbf: {  	s30 =	sld [smem:$0x0];
	_ =	sdelay $0x2  }
0xc0: {  	s31 =	sshll.u32 s1, $0xD;
	s1 =	sshrl.u32 s1, $0x2  }
0xc1: {  	s3 =	sand.u32 $0x4000, s31;
	s1 =	sadd.s32 s1, s30  }
0xc2: {  	s0 =	sor.u32 s3, s0;
	s1 =	sshll.u32 s1, $0x11  }
0xc3: {  	s0 =	sor.u32 s1, s0  }
0xc4: {  	s0 =	sadd.s32 $0x8F2B, s0  }
0xc5: {  	[sflag:s0] =	ssyncadd.remote.s32 $0x1  }
0xc6: {  	_ =	sfence.sel $0xFFFF  }
0xc7: {  	[dreg:$0x0] =	wrdreg $0xFFFFFFFF;
	(pc) =	sbr.abs _section_cstart, $3  }
0xc8: {  	[dreg:$0x1] =	wrdreg $0xFFFFFFFF  }
0xc9: {  	_ =	task.clear_ibuf [dreg:s11], $0x2FFFF;
	_ =	strace $0x9FFFFFFF  }
0xca: {  	(tm) =	ssettm $0x7FFFFFFF  }
0xcb: {  	_ =	shalt  }
tec
execute0_lowered:
.L_overlay_start_1:
0x0: {  	(tag) =	ssettag $0x1  }
0x1: {  	v0 =	vimm.s32 $0xFEDCBA9;
	v1 =	vimm.s32 $0x87654321;
	v2 =	vimm.s32 $0x10FEDCBA  }
0x2: {  	s1 =	rddreg [dreg:$0x0];
	v3 =	vimm.s32 $0x98765432;
	v4 =	vimm.s32 $0x3210FEDC;
	v5 =	vimm.s32 $0xBA987654  }
0x3: {  	s0 =	rddreg [dreg:$0x1];
	s2 =	srdreg.scid;
	v6 =	vimm.s32 $0xFEDCBA98;
	v7 =	vimm.s32 $0x76543210;
	v2 =	vunpack.c.l.s4.s8 v2  }
0x4: {  	s3 =	stileid.u32;
	s6 =	rddreg [dreg:$0x5];
	v3 =	vunpack.c.l.s4.s8 v3;
	v4 =	vunpack.c.l.s4.s8 v4;
	v5 =	vunpack.c.l.s4.s8 v5  }
0x5: {  	s7 =	simm.s32 $0x0;
	s15 =	simm.s32 $0x28;
	s22 =	simm.s32 $0xC900;
	v0 =	vunpack.c.l.s4.s8 v0;
	v1 =	vunpack.c.l.s4.s8 v1;
	v2 =	vunpack.c.0.s8.s32 v2  }
0x6: {  	s20 =	simm.s32 $0xDD00;
	s11 =	simm.s32 $0xF100;
	s23 =	simm.s32 $0x1;
	v3 =	vunpack.c.0.s8.s32 v3;
	v4 =	vunpack.c.0.s8.s32 v4;
	v5 =	vunpack.c.0.s8.s32 v5  }
0x7: {  	s24 =	simm.s32 $0x2;
	s2 =	sand.u32 $0x1, s2;
	s3 =	sshll.u32 s3, $0x1;
	v6 =	vunpack.c.l.s4.s8 v6;
	v0 =	vunpack.c.0.s8.s32 v0;
	v1 =	vunpack.c.0.s8.s32 v1  }
0x8: {  	s25 =	simm.s32 $0x3;
	s28 =	simm.s32 $0x5;
	v7 =	vunpack.c.l.s4.s8 v7;
	s3 =	sor.u32 s2, s3;
	v2 =	vcombine.low v3, v2;
	v3 =	vcombine.low v5, v4  }
0x9: {  	s29 =	simm.s32 $0x6;
	s2 =	ssub.s32 $0x2, s2;
	s4 =	smul.u32 $0xA00, s3;
	v0 =	vcombine.low v1, v0;
	v1 =	vunpack.c.0.s8.s32 v6  }
.Ltmp0:
0xa: {  	[smem:$0x7FF] =	sst s7;
	s5 =	sshrl.u32 s2, $0x1;
	v4 =	vunpack.c.0.s8.s32 v7;
	v61 =	vand.u32 $0xF, v3;
	(pc) =	sbr.rel .LBB2_1-.Ltmp0, $4  }
0xb: {  	s30 =	simm.s32 $0x7;
	_ =	strace $0x80000047;
	s2 =	ssub.s32 s2, s5;
	v5 =	vand.u32 $0xF, v1;
	v2 =	vand.u32 $0xF, v2;
	[tilespmem:$0x1FFC0] =	vst v61  }
0xc: {  	s31 =	simm.s32 $0x8;
	s1 =	sadd.s32 s4, s1;
	s26 =	smax.u32 s2, $0x1;
	v0 =	vand.u32 $0xF, v0;
	v3 =	vcombine.low v5, v4;
	[tilespmem:$0x1FFE0] =	vst v2  }
0xd: {  	s8 =	smul.u32 $0xA0, s3;
	s1 =	sadd.s32 $0x400, s1;
	[dreg:$0x8] =	wrdreg s26;
	[tilespmem:$0x1FFF0] =	vst v0  }
0xe: {  	s2 =	simm.s32 $0x0;
	s26 =	simm.s32 $0x4;
	[dreg:$0x7] =	wrdreg s1;
	[tilespmem:$0x1FFD0] =	vst v3  }
.LBB2_12:
0xf: {  	_ =	swait.ge [sflag:s29], $0x1400  }
0x10: {  	[sflag:s29] =	ssyncset.done $0x0  }
0x11: {  	[sflag:s29] =	ssyncadd.s32 $0xFFFFEC00  }
0x12: {  	_ =	swait.ge [sflag:s30], $0x1400  }
0x13: {  	[sflag:s30] =	ssyncset.done $0x0  }
0x14: {  	[sflag:s30] =	ssyncadd.s32 $0xFFFFEC00  }
0x15: {  	_ =	swait.ge [sflag:s31], $0x1400  }
0x16: {  	s2 =	rddreg [dreg:$0x9]  }
0x17: {  	s1 =	rddreg [dreg:$0x8];
	s2 =	sadd.s32 $0x1, s2  }
0x18: {  	p0 =	sne.s32 s2, s1  }
.Ltmp1:
0x19: {  	_ = 	snop;
	(pc) =	sbr.rel @!p0 .LBB2_13-.Ltmp1, $3  }
0x1a: {  	_ =	sdelay $0x1  }
0x1b: {  	[sflag:s31] =	ssyncset.done $0x0  }
0x1c: {  	v0 =	vmov v1;
	[sflag:s31] =	ssyncadd.s32 $0xFFFFEC00  }
.LBB2_1:
0x1d: {  	[dreg:$0x9] =	wrdreg s2  }
0x1e: {  	s1 =	rddreg [dreg:$0x7];
	s10 =	simm.s32 $0x9  }
0x1f: {  	[tilespmem:s7], [sflag:$0x9] =	stream.linear.gather [hbm4b:s1+s7], $0x5000, $0x38;
	[tilespmem:$0x10500] =	vst v63  }
0x20: {  	_ =	swait.ge [sflag:s10], $0x5000  }
0x21: {  	[sflag:s10] =	ssyncset.done $0x0  }
0x22: {  	[sflag:s10] =	ssyncadd.s32 $0xFFFFB000  }
0x23: {  	s3 =	simm.s32 $0x5000;
	s12 =	rddreg [dreg:$0x2]  }
0x24: {  	[tilespmem:s3], [sflag:$0x9] =	stream.linear.gather [hbm4b:s12+s7], $0x6400, $0x38;
	[tilespmem:$0x10500] =	vst v63  }
0x25: {  	_ =	swait.ge [sflag:s10], $0x6400  }
0x26: {  	[sflag:s10] =	ssyncset.done $0x0  }
0x27: {  	[sflag:s10] =	ssyncadd.s32 $0xFFFF9C00  }
0x28: {  	s14 =	simm.s32 $0xB400;
	s13 =	rddreg [dreg:$0x3]  }
0x29: {  	[tilespmem:s14], [sflag:$0x9] =	stream.linear.gather [hbm4b:s13+s7], $0x80, $0x38;
	[tilespmem:$0x10500] =	vst v63  }
0x2a: {  	_ =	swait.ge [sflag:s10], $0x80  }
0x2b: {  	[sflag:s10] =	ssyncset.done $0x0  }
0x2c: {  	[sflag:s10] =	ssyncadd.s32 $0xFFFFFF80  }
0x2d: {  	s17 =	simm.s32 $0xB480;
	s16 =	rddreg [dreg:$0x4]  }
0x2e: {  	[tilespmem:s17], [sflag:$0x9] =	stream.linear.gather [hbm4b:s16+s7], $0x80, $0x38;
	[tilespmem:$0x10500] =	vst v63  }
0x2f: {  	_ =	swait.ge [sflag:s10], $0x80  }
0x30: {  	[sflag:s10] =	ssyncset.done $0x0  }
0x31: {  	[sflag:s10] =	ssyncadd.s32 $0xFFFFFF80  }
0x32: {  	v4 =	vld [tilespmem:$0xB410];
	_ =	sdelay $0x3  }
0x33: {  	v6 =	vld [tilespmem:$0xB4D0]  }
0x34: {  	[tilespmem:$0x1FEC0] =	vst v4;
	v4 =	vld [tilespmem:$0xB420]  }
0x35: {  	v5 =	vld [tilespmem:$0xB480]  }
0x36: {  	v7 =	vld [tilespmem:$0xB4F0]  }
0x37: {  	v9 =	vld [tilespmem:$0xB4C0]  }
0x38: {  	v11 =	vld [tilespmem:$0xB4B0];
	[tilespmem:$0x1FF00] =	vst v6  }
0x39: {  	[tilespmem:$0x1FED0] =	vst v4;
	v4 =	vld [tilespmem:$0xB440]  }
0x3a: {  	v8 =	vld [tilespmem:$0xB490];
	[tilespmem:$0x1FF10] =	vst v5  }
0x3b: {  	v10 =	vld [tilespmem:$0xB450];
	[tilespmem:$0x1FF20] =	vst v7  }
0x3c: {  	v14 =	vld [tilespmem:$0xB4A0];
	[tilespmem:$0x1FF30] =	vst v9  }
0x3d: {  	v12 =	vld [tilespmem:$0xB400];
	[tilespmem:$0x1FF40] =	vst v11  }
0x3e: {  	[tilespmem:$0x1FEE0] =	vst v4;
	v4 =	vld [tilespmem:$0xB470]  }
0x3f: {  	v13 =	vld [tilespmem:$0xB430];
	[tilespmem:$0x1FF60] =	vst v8  }
0x40: {  	[tilespmem:$0x1FF70] =	vst v10  }
0x41: {  	s18 =	simm.s32 $0xB500;
	v15 =	vld [tilespmem:$0xB460];
	[tilespmem:$0x1FF80] =	vst v14  }
0x42: {  	s19 =	simm.s32 $0x80;
	s21 =	simm.s32 $0x100;
	s2 =	simm.s32 $0x78F0;
	[tilespmem:$0x1FF90] =	vst v12  }
0x43: {  	[tilespmem:$0x1FEF0] =	vst v4;
	v4 =	vld [tilespmem:$0xB4E0];
	[tilespmem:s18], [sflag:$0x1] =	stream.indirect.gather [hbm4b:s0+s15], $0x80, s7, s15, $0xb8  }
0x44: {  	s4 =	simm.s32 $0x3;
	s1 =	simm.s32 $0x64F0;
	s3 =	simm.s32 $0x8CF0;
	[tilespmem:$0x1FFA0] =	vst v13  }
0x45: {  	[tilespmem:s22], [sflag:$0x2] =	stream.indirect.gather [hbm4b:s0+s15], $0x80, s19, s15, $0xb8;
	[tilespmem:$0x10500] =	vst v63  }
0x46: {  	s12 =	simm.s32 $0x2;
	s13 =	simm.s32 $0x1;
	s14 =	simm.s32 $0x0;
	[tilespmem:$0x1FFB0] =	vst v15  }
0x47: {  	[tilespmem:s20], [sflag:$0x3] =	stream.indirect.gather [hbm4b:s0+s15], $0x80, s21, s15, $0xb8;
	[tilespmem:$0x10500] =	vst v63  }
0x48: {  	s17 =	simm.s32 $0x0;
	s22 =	simm.s32 $0x180;
	s19 =	simm.s32 $0x0;
	[tilespmem:$0x1FF50] =	vst v4  }
0x49: {  	[tilespmem:s11], [sflag:$0x4] =	stream.indirect.gather [hbm4b:s0+s15], $0x80, s22, s15, $0xb8;
	[tilespmem:$0x10500] =	vst v63  }
.LBB2_2:
0x4a: {  	_ =	swait.ge [sflag:s23], $0x1400  }
0x4b: {  	[sflag:s23] =	ssyncset.done $0x0  }
0x4c: {  	s11 =	simm.s32 $0xB580;
	[sflag:s23] =	ssyncadd.s32 $0xFFFFEC00  }
0x4d: {  	v21 =	vld [tilespmem:s11+$0x50]  }
0x4e: {  	s5 =	sand.u32 $0xFF, s14;
	v23 =	vld [tilespmem:s11+$0xFFFFFFB0]  }
0x4f: {  	s5 =	smul.u32 $0xCD, s5;
	v24 =	vld [tilespmem:s11+$0x40]  }
0x50: {  	v25 =	vld [tilespmem:s11+$0xFFFFFF80]  }
0x51: {  	s5 =	sshrl.u32 s5, $0xA;
	v30 =	vld [tilespmem:s11+$0xFFFFFFD0]  }
0x52: {  	v31 =	vld [tilespmem:s11+$0xFFFFFFA0];
	s5 =	smul.u32 $0x38, s5  }
0x53: {  	v32 =	vld [tilespmem:s11+$0xFFFFFF90]  }
0x54: {  	v35 =	vld [tilespmem:s11+$0xFFFFFFC0];
	s5 =	sadd.s32 s5, s17  }
0x55: {  	v36 =	vld [tilespmem:s11+$0x0];
	s5 =	sand.u32 $0xFF, s5  }
0x56: {  	v39 =	vld [tilespmem:s11+$0x10];
	s5 =	sshll.u32 s5, $0x7  }
0x57: {  	v45 =	vld [tilespmem:s11+$0x20];
	s5 =	sadd.s32 $0x5080, s5  }
0x58: {  	v20 =	vld [tilespmem:s5+$0xFFFFFF90]  }
0x59: {  	v22 =	vld [tilespmem:s5+$0x50]  }
0x5a: {  	v26 =	vld [tilespmem:s5+$0x40]  }
0x5b: {  	v27 =	vld [tilespmem:s5+$0xFFFFFFB0]  }
0x5c: {  	v28 =	vld [tilespmem:s5+$0xFFFFFFD0]  }
0x5d: {  	v33 =	vld [tilespmem:s5+$0xFFFFFFA0]  }
0x5e: {  	v34 =	vld [tilespmem:s5+$0xFFFFFF80]  }
0x5f: {  	v37 =	vld [tilespmem:s5+$0x10]  }
0x60: {  	v43 =	vld [tilespmem:s5+$0x0]  }
0x61: {  	v38 =	vld [tilespmem:s5+$0x20]  }
0x62: {  	v29 =	vld [tilespmem:s5+$0x30];
	v19 =	vadd.f32 v20, v32  }
0x63: {  	v59 =	vld [tilespmem:s5+$0xFFFFFFC0];
	v20 =	vadd.f32 v34, v25;
	v18 =	vadd.f32 v27, v23  }
0x64: {  	v44 =	vadd.f32 v26, v24;
	v23 =	vld [tilespmem:s11+$0x30];
	v1 =	vadd.f32 v33, v31  }
0x65: {  	v24 =	vld [tilespmem:s5+$0x60];
	v46 =	vadd.f32 v43, v36;
	v51 =	vadd.f32 v37, v39  }
0x66: {  	v26 =	vld [tilespmem:s11+$0x60];
	v47 =	vadd.f32 v22, v21;
	v50 =	vadd.f32 v38, v45  }
0x67: {  	v27 =	vld [tilespmem:s5+$0x70];
	v43 =	vadd.f32 v28, v30;
	v22 =	vmul.f32 v46, v46;
	v60 =	vmul.f32 v51, v51  }
0x68: {  	v21 =	vld [tilespmem:s11+$0x70];
	v42 =	vadd.f32 v59, v35;
	v31 =	vadd.f32 v51, v46  }
0x69: {  	v25 =	vadd.f32 v19, v20;
	v22 =	vadd.f32 v60, v22  }
0x6a: {  	v28 =	vmul.f32 v50, v50;
	v48 =	vadd.f32 v29, v23;
	v23 =	vadd.f32 v50, v31  }
0x6b: {  	v30 =	vld [tilespmem:s5+$0xFFFFFFE0];
	v25 =	vadd.f32 v1, v25;
	v52 =	vadd.f32 v24, v26  }
0x6c: {  	v24 =	vld [tilespmem:s11+$0xFFFFFFE0];
	v22 =	vadd.f32 v28, v22;
	v23 =	vadd.f32 v48, v23;
	v26 =	vmul.f32 v48, v48  }
0x6d: {  	v29 =	vmul.f32 v19, v19;
	v49 =	vadd.f32 v27, v21;
	v28 =	vmul.f32 v20, v20  }
0x6e: {  	v21 =	vmul.f32 v44, v44;
	v22 =	vadd.f32 v26, v22;
	v23 =	vadd.f32 v44, v23  }
0x6f: {  	v27 =	vmul.f32 v1, v1;
	v25 =	vadd.f32 v18, v25;
	v26 =	vadd.f32 v29, v28  }
0x70: {  	v28 =	vld [tilespmem:s5+$0xFFFFFFF0];
	v29 =	vmul.f32 v47, v47;
	v21 =	vadd.f32 v21, v22;
	v22 =	vadd.f32 v47, v23  }
0x71: {  	v45 =	vadd.f32 v30, v24;
	v23 =	vld [tilespmem:s11+$0xFFFFFFF0];
	v24 =	vadd.f32 v27, v26;
	v26 =	vmul.f32 v18, v18  }
0x72: {  	v27 =	vmul.f32 v52, v52;
	v21 =	vadd.f32 v29, v21;
	v22 =	vadd.f32 v52, v22  }
0x73: {  	v25 =	vadd.f32 v42, v25;
	v24 =	vadd.f32 v26, v24;
	v26 =	vmul.f32 v42, v42  }
0x74: {  	v29 =	vmul.f32 v49, v49;
	v27 =	vadd.f32 v27, v21;
	v22 =	vadd.f32 v49, v22  }
0x75: {  	v25 =	vadd.f32 v43, v25;
	v24 =	vadd.f32 v26, v24;
	v26 =	vmul.f32 v43, v43  }
0x76: {  	v16 =	vadd.f32 v28, v23;
	v23 =	vadd.f32 v29, v27;
	v27 =	vperm.xlane v22, v0  }
0x77: {  	v25 =	vadd.f32 v45, v25;
	v24 =	vadd.f32 v26, v24  }
0x78: {  	v26 =	vmul.f32 v45, v45;
	v28 =	vperm.xlane v23, v0;
	v22 =	vadd.f32 v22, v27  }
0x79: {  	s20 =	sadd.s32 $0x100, s5;
	v25 =	vadd.f32 v16, v25;
	v27 =	vmul.f32 v16, v16  }
0x7a: {  	v40 =	vld [tilespmem:s20+$0x50];
	v24 =	vadd.f32 v26, v24;
	v23 =	vadd.f32 v28, v23;
	v26 =	vperm.xlane v22, v2  }
0x7b: {  	v53 =	vld [tilespmem:s20+$0xFFFFFFD0];
	v28 =	vperm.xlane v25, v0  }
0x7c: {  	v56 =	vld [tilespmem:s20+$0xFFFFFFA0];
	v24 =	vadd.f32 v27, v24;
	v27 =	vperm.xlane v23, v2;
	v22 =	vadd.f32 v22, v26  }
0x7d: {  	v33 =	vld [tilespmem:s20+$0x40];
	v25 =	vadd.f32 v25, v28  }
0x7e: {  	v38 =	vld [tilespmem:s20+$0xFFFFFFF0];
	s5 =	simm.s32 $0xB680;
	v28 =	vperm.xlane v24, v0;
	v23 =	vadd.f32 v27, v23;
	v27 =	vperm.xlane v22, v61  }
0x7f: {  	v41 =	vld [tilespmem:s5+$0x50];
	v30 =	vperm.xlane v25, v2  }
0x80: {  	v32 =	vld [tilespmem:s5+$0x40];
	v24 =	vadd.f32 v28, v24;
	v28 =	vperm.xlane v23, v61;
	v22 =	vadd.f32 v22, v27  }
0x81: {  	v63 =	vld [tilespmem:s5+$0xFFFFFF90];
	v25 =	vadd.f32 v25, v30  }
0x82: {  	v29 =	vld [tilespmem:s20+$0xFFFFFF90];
	v30 =	vperm.xlane v24, v2;
	v23 =	vadd.f32 v28, v23;
	v28 =	vperm.xlane v22, v3  }
0x83: {  	v31 =	vld [tilespmem:s5+$0xFFFFFF80];
	v62 =	vperm.xlane v25, v61  }
0x84: {  	v39 =	vld [tilespmem:s5+$0xFFFFFFF0];
	v24 =	vadd.f32 v30, v24;
	v30 =	vperm.xlane v23, v3;
	v22 =	vadd.f32 v22, v28  }
0x85: {  	v55 =	vld [tilespmem:s5+$0xFFFFFFA0];
	v25 =	vadd.f32 v25, v62  }
0x86: {  	v28 =	vperm.xlane v24, v61;
	v23 =	vadd.f32 v30, v23;
	v54 =	vmul.f32 $7.812500000e-03, v22;
	v30 =	vld [tilespmem:s20+$0xFFFFFF80]  }
0x87: {  	v58 =	vld [tilespmem:s5+$0xFFFFFFC0];
	v17 =	vadd.f32 v29, v63;
	v22 =	vperm.xlane v25, v3  }
0x88: {  	v59 =	vld [tilespmem:s5+$0x0];
	v24 =	vadd.f32 v28, v24;
	v23 =	vmul.f32 $7.812500000e-03, v23;
	v28 =	vmul.f32 v54, v54  }
0x89: {  	v26 =	vld [tilespmem:s5+$0xFFFFFFB0];
	v22 =	vadd.f32 v25, v22;
	v51 =	vsub.f32 v51, v54  }
0x8a: {  	v27 =	vld [tilespmem:s20+$0xFFFFFFB0];
	v57 =	vperm.xlane v24, v3;
	v50 =	vsub.f32 v50, v54;
	v23 =	vsub.f32 v23, v28  }
0x8b: {  	v37 =	vld [tilespmem:s5+$0x60];
	v52 =	vsub.f32 v52, v54;
	v30 =	vadd.f32 v30, v31  }
0x8c: {  	v29 =	vld [tilespmem:s20+$0xFFFFFFC0];
	v28 =	vmul.f32 $7.812500000e-03, v22;
	v24 =	vadd.f32 v57, v24;
	v23 =	vadd.f32 $9.999999960e-13, v23  }
0x8d: {  	v62 =	vld [tilespmem:s20+$0xFFFFFFE0];
	v31 =	vadd.f32 v56, v55;
	v55 =	vadd.f32 v17, v30  }
0x8e: {  	v25 =	vld [tilespmem:s5+$0xFFFFFFD0];
	v35 =	vmul.f32 v28, v28;
	v34 =	vmul.f32 $7.812500000e-03, v24;
	v24 =	vshrl.u32 v23, $0x1  }
0x8f: {  	v56 =	vld [tilespmem:s5+$0xFFFFFFE0];
	v61 =	vsub.s32 $0x5F3759DF, v24;
	v24 =	vadd.f32 v27, v26;
	v26 =	vadd.f32 v31, v55  }
0x90: {  	v63 =	vld [tilespmem:s20+$0x70];
	v48 =	vsub.f32 v48, v54;
	v60 =	vmul.f32 $5.000000000e-01, v23;
	v27 =	vsub.f32 v34, v35  }
0x91: {  	v57 =	vld [tilespmem:s20+$0x60];
	v35 =	vadd.f32 v29, v58;
	v26 =	vadd.f32 v24, v26  }
0x92: {  	v23 =	vmul.f32 v30, v30;
	v55 =	vld [tilespmem:s5+$0x70];
	v36 =	vmul.f32 v61, v60;
	v58 =	vadd.f32 $9.999999960e-13, v27  }
0x93: {  	v34 =	vmul.f32 v17, v17;
	v27 =	vadd.f32 v53, v25;
	v53 =	vld [tilespmem:s20+$0x10];
	[tilespmem:$0x1FEB0] =	vst v17;
	v25 =	vadd.f32 v35, v26  }
0x94: {  	v29 =	vmul.f32 v61, v36;
	v36 =	vld [tilespmem:s5+$0x10];
	v26 =	vadd.f32 v33, v32;
	v32 =	vadd.f32 v62, v56  }
0x95: {  	v33 =	vadd.f32 v38, v39;
	v39 =	vadd.f32 v34, v23  }
0x96: {  	v62 =	vld [tilespmem:s20+$0x0];
	v56 =	vadd.f32 v27, v25;
	v25 =	vadd.f32 v40, v41;
	v41 =	vmul.f32 v31, v31  }
0x97: {  	v38 =	vld [tilespmem:s20+$0x20];
	v34 =	vadd.f32 v57, v37;
	v23 =	vadd.f32 v63, v55  }
0x98: {  	v63 =	vmul.f32 v24, v24;
	v40 =	vld [tilespmem:s5+$0x20];
	v56 =	vadd.f32 v32, v56;
	v37 =	vadd.f32 v41, v39  }
0x99: {  	v29 =	vsub.f32 $1.500000000e+00, v29;
	v39 =	vadd.f32 v53, v36;
	v36 =	vld [tilespmem:s5+$0x30]  }
0x9a: {  	v41 =	vmul.f32 v35, v35;
	v55 =	vadd.f32 v33, v56;
	v56 =	vld [tilespmem:s20+$0x30];
	v37 =	vadd.f32 v63, v37  }
0x9b: {  	v46 =	vsub.f32 v46, v54;
	v57 =	vmul.f32 v61, v29;
	v29 =	vadd.f32 v62, v59  }
0x9c: {  	v53 =	vperm.xlane v55, v0;
	v37 =	vadd.f32 v41, v37;
	v41 =	vmul.f32 v27, v27  }
0x9d: {  	v59 =	vmul.f32 v39, v39;
	v38 =	vadd.f32 v38, v40;
	v40 =	vmul.f32 v29, v29  }
0x9e: {  	v53 =	vadd.f32 v55, v53;
	v37 =	vadd.f32 v41, v37;
	v41 =	vmul.f32 v32, v32  }
0x9f: {  	v40 =	vadd.f32 v59, v40;
	v63 =	vmul.f32 v38, v38;
	v36 =	vadd.f32 v56, v36  }
0xa0: {  	v62 =	vperm.xlane v53, v2;
	v37 =	vadd.f32 v41, v37;
	v41 =	vadd.f32 v39, v29  }
0xa1: {  	v47 =	vsub.f32 v47, v54;
	v40 =	vadd.f32 v63, v40;
	v63 =	vmul.f32 v33, v33  }
0xa2: {  	v53 =	vadd.f32 v53, v62;
	v62 =	vmul.f32 v36, v36;
	v41 =	vadd.f32 v38, v41  }
0xa3: {  	v61 =	vshrl.u32 v58, $0x1;
	v60 =	vmul.f32 v57, v60;
	v37 =	vadd.f32 v63, v37  }
0xa4: {  	v56 =	vmul.f32 v26, v26;
	v40 =	vadd.f32 v62, v40;
	v41 =	vadd.f32 v36, v41  }
0xa5: {  	v58 =	vmul.f32 $5.000000000e-01, v58;
	v60 =	vmul.f32 v60, v57;
	v55 =	vsub.s32 $0x5F3759DF, v61  }
0xa6: {  	v40 =	vadd.f32 v56, v40;
	v56 =	vperm.xlane v37, v0;
	v41 =	vadd.f32 v26, v41  }
0xa7: {  	v44 =	vsub.f32 v44, v54;
	v60 =	vsub.f32 $1.500000000e+00, v60;
	v63 =	vmul.f32 v55, v58  }
0xa8: {  	v61 =	vld [tilespmem:$0x1FFC0];
	v37 =	vadd.f32 v56, v37;
	v56 =	vmul.f32 v25, v25;
	v41 =	vadd.f32 v25, v41  }
0xa9: {  	v49 =	vsub.f32 v49, v54;
	v57 =	vmul.f32 v60, v57;
	v59 =	vmul.f32 v55, v63  }
0xaa: {  	v62 =	vmul.f32 v34, v34;
	v40 =	vadd.f32 v56, v40;
	v41 =	vadd.f32 v34, v41  }
0xab: {  	v60 =	vmul.f32 v23, v23;
	v59 =	vsub.f32 $1.500000000e+00, v59;
	v63 =	vperm.xlane v37, v2  }
0xac: {  	v46 =	vmul.f32 v57, v46;
	v40 =	vadd.f32 v62, v40;
	v41 =	vadd.f32 v23, v41  }
0xad: {  	v51 =	vmul.f32 v57, v51;
	v37 =	vadd.f32 v63, v37;
	v62 =	vperm.xlane v53, v61  }
0xae: {  	v55 =	vmul.f32 v55, v59;
	v40 =	vadd.f32 v60, v40;
	v63 =	vperm.xlane v41, v0  }
0xaf: {  	v59 =	vmul.f32 v57, v48;
	v48 =	vadd.f32 v53, v62;
	v60 =	vperm.xlane v37, v61  }
0xb0: {  	v50 =	vmul.f32 v57, v50;
	v41 =	vadd.f32 v41, v63;
	v62 =	vperm.xlane v40, v0  }
0xb1: {  	v44 =	vmul.f32 v57, v44;
	v37 =	vadd.f32 v60, v37;
	v63 =	vperm.xlane v48, v3;
	v60 =	vld [tilespmem:$0x1FEE0]  }
0xb2: {  	v52 =	vmul.f32 v57, v52;
	v40 =	vadd.f32 v62, v40;
	v53 =	vperm.xlane v41, v2;
	v62 =	vld [tilespmem:$0x1FEC0]  }
0xb3: {  	v54 =	vmul.f32 v57, v49;
	v56 =	vmul.f32 v57, v47;
	v57 =	vadd.f32 v48, v63;
	v63 =	vld [tilespmem:$0x1FED0]  }
0xb4: {  	v47 =	vadd.f32 v41, v53;
	v41 =	vperm.xlane v40, v2  }
0xb5: {  	v53 =	vmul.f32 v55, v58;
	v58 =	vmul.f32 v59, v13  }
0xb6: {  	v44 =	vmul.f32 v44, v60  }
0xb7: {  	v49 =	vadd.f32 v41, v40;
	v41 =	vadd.f32 v58, v11;
	v51 =	vmul.f32 v51, v62  }
0xb8: {  	v50 =	vmul.f32 v50, v63;
	v11 =	vadd.f32 v44, v9  }
0xb9: {  	[tilespmem:s11+$0x30] =	vst v41;
	v40 =	vadd.f32 v51, v8;
	v8 =	vmul.f32 v56, v10  }
0xba: {  	v50 =	vadd.f32 v50, v14;
	[tilespmem:s11+$0x40] =	vst v11  }
0xbb: {  	[tilespmem:s11+$0x10] =	vst v40;
	v56 =	vadd.f32 v8, v6  }
0xbc: {  	v13 =	vmul.f32 v52, v15;
	[tilespmem:s11+$0x20] =	vst v50  }
0xbd: {  	s9 =	smulhi.u32 $0xCCCCCCCD, s4;
	[tilespmem:s11+$0x50] =	vst v56  }
0xbe: {  	s10 =	smulhi.u32 $0xCCCCCCCD, s12;
	v59 =	vmul.f32 v53, v55;
	v58 =	vadd.f32 v13, v4;
	v4 =	vld [tilespmem:$0x1FEF0]  }
0xbf: {  	s16 =	smulhi.u32 $0xCCCCCCCD, s13;
	s9 =	sshrl.u32 s9, $0x2;
	v46 =	vmul.f32 v46, v12;
	v48 =	vperm.xlane v37, v3  }
0xc0: {  	s10 =	sshrl.u32 s10, $0x2;
	s9 =	smul.u32 $0xFFFE7000, s9;
	v10 =	vsub.f32 $1.500000000e+00, v59  }
0xc1: {  	s16 =	sshrl.u32 s16, $0x2;
	s10 =	smul.u32 $0xFFFE7000, s10;
	v46 =	vadd.f32 v46, v5;
	v48 =	vadd.f32 v48, v37  }
0xc2: {  	s21 =	sshll.u32 s19, $0x2;
	s16 =	smul.u32 $0xFFFE7000, s16;
	v37 =	vsub.f32 v42, v28;
	v14 =	vsub.f32 v20, v28;
	v44 =	vmul.f32 v10, v55  }
0xc3: {  	s18 =	simm.s32 $0x2;
	s22 =	simm.s32 $0xB780;
	s9 =	sshra.s32 s9, $0x2;
	v42 =	vsub.f32 v18, v28;
	v59 =	vsub.f32 v19, v28;
	v60 =	vmul.f32 v54, v4  }
0xc4: {  	s10 =	sshra.s32 s10, $0x2;
	s16 =	sshra.s32 s16, $0x2;
	s9 =	sadd.s32 s9, s3;
	v41 =	vsub.f32 v43, v28;
	v40 =	vsub.f32 v45, v28;
	v43 =	vmul.f32 v44, v14;
	[tilespmem:s11+$0x60] =	vst v58  }
0xc5: {  	s10 =	sadd.s32 s10, s2;
	s16 =	sadd.s32 s16, s1;
	s20 =	sadd.s32 $0x100, s20;
	v50 =	vmul.f32 v44, v59;
	[tilespmem:s11+$0x0] =	vst v46;
	v46 =	vmul.f32 $7.812500000e-03, v57;
	v45 =	vadd.f32 v60, v7  }
.LBB2_3:
0xc6: {  	v53 =	vld [tilespmem:s20+$0xFFFFFF90]  }
0xc7: {  	v52 =	vld [tilespmem:s22+$0x50]  }
0xc8: {  	v57 =	vld [tilespmem:s20+$0x50]  }
0xc9: {  	v59 =	vld [tilespmem:s20+$0x40]  }
0xca: {  	v4 =	vld [tilespmem:$0x1FEF0]  }
0xcb: {  	v56 =	vsub.f32 v16, v28;
	v16 =	vld [tilespmem:$0x1FF60]  }
0xcc: {  	v6 =	vld [tilespmem:s22+$0xFFFFFFD0]  }
0xcd: {  	v2 =	vld [tilespmem:$0x1FFB0]  }
0xce: {  	v20 =	vld [tilespmem:$0x1FF90]  }
0xcf: {  	v15 =	vld [tilespmem:$0x1FF20]  }
0xd0: {  	v19 =	vld [tilespmem:$0x1FF30]  }
0xd1: {  	v42 =	vmul.f32 v44, v42;
	v18 =	vld [tilespmem:$0x1FF10]  }
0xd2: {  	v58 =	vmul.f32 v44, v37;
	v40 =	vmul.f32 v44, v40;
	v17 =	vld [tilespmem:$0x1FF00]  }
0xd3: {  	v0 =	vmov v31;
	v54 =	vperm.xlane v47, v61;
	v11 =	vperm.xlane v49, v61;
	v61 =	vld [tilespmem:s20+$0xFFFFFFF0]  }
0xd4: {  	v51 =	vmul.f32 v46, v46;
	[tilespmem:$0x1FEA0] =	vst v0;
	v31 =	vmul.f32 $7.812500000e-03, v48;
	v0 =	vld [tilespmem:$0x1FF70]  }
0xd5: {  	v9 =	vmul.f32 v44, v56;
	v56 =	vld [tilespmem:s22+$0xFFFFFF80];
	v12 =	vadd.f32 v47, v54;
	v14 =	vadd.f32 v11, v49  }
0xd6: {  	v54 =	vld [tilespmem:s22+$0xFFFFFFB0];
	v31 =	vsub.f32 v31, v51;
	v49 =	vmul.f32 v50, v62;
	v55 =	vsub.f32 v1, v28;
	v28 =	vmovc v46  }
0xd7: {  	v35 =	vsub.f32 v35, v28;
	v8 =	vperm.xlane v12, v3;
	v10 =	vperm.xlane v14, v3;
	v3 =	vld [tilespmem:$0x1FF80]  }
0xd8: {  	v1 =	vld [tilespmem:$0x1FFA0];
	v31 =	vadd.f32 $9.999999960e-13, v31;
	v60 =	vmul.f32 v9, v4;
	v13 =	vmul.f32 v44, v55  }
0xd9: {  	v22 =	vmovc v33;
	v51 =	vsub.f32 v30, v28;
	v40 =	vmul.f32 v40, v2;
	v55 =	vld [tilespmem:s22+$0x40];
	v33 =	vadd.f32 v12, v8  }
0xda: {  	v52 =	vadd.f32 v57, v52;
	v47 =	vadd.f32 v10, v14;
	v14 =	vld [tilespmem:$0x1FEE0];
	v11 =	vmul.f32 v13, v63  }
0xdb: {  	v8 =	vshrl.u32 v31, $0x1;
	v31 =	vmul.f32 $5.000000000e-01, v31;
	v12 =	vld [tilespmem:$0x1FF40];
	v46 =	vmul.f32 $7.812500000e-03, v33  }
0xdc: {  	v62 =	vsub.s32 $0x5F3759DF, v8;
	v13 =	vld [tilespmem:$0x1FF50];
	v30 =	vmul.f32 $7.812500000e-03, v47;
	v4 =	vadd.f32 v11, v3  }
0xdd: {  	v37 =	vmovc v35;
	v35 =	vld [tilespmem:s20+$0xFFFFFFB0];
	v10 =	vadd.f32 v49, v16;
	v5 =	vmul.f32 v62, v31;
	v9 =	vmul.f32 v46, v46  }
0xde: {  	v63 =	vld [tilespmem:s20+$0xFFFFFFD0];
	v42 =	vmul.f32 v42, v1;
	v48 =	vsub.f32 v38, v46;
	v47 =	vsub.f32 v34, v46;
	[tilespmem:s11+$0xFFFFFFA0] =	vst v4  }
0xdf: {  	v49 =	vsub.f32 v36, v46;
	v4 =	vmul.f32 v44, v41;
	v30 =	vsub.f32 v30, v9;
	v41 =	vld [tilespmem:s22+$0xFFFFFFA0];
	[tilespmem:s11+$0xFFFFFF90] =	vst v10  }
0xe0: {  	v5 =	vmul.f32 v62, v5;
	v44 =	vadd.f32 v42, v12;
	v42 =	vsub.f32 v24, v28;
	v36 =	vld [tilespmem:s20+$0xFFFFFF80]  }
0xe1: {  	v33 =	vmul.f32 v58, v14;
	v58 =	vld [tilespmem:s22+$0xFFFFFFF0];
	v40 =	vadd.f32 v40, v13;
	v30 =	vadd.f32 $9.999999960e-13, v30  }
0xe2: {  	v34 =	vmul.f32 v43, v20;
	v24 =	vadd.f32 v35, v54;
	v5 =	vsub.f32 $1.500000000e+00, v5;
	v38 =	vld [tilespmem:s22+$0xFFFFFF90]  }
0xe3: {  	v43 =	vld [tilespmem:s20+$0xFFFFFFA0];
	[tilespmem:s11+$0xFFFFFFE0] =	vst v40;
	v11 =	vshrl.u32 v30, $0x1;
	v7 =	vmul.f32 $5.000000000e-01, v30;
	v30 =	vadd.f32 v60, v15  }
0xe4: {  	v34 =	vadd.f32 v34, v18;
	v4 =	vmul.f32 v4, v0;
	v33 =	vadd.f32 v33, v19;
	v60 =	vld [tilespmem:s22+$0xFFFFFFC0]  }
0xe5: {  	v40 =	vsub.f32 v32, v28;
	[tilespmem:s11+$0xFFFFFFF0] =	vst v30;
	v30 =	vadd.f32 v36, v56;
	v36 =	vld [tilespmem:s22+$0x60]  }
0xe6: {  	v5 =	vmul.f32 v62, v5;
	v4 =	vadd.f32 v4, v17;
	v32 =	vsub.s32 $0x5F3759DF, v11;
	v35 =	vld [tilespmem:s20+$0xFFFFFFC0];
	[tilespmem:s11+$0xFFFFFFB0] =	vst v44  }
0xe7: {  	v9 =	vmul.f32 v32, v7;
	v38 =	vadd.f32 v53, v38;
	v53 =	vadd.f32 v59, v55;
	v55 =	vld [tilespmem:s20+$0x70];
	[tilespmem:s11+$0xFFFFFFC0] =	vst v33  }
0xe8: {  	v50 =	vsub.f32 v39, v46;
	v29 =	vsub.f32 v29, v46;
	v62 =	vmul.f32 v5, v31;
	v56 =	vld [tilespmem:s22+$0x70];
	[tilespmem:s11+$0xFFFFFF80] =	vst v34  }
0xe9: {  	v31 =	vadd.f32 v43, v41;
	v44 =	vld [tilespmem:s20+$0x60];
	[tilespmem:s11+$0xFFFFFFD0] =	vst v4;
	v9 =	vmul.f32 v32, v9;
	v59 =	vadd.f32 v38, v30  }
0xea: {  	v41 =	vsub.f32 v27, v28;
	v27 =	vadd.f32 v63, v6;
	v4 =	vld [tilespmem:s20+$0xFFFFFFE0]  }
0xeb: {  	v6 =	vld [tilespmem:s22+$0xFFFFFFE0];
	v9 =	vsub.f32 $1.500000000e+00, v9;
	v63 =	vadd.f32 v31, v59  }
0xec: {  	v39 =	vld [tilespmem:s20+$0x30];
	v54 =	vmul.f32 v62, v5;
	v33 =	vadd.f32 v61, v58;
	[tilespmem:s11+$0x70] =	vst v45;
	v45 =	vmul.f32 v52, v52  }
0xed: {  	v8 =	vld [tilespmem:s22+$0x0];
	v9 =	vmul.f32 v32, v9;
	v35 =	vadd.f32 v35, v60;
	v10 =	vadd.f32 v24, v63  }
0xee: {  	v62 =	vld [tilespmem:s22+$0x20];
	v43 =	vmul.f32 v38, v38;
	v57 =	vmul.f32 v30, v30;
	v11 =	vsub.f32 $1.500000000e+00, v54  }
0xef: {  	v34 =	vadd.f32 v44, v36;
	v7 =	vmul.f32 v9, v7;
	v36 =	vadd.f32 v35, v10;
	v10 =	vld [tilespmem:$0x1FEB0]  }
0xf0: {  	v58 =	vmul.f32 v53, v53;
	v55 =	vadd.f32 v55, v56;
	v32 =	vadd.f32 v4, v6;
	v4 =	vld [tilespmem:s20+$0x20]  }
0xf1: {  	v61 =	vmul.f32 v33, v33;
	v57 =	vadd.f32 v43, v57;
	v60 =	vld [tilespmem:s22+$0x30];
	v7 =	vmul.f32 v7, v9  }
0xf2: {  	v63 =	vld [tilespmem:s20+$0x0];
	v44 =	vmul.f32 v11, v5;
	v5 =	vsub.f32 v25, v46;
	v6 =	vmul.f32 v55, v55  }
0xf3: {  	v54 =	vld [tilespmem:s22+$0x10];
	v25 =	vmovc v52;
	v43 =	vmovc v38;
	v56 =	vmul.f32 v34, v34;
	v36 =	vadd.f32 v27, v36;
	v7 =	vsub.f32 $1.500000000e+00, v7  }
0xf4: {  	v59 =	vld [tilespmem:s20+$0x10];
	[tilespmem:$0x1FEB0] =	vst v43;
	v43 =	vmul.f32 v44, v51;
	v52 =	vsub.f32 v10, v28;
	v10 =	vmul.f32 v31, v31  }
0xf5: {  	v21 =	vld [tilespmem:$0x1FFF0];
	v11 =	vadd.f32 v32, v36;
	v38 =	vadd.f32 v4, v62;
	v7 =	vmul.f32 v7, v9  }
0xf6: {  	v36 =	vadd.f32 v39, v60;
	v10 =	vadd.f32 v10, v57;
	v57 =	vmul.f32 v24, v24  }
0xf7: {  	v11 =	vadd.f32 v33, v11;
	v4 =	vmul.f32 v7, v29;
	v29 =	vadd.f32 v63, v8  }
0xf8: {  	v8 =	vmul.f32 v7, v50;
	v50 =	vmul.f32 v35, v35;
	v10 =	vadd.f32 v57, v10  }
0xf9: {  	v39 =	vadd.f32 v59, v54;
	v59 =	vmul.f32 v27, v27;
	v9 =	vsub.f32 v26, v46  }
0xfa: {  	v51 =	vperm.xlane v11, v21;
	v48 =	vmul.f32 v7, v48;
	v10 =	vadd.f32 v50, v10  }
0xfb: {  	v26 =	vmovc v53;
	v57 =	vmul.f32 v39, v39;
	v53 =	vmul.f32 v29, v29;
	v54 =	vadd.f32 v39, v29  }
0xfc: {  	v11 =	vadd.f32 v11, v51;
	v50 =	vmul.f32 v32, v32;
	v10 =	vadd.f32 v59, v10;
	v59 =	vld [tilespmem:$0x1FFE0]  }
0xfd: {  	v62 =	vld [tilespmem:$0x1FEC0];
	v51 =	vadd.f32 v57, v53;
	v53 =	vadd.f32 v38, v54;
	v54 =	vmul.f32 v38, v38  }
0xfe: {  	v46 =	vsub.f32 v23, v46;
	v49 =	vmul.f32 v7, v49;
	v9 =	vmul.f32 v7, v9  }
0xff: {  	v51 =	vadd.f32 v54, v51;
	v54 =	vmul.f32 v36, v36;
	v10 =	vadd.f32 v50, v10  }
0x100: {  	v5 =	vmul.f32 v7, v5;
	v47 =	vmul.f32 v7, v47;
	v53 =	vadd.f32 v36, v53  }
0x101: {  	v63 =	vld [tilespmem:$0x1FED0];
	v50 =	vadd.f32 v54, v51;
	v10 =	vadd.f32 v61, v10;
	v57 =	vperm.xlane v11, v59  }
0x102: {  	v8 =	vmul.f32 v8, v62;
	v9 =	vmul.f32 v9, v14;
	v51 =	vadd.f32 v26, v53  }
0x103: {  	v50 =	vadd.f32 v58, v50;
	v11 =	vadd.f32 v11, v57;
	v57 =	vperm.xlane v10, v21  }
0x104: {  	v5 =	vmul.f32 v5, v0;
	v8 =	vadd.f32 v8, v16;
	v61 =	vld [tilespmem:$0x1FFC0];
	v51 =	vadd.f32 v25, v51  }
0x105: {  	v4 =	vmul.f32 v4, v20;
	v45 =	vadd.f32 v45, v50;
	v10 =	vadd.f32 v57, v10  }
0x106: {  	v23 =	vmovc v55;
	v9 =	vadd.f32 v9, v19;
	v48 =	vmul.f32 v48, v63;
	v55 =	vadd.f32 v34, v51  }
0x107: {  	v5 =	vadd.f32 v5, v17;
	v45 =	vadd.f32 v56, v45;
	v57 =	vperm.xlane v10, v59  }
0x108: {  	v48 =	vadd.f32 v48, v3;
	v3 =	vld [tilespmem:$0x1FFD0];
	v54 =	vmul.f32 v49, v1;
	v49 =	vadd.f32 v23, v55  }
0x109: {  	s11 =	smov.u32 s5;
	v60 =	vld [tilespmem:$0x1FEF0];
	v58 =	vperm.xlane v11, v61;
	v6 =	vadd.f32 v6, v45;
	v10 =	vadd.f32 v57, v10  }
0x10a: {  	v4 =	vadd.f32 v4, v18;
	[tilespmem:s11+$0x10] =	vst v8;
	v8 =	vadd.f32 v54, v12;
	v14 =	vperm.xlane v49, v21  }
0x10b: {  	s18 =	sadd.s32 $0x2, s18;
	v11 =	vadd.f32 v11, v58;
	v54 =	vperm.xlane v6, v21;
	v53 =	vperm.xlane v10, v61  }
0x10c: {  	p0 =	slt.u32 s18, $0x26;
	[tilespmem:s11+$0x50] =	vst v5;
	v5 =	vmul.f32 v7, v46;
	v12 =	vmul.f32 v47, v2;
	v45 =	vadd.f32 v49, v14  }
.Ltmp2:
0x10d: {  	[tilespmem:s11+$0x40] =	vst v9;
	v55 =	vperm.xlane v11, v3;
	v6 =	vadd.f32 v54, v6;
	v56 =	vadd.f32 v53, v10;
	(pc) =	sbr.rel @p0 .LBB2_3-.Ltmp2, $4  }
0x10e: {  	v5 =	vmul.f32 v5, v60;
	[tilespmem:s11+$0x30] =	vst v8;
	v8 =	vadd.f32 v12, v13;
	v58 =	vperm.xlane v45, v59  }
0x10f: {  	[tilespmem:s11+$0x0] =	vst v4;
	v57 =	vadd.f32 v11, v55;
	v59 =	vperm.xlane v6, v59;
	v10 =	vperm.xlane v56, v3  }
0x110: {  	[tilespmem:s11+$0x20] =	vst v48;
	v50 =	vmul.f32 v44, v52;
	v47 =	vadd.f32 v45, v58;
	v45 =	vadd.f32 v5, v15  }
0x111: {  	s5 =	smov.u32 s22;
	s22 =	sadd.s32 $0x100, s22;
	s20 =	sadd.s32 $0x100, s20;
	v16 =	vmovc v22;
	v1 =	vld [tilespmem:$0x1FEA0];
	[tilespmem:s11+$0x60] =	vst v8;
	v46 =	vmul.f32 $7.812500000e-03, v57;
	v49 =	vadd.f32 v59, v6;
	v48 =	vadd.f32 v10, v56  }
0x112: {  	v4 =	vperm.xlane v47, v61;
	_ =	sdelay $0x1  }
0x113: {  	v5 =	vperm.xlane v49, v61;
	v4 =	vadd.f32 v47, v4;
	_ =	sdelay $0x1  }
0x114: {  	v5 =	vadd.f32 v5, v49;
	v6 =	vperm.xlane v4, v3;
	_ =	sdelay $0x1  }
0x115: {  	v7 =	vperm.xlane v5, v3;
	v4 =	vadd.f32 v4, v6;
	_ =	sdelay $0x1  }
0x116: {  	v5 =	vadd.f32 v7, v5;
	v4 =	vmul.f32 $7.812500000e-03, v4  }
0x117: {  	v8 =	vmul.f32 $7.812500000e-03, v48;
	v49 =	vmul.f32 v46, v46  }
0x118: {  	v5 =	vmul.f32 $7.812500000e-03, v5;
	v47 =	vmul.f32 v4, v4  }
0x119: {  	v51 =	vsub.f32 v8, v49  }
0x11a: {  	v5 =	vsub.f32 v5, v47  }
0x11b: {  	v6 =	vadd.f32 $9.999999960e-13, v51  }
0x11c: {  	v5 =	vadd.f32 $9.999999960e-13, v5  }
0x11d: {  	v20 =	vmul.f32 v44, v42;
	v59 =	vld [tilespmem:$0x1FEE0];
	v52 =	vsub.f32 v1, v28;
	v9 =	vshrl.u32 v6, $0x1  }
0x11e: {  	v2 =	vld [tilespmem:$0x1FF80];
	v6 =	vmul.f32 $5.000000000e-01, v6;
	v53 =	vshrl.u32 v5, $0x1;
	v5 =	vmul.f32 $5.000000000e-01, v5  }
0x11f: {  	v13 =	vld [tilespmem:$0x1FF60];
	v7 =	vmul.f32 v44, v52;
	v9 =	vsub.s32 $0x5F3759DF, v9;
	v8 =	vsub.s32 $0x5F3759DF, v53  }
0x120: {  	v12 =	vld [tilespmem:$0x1FFB0];
	v21 =	vmul.f32 v9, v6;
	v10 =	vmul.f32 v8, v5  }
0x121: {  	v11 =	vsub.f32 v16, v28;
	v55 =	vmul.f32 v44, v41;
	v18 =	vld [tilespmem:$0x1FF90];
	v7 =	vmul.f32 v7, v63  }
0x122: {  	v42 =	vld [tilespmem:$0x1FF50];
	v21 =	vmul.f32 v9, v21;
	v10 =	vmul.f32 v8, v10  }
0x123: {  	v41 =	vld [tilespmem:$0x1FF20];
	v11 =	vmul.f32 v44, v11;
	v28 =	vmul.f32 v50, v62;
	v7 =	vadd.f32 v7, v2  }
0x124: {  	v1 =	vld [tilespmem:$0x1FFA0];
	v21 =	vsub.f32 $1.500000000e+00, v21;
	v10 =	vsub.f32 $1.500000000e+00, v10  }
0x125: {  	v40 =	vmul.f32 v44, v40;
	v16 =	vld [tilespmem:$0x1FF70];
	v11 =	vmul.f32 v11, v60;
	v28 =	vadd.f32 v28, v13;
	[tilespmem:s11+$0xFFFFFFA0] =	vst v7  }
0x126: {  	v19 =	vld [tilespmem:$0x1FF40];
	v9 =	vmul.f32 v9, v21;
	v8 =	vmul.f32 v8, v10  }
0x127: {  	v37 =	vmul.f32 v44, v37;
	v30 =	vsub.f32 v30, v46;
	v56 =	vmul.f32 v40, v12;
	[tilespmem:s11+$0xFFFFFF90] =	vst v28  }
0x128: {  	v11 =	vadd.f32 v11, v41;
	v15 =	vld [tilespmem:$0x1FF30];
	v6 =	vmul.f32 v9, v6;
	v5 =	vmul.f32 v8, v5  }
0x129: {  	v20 =	vmul.f32 v20, v1;
	v54 =	vsub.f32 v39, v4;
	v34 =	vsub.f32 v34, v4;
	v17 =	vld [tilespmem:$0x1FF10]  }
0x12a: {  	v39 =	vadd.f32 v56, v42;
	v6 =	vmul.f32 v6, v9;
	v5 =	vmul.f32 v5, v8  }
0x12b: {  	v37 =	vmul.f32 v37, v59;
	v36 =	vsub.f32 v36, v4;
	v58 =	vadd.f32 v20, v19  }
0x12c: {  	v57 =	vmul.f32 v43, v18;
	[tilespmem:s11+$0xFFFFFFE0] =	vst v39;
	v6 =	vsub.f32 $1.500000000e+00, v6;
	v5 =	vsub.f32 $1.500000000e+00, v5  }
0x12d: {  	v14 =	vld [tilespmem:$0x1FF00];
	[tilespmem:s11+$0xFFFFFFF0] =	vst v11;
	v20 =	vsub.f32 v24, v46;
	v43 =	vadd.f32 v37, v15  }
0x12e: {  	v24 =	vadd.f32 v57, v17;
	[tilespmem:s11+$0xFFFFFFB0] =	vst v58;
	v6 =	vmul.f32 v6, v9;
	v5 =	vmul.f32 v5, v8  }
0x12f: {  	v48 =	vsub.f32 v25, v4;
	v21 =	vsub.f32 v38, v4;
	v38 =	vmul.f32 v55, v16;
	[tilespmem:s11+$0xFFFFFFC0] =	vst v43  }
0x130: {  	v47 =	vsub.f32 v26, v4;
	[tilespmem:s11+$0xFFFFFF80] =	vst v24;
	v26 =	vmul.f32 v6, v30;
	v10 =	vmul.f32 v5, v54  }
0x131: {  	v49 =	vsub.f32 v29, v4;
	v0 =	vld [tilespmem:$0x1FEB0];
	v21 =	vmul.f32 v5, v21;
	v25 =	vmul.f32 v5, v36  }
0x132: {  	v4 =	vsub.f32 v23, v4;
	v11 =	vmul.f32 v5, v47;
	v7 =	vmul.f32 v5, v48  }
0x133: {  	v52 =	vmul.f32 v5, v34;
	v8 =	vmul.f32 v5, v49  }
0x134: {  	v44 =	vadd.f32 v38, v14;
	v4 =	vmul.f32 v5, v4;
	v5 =	vmul.f32 v26, v18  }
0x135: {  	v35 =	vsub.f32 v35, v46;
	v32 =	vsub.f32 v32, v46;
	v10 =	vmul.f32 v10, v62  }
0x136: {  	[tilespmem:s11+$0xFFFFFFD0] =	vst v44;
	v22 =	vsub.f32 v0, v46;
	v21 =	vmul.f32 v21, v63;
	v5 =	vadd.f32 v5, v17  }
0x137: {  	v27 =	vsub.f32 v27, v46;
	[tilespmem:s11+$0x70] =	vst v45;
	v24 =	vmul.f32 v25, v1;
	v50 =	vadd.f32 v10, v13  }
0x138: {  	v54 =	vmul.f32 v6, v22;
	v51 =	vmul.f32 v11, v59;
	v21 =	vadd.f32 v21, v2;
	[tilespmem:s5+$0xFFFFFF80] =	vst v5  }
0x139: {  	v22 =	vsub.f32 v33, v46;
	v7 =	vmul.f32 v7, v16;
	v53 =	vadd.f32 v24, v19;
	[tilespmem:s5+$0x10] =	vst v50  }
0x13a: {  	v33 =	vmul.f32 v6, v20;
	v11 =	vmul.f32 v52, v12;
	v10 =	vadd.f32 v51, v15;
	[tilespmem:s5+$0x20] =	vst v21  }
0x13b: {  	v25 =	vsub.f32 v31, v46;
	v8 =	vmul.f32 v8, v18;
	v7 =	vadd.f32 v7, v14;
	[tilespmem:s5+$0x30] =	vst v53  }
0x13c: {  	v34 =	vmul.f32 v6, v35;
	v58 =	vmul.f32 v54, v62;
	v55 =	vadd.f32 v11, v42;
	[tilespmem:s5+$0x40] =	vst v10  }
0x13d: {  	v4 =	vmul.f32 v4, v60;
	v57 =	vadd.f32 v8, v17;
	v21 =	vmul.f32 v6, v25;
	[tilespmem:s5+$0x50] =	vst v7  }
0x13e: {  	v8 =	vadd.f32 v58, v13;
	[tilespmem:s5+$0x60] =	vst v55;
	v10 =	vmul.f32 v33, v1;
	v7 =	vmul.f32 v34, v59  }
0x13f: {  	v4 =	vadd.f32 v4, v41;
	[tilespmem:s5+$0x0] =	vst v57;
	v56 =	vmul.f32 v21, v63;
	v21 =	vmul.f32 v6, v32  }
0x140: {  	[tilespmem:s5+$0xFFFFFF90] =	vst v8;
	v32 =	vmul.f32 v6, v22;
	v37 =	vadd.f32 v10, v19  }
0x141: {  	[tilespmem:s5+$0x70] =	vst v4;
	v6 =	vmul.f32 v6, v27;
	v7 =	vadd.f32 v7, v15;
	v20 =	vmul.f32 v21, v12  }
0x142: {  	v11 =	vadd.f32 v56, v2;
	v9 =	vmul.f32 v32, v60;
	[tilespmem:s5+$0xFFFFFFB0] =	vst v37  }
0x143: {  	v6 =	vmul.f32 v6, v16;
	[tilespmem:s5+$0xFFFFFFC0] =	vst v7;
	v35 =	vadd.f32 v20, v42  }
0x144: {  	s18 =	sadd.s32 s8, s21;
	[tilespmem:s5+$0xFFFFFFA0] =	vst v11;
	v36 =	vadd.f32 v9, v41  }
0x145: {  	s11 =	smul.u32 $0x280, s18;
	v6 =	vadd.f32 v6, v14;
	[tilespmem:s5+$0xFFFFFFE0] =	vst v35  }
0x146: {  	[tilespmem:s5+$0xFFFFFFF0] =	vst v36  }
0x147: {  	s22 =	simm.s32 $0xB500;
	s20 =	sadd.s32 s6, s11;
	[tilespmem:s5+$0xFFFFFFD0] =	vst v6  }
0x148: {  	[hbm4b:s20+s7] =	stream.linear.scatter [tilespmem:s22], [sflag:$0x5], $0x1400, $0x38;
	[tilespmem:$0x10500] =	vst v63  }
0x149: {  	_ =	swait.ge [sflag:s24], $0x1400  }
0x14a: {  	[sflag:s24] =	ssyncset.done $0x0  }
0x14b: {  	[sflag:s24] =	ssyncadd.s32 $0xFFFFEC00  }
0x14c: {  	s11 =	simm.s32 $0xC980;
	v4 =	vld [tilespmem:s16+$0xFFFFFF20]  }
0x14d: {  	v5 =	vld [tilespmem:s11+$0x50]  }
0x14e: {  	v38 =	vld [tilespmem:s16+$0xFFFFFFE0]  }
0x14f: {  	v50 =	vld [tilespmem:s11+$0xFFFFFFB0]  }
0x150: {  	v51 =	vld [tilespmem:s11+$0x40]  }
0x151: {  	v52 =	vld [tilespmem:s11+$0xFFFFFF80]  }
0x152: {  	v53 =	vld [tilespmem:s16+$0xFFFFFFD0]  }
0x153: {  	v54 =	vld [tilespmem:s16+$0xFFFFFF40]  }
0x154: {  	v21 =	vld [tilespmem:s16+$0xFFFFFF60]  }
0x155: {  	v22 =	vld [tilespmem:s16+$0xFFFFFFC0]  }
0x156: {  	v23 =	vld [tilespmem:s11+$0xFFFFFFD0]  }
0x157: {  	v20 =	vld [tilespmem:s11+$0xFFFFFFA0]  }
0x158: {  	v24 =	vld [tilespmem:s11+$0xFFFFFF90]  }
0x159: {  	v25 =	vld [tilespmem:s16+$0xFFFFFF30]  }
0x15a: {  	v26 =	vld [tilespmem:s16+$0xFFFFFF10]  }
0x15b: {  	v28 =	vld [tilespmem:s11+$0x0]  }
0x15c: {  	v29 =	vld [tilespmem:s16+$0xFFFFFFA0]  }
0x15d: {  	v30 =	vld [tilespmem:s16+$0xFFFFFFB0]  }
0x15e: {  	v31 =	vld [tilespmem:s11+$0x10]  }
0x15f: {  	v55 =	vld [tilespmem:s16+$0xFFFFFF90]  }
0x160: {  	v56 =	vld [tilespmem:s11+$0x20]  }
0x161: {  	v57 =	vld [tilespmem:s11+$0x30];
	v42 =	vadd.f32 v4, v24  }
0x162: {  	v58 =	vld [tilespmem:s16+$0xFFFFFFF0];
	v40 =	vadd.f32 v26, v52;
	v41 =	vadd.f32 v54, v50  }
0x163: {  	v34 =	vld [tilespmem:s11+$0x60];
	v44 =	vadd.f32 v53, v51;
	v0 =	vadd.f32 v25, v20  }
0x164: {  	v27 =	vld [tilespmem:s11+$0xFFFFFFC0];
	v46 =	vadd.f32 v55, v28;
	v51 =	vadd.f32 v29, v31  }
0x165: {  	v4 =	vld [tilespmem:s16+$0xFFFFFF50];
	v47 =	vadd.f32 v38, v5;
	v50 =	vadd.f32 v30, v56  }
0x166: {  	v35 =	vld [tilespmem:s16+$0x0];
	v43 =	vadd.f32 v21, v23;
	v48 =	vadd.f32 v22, v57  }
0x167: {  	v5 =	vld [tilespmem:s11+$0x70];
	v45 =	vmul.f32 v46, v46;
	v24 =	vadd.f32 v51, v46;
	v25 =	vmul.f32 v51, v51  }
0x168: {  	v52 =	vadd.f32 v58, v34;
	v9 =	vadd.f32 v42, v40  }
0x169: {  	v21 =	vmul.f32 v50, v50;
	v6 =	vadd.f32 v25, v45;
	v49 =	vadd.f32 v50, v24  }
0x16a: {  	v23 =	vld [tilespmem:s16+$0xFFFFFF70];
	v22 =	vmul.f32 v42, v42;
	v9 =	vadd.f32 v0, v9;
	v36 =	vadd.f32 v4, v27  }
0x16b: {  	v55 =	vmul.f32 v48, v48;
	v4 =	vld [tilespmem:s11+$0xFFFFFFE0];
	v6 =	vadd.f32 v21, v6;
	v7 =	vadd.f32 v48, v49  }
0x16c: {  	v56 =	vmul.f32 v40, v40;
	v49 =	vadd.f32 v35, v5;
	v9 =	vadd.f32 v41, v9  }
0x16d: {  	[tilespmem:$0x1FE90] =	vst v0;
	v5 =	vmul.f32 v44, v44;
	v6 =	vadd.f32 v55, v6;
	v7 =	vadd.f32 v44, v7  }
0x16e: {  	v58 =	vmul.f32 v0, v0;
	v57 =	vadd.f32 v22, v56;
	v32 =	vld [tilespmem:s16+$0xFFFFFF80];
	v9 =	vadd.f32 v36, v9  }
0x16f: {  	v21 =	vmul.f32 v47, v47;
	v34 =	vld [tilespmem:s11+$0xFFFFFFF0];
	v5 =	vadd.f32 v5, v6;
	v33 =	vadd.f32 v47, v7  }
0x170: {  	v0 =	vld [tilespmem:$0x1FFF0];
	v35 =	vmul.f32 v41, v41;
	v45 =	vadd.f32 v23, v4;
	v4 =	vadd.f32 v58, v57  }
0x171: {  	v37 =	vmul.f32 v52, v52;
	v5 =	vadd.f32 v21, v5;
	v6 =	vadd.f32 v52, v33  }
0x172: {  	v38 =	vmul.f32 v36, v36;
	v9 =	vadd.f32 v43, v9;
	v4 =	vadd.f32 v35, v4  }
0x173: {  	v22 =	vmul.f32 v49, v49;
	v5 =	vadd.f32 v37, v5;
	v6 =	vadd.f32 v49, v6  }
0x174: {  	v20 =	vld [tilespmem:$0x1FFE0];
	v39 =	vmul.f32 v43, v43;
	v21 =	vadd.f32 v32, v34;
	v9 =	vadd.f32 v45, v9  }
0x175: {  	v4 =	vadd.f32 v38, v4;
	v5 =	vadd.f32 v22, v5;
	v53 =	vperm.xlane v6, v0  }
0x176: {  	s20 =	sadd.s32 $0x100, s16;
	v54 =	vmul.f32 v45, v45;
	v9 =	vadd.f32 v21, v9  }
0x177: {  	s5 =	simm.s32 $0xCA80;
	v8 =	vld [tilespmem:s20+$0xFFFFFFE0];
	v4 =	vadd.f32 v39, v4;
	v55 =	vperm.xlane v5, v0;
	v6 =	vadd.f32 v6, v53  }
0x178: {  	v11 =	vld [tilespmem:s5+$0xFFFFFFB0];
	v56 =	vmul.f32 v21, v21;
	v38 =	vperm.xlane v9, v0  }
0x179: {  	v25 =	vld [tilespmem:s5+$0x40];
	v4 =	vadd.f32 v54, v4;
	v5 =	vadd.f32 v55, v5;
	v57 =	vperm.xlane v6, v20  }
0x17a: {  	v26 =	vld [tilespmem:s5+$0xFFFFFF80];
	v9 =	vadd.f32 v9, v38  }
0x17b: {  	v29 =	vld [tilespmem:s20+$0xFFFFFF80];
	v4 =	vadd.f32 v56, v4;
	v39 =	vperm.xlane v5, v20;
	v6 =	vadd.f32 v6, v57  }
0x17c: {  	v31 =	vld [tilespmem:s5+$0xFFFFFFA0];
	v24 =	vperm.xlane v9, v20  }
0x17d: {  	v58 =	vld [tilespmem:s20+$0xFFFFFF20];
	v22 =	vperm.xlane v4, v0;
	v5 =	vadd.f32 v39, v5;
	v53 =	vperm.xlane v6, v61  }
0x17e: {  	v33 =	vld [tilespmem:s5+$0xFFFFFFF0];
	v9 =	vadd.f32 v9, v24  }
0x17f: {  	v54 =	vld [tilespmem:s20+$0xFFFFFF30];
	v4 =	vadd.f32 v22, v4;
	v22 =	vperm.xlane v5, v61;
	v6 =	vadd.f32 v6, v53  }
0x180: {  	v23 =	vld [tilespmem:s5+$0x50];
	v28 =	vperm.xlane v9, v61  }
0x181: {  	v24 =	vld [tilespmem:s20+$0xFFFFFF40];
	v27 =	vperm.xlane v4, v20;
	v5 =	vadd.f32 v22, v5;
	v22 =	vperm.xlane v6, v3  }
0x182: {  	v7 =	vld [tilespmem:s20+$0xFFFFFFD0];
	v9 =	vadd.f32 v9, v28  }
0x183: {  	v32 =	vld [tilespmem:s20+$0xFFFFFF60];
	v4 =	vadd.f32 v27, v4;
	v27 =	vperm.xlane v5, v3;
	v6 =	vadd.f32 v6, v22  }
0x184: {  	v33 =	vadd.f32 v29, v33;
	v31 =	vadd.f32 v54, v31;
	v30 =	vperm.xlane v9, v3;
	v22 =	vld [tilespmem:s5+$0xFFFFFF90]  }
0x185: {  	v28 =	vperm.xlane v4, v61;
	v5 =	vadd.f32 v27, v5;
	v6 =	vmul.f32 $7.812500000e-03, v6;
	v27 =	vld [tilespmem:s20+$0xFFFFFF10]  }
0x186: {  	v34 =	vld [tilespmem:s5+$0xFFFFFFE0];
	v24 =	vadd.f32 v24, v11;
	v9 =	vadd.f32 v9, v30  }
0x187: {  	v37 =	vld [tilespmem:s5+$0xFFFFFFD0];
	v4 =	vadd.f32 v28, v4;
	v5 =	vmul.f32 $7.812500000e-03, v5;
	v51 =	vsub.f32 v51, v6  }
0x188: {  	v38 =	vld [tilespmem:s5+$0xFFFFFFC0];
	v28 =	vmul.f32 v6, v6;
	v50 =	vsub.f32 v50, v6;
	v52 =	vsub.f32 v52, v6  }
0x189: {  	v39 =	vld [tilespmem:s20+$0xFFFFFFF0];
	v55 =	vperm.xlane v4, v3;
	v48 =	vsub.f32 v48, v6;
	v57 =	vadd.f32 v58, v22  }
0x18a: {  	v58 =	vld [tilespmem:s20+$0xFFFFFF50];
	v5 =	vsub.f32 v5, v28;
	v30 =	vadd.f32 v27, v26  }
0x18b: {  	v53 =	vld [tilespmem:s5+$0x60];
	v46 =	vsub.f32 v46, v6;
	v28 =	vmul.f32 $7.812500000e-03, v9;
	v4 =	vadd.f32 v55, v4  }
0x18c: {  	v11 =	vld [tilespmem:s20+$0xFFFFFF70];
	v5 =	vadd.f32 $9.999999960e-13, v5;
	v27 =	vadd.f32 v57, v30  }
0x18d: {  	v47 =	vsub.f32 v47, v6;
	v9 =	vld [tilespmem:s5+$0x0];
	v26 =	vmul.f32 v28, v28;
	v4 =	vmul.f32 $7.812500000e-03, v4  }
0x18e: {  	v55 =	vld [tilespmem:s20+$0x0];
	v56 =	vshrl.u32 v5, $0x1;
	v5 =	vmul.f32 $5.000000000e-01, v5;
	v27 =	vadd.f32 v31, v27  }
0x18f: {  	v4 =	vsub.f32 v4, v26;
	v35 =	vadd.f32 v58, v38;
	v54 =	vsub.s32 $0x5F3759DF, v56;
	v56 =	vld [tilespmem:s5+$0x70]  }
0x190: {  	v26 =	vmul.f32 v54, v5;
	v10 =	vadd.f32 v24, v27;
	v27 =	vadd.f32 v32, v37;
	v37 =	vld [tilespmem:s20+$0xFFFFFFA0]  }
0x191: {  	v58 =	vmul.f32 v30, v30;
	v4 =	vadd.f32 $9.999999960e-13, v4;
	v32 =	vadd.f32 v11, v34;
	v11 =	vld [tilespmem:s20+$0xFFFFFF90]  }
0x192: {  	v22 =	vmovc v57;
	v38 =	vmul.f32 v54, v26;
	v26 =	vadd.f32 v7, v25;
	v7 =	vmul.f32 v57, v57;
	v57 =	vld [tilespmem:s5+$0x10]  }
0x193: {  	v25 =	vadd.f32 v8, v23;
	v8 =	vld [tilespmem:s20+$0xFFFFFFB0];
	v10 =	vadd.f32 v35, v10  }
0x194: {  	v29 =	vmul.f32 v31, v31;
	v34 =	vadd.f32 v39, v53;
	v7 =	vadd.f32 v7, v58;
	v58 =	vld [tilespmem:s5+$0x20]  }
0x195: {  	v38 =	vsub.f32 $1.500000000e+00, v38;
	v10 =	vadd.f32 v27, v10  }
0x196: {  	v53 =	vmul.f32 v24, v24;
	v23 =	vadd.f32 v55, v56;
	v7 =	vadd.f32 v29, v7  }
0x197: {  	v29 =	vadd.f32 v11, v9;
	v10 =	vadd.f32 v32, v10  }
0x198: {  	v11 =	vmul.f32 v35, v35;
	v39 =	vadd.f32 v37, v57;
	v7 =	vadd.f32 v53, v7  }
0x199: {  	v54 =	vmul.f32 v54, v38;
	v10 =	vadd.f32 v33, v10;
	v38 =	vadd.f32 v8, v58  }
0x19a: {  	v55 =	vld [tilespmem:s20+$0xFFFFFFC0];
	v8 =	vmul.f32 v29, v29;
	v7 =	vadd.f32 v11, v7;
	v11 =	vmul.f32 v27, v27  }
0x19b: {  	v56 =	vshrl.u32 v4, $0x1;
	v9 =	vld [tilespmem:s5+$0x30];
	v53 =	vmul.f32 v39, v39;
	v37 =	vperm.xlane v10, v0  }
0x19c: {  	v4 =	vmul.f32 $5.000000000e-01, v4;
	v7 =	vadd.f32 v11, v7;
	v11 =	vmul.f32 v32, v32  }
0x19d: {  	v8 =	vadd.f32 v53, v8;
	v57 =	vmul.f32 v38, v38;
	v10 =	vadd.f32 v10, v37  }
0x19e: {  	v56 =	vsub.s32 $0x5F3759DF, v56;
	v7 =	vadd.f32 v11, v7;
	v11 =	vadd.f32 v39, v29  }
0x19f: {  	v5 =	vmul.f32 v54, v5;
	v8 =	vadd.f32 v57, v8;
	v57 =	vmul.f32 v33, v33  }
0x1a0: {  	v37 =	vadd.f32 v55, v9;
	v58 =	vperm.xlane v10, v20;
	v11 =	vadd.f32 v38, v11  }
0x1a1: {  	v5 =	vmul.f32 v5, v54;
	v7 =	vadd.f32 v57, v7;
	v57 =	vmul.f32 v56, v4  }
0x1a2: {  	v9 =	vadd.f32 v10, v58;
	v58 =	vmul.f32 v37, v37;
	v11 =	vadd.f32 v37, v11  }
0x1a3: {  	v5 =	vsub.f32 $1.500000000e+00, v5;
	v53 =	vmul.f32 v56, v57;
	v57 =	vperm.xlane v7, v0  }
0x1a4: {  	v8 =	vadd.f32 v58, v8;
	v58 =	vmul.f32 v26, v26;
	v11 =	vadd.f32 v26, v11  }
0x1a5: {  	v5 =	vmul.f32 v5, v54;
	v53 =	vsub.f32 $1.500000000e+00, v53;
	v7 =	vadd.f32 v57, v7  }
0x1a6: {  	v8 =	vadd.f32 v58, v8;
	v58 =	vmul.f32 v25, v25;
	v11 =	vadd.f32 v25, v11  }
0x1a7: {  	v44 =	vsub.f32 v44, v6;
	v53 =	vmul.f32 v56, v53;
	v56 =	vperm.xlane v7, v20  }
0x1a8: {  	v55 =	vmul.f32 v34, v34;
	v8 =	vadd.f32 v58, v8;
	v11 =	vadd.f32 v34, v11  }
0x1a9: {  	v46 =	vmul.f32 v5, v46;
	v58 =	vperm.xlane v9, v61;
	v7 =	vadd.f32 v56, v7  }
0x1aa: {  	v57 =	vmul.f32 v23, v23;
	v8 =	vadd.f32 v55, v8;
	v11 =	vadd.f32 v23, v11  }
0x1ab: {  	v51 =	vmul.f32 v5, v51;
	v9 =	vadd.f32 v9, v58;
	v58 =	vperm.xlane v7, v61  }
0x1ac: {  	v50 =	vmul.f32 v5, v50;
	v8 =	vadd.f32 v57, v8;
	v57 =	vperm.xlane v11, v0  }
0x1ad: {  	v54 =	vmul.f32 v5, v48;
	v44 =	vmul.f32 v5, v44;
	v7 =	vadd.f32 v58, v7  }
0x1ae: {  	v52 =	vmul.f32 v5, v52;
	v51 =	vmul.f32 v51, v62;
	v10 =	vadd.f32 v11, v57  }
0x1af: {  	v55 =	vmul.f32 v5, v47;
	v58 =	vperm.xlane v7, v3  }
0x1b0: {  	v6 =	vsub.f32 v49, v6;
	v56 =	vperm.xlane v9, v3;
	v57 =	vperm.xlane v10, v20  }
0x1b1: {  	v48 =	vadd.f32 v58, v7;
	v58 =	vadd.f32 v51, v13;
	v13 =	vmul.f32 v54, v1  }
0x1b2: {  	v5 =	vmul.f32 v5, v6;
	v47 =	vadd.f32 v10, v57;
	v57 =	vmul.f32 v50, v63  }
0x1b3: {  	v6 =	vadd.f32 v9, v56;
	v50 =	vmul.f32 v44, v59;
	v9 =	vadd.f32 v13, v19  }
0x1b4: {  	[tilespmem:s11+$0x10] =	vst v58;
	v7 =	vadd.f32 v57, v2  }
0x1b5: {  	v49 =	vperm.xlane v8, v0;
	v54 =	vadd.f32 v50, v15;
	[tilespmem:s11+$0x30] =	vst v9  }
0x1b6: {  	v4 =	vmul.f32 v53, v4;
	[tilespmem:s11+$0x20] =	vst v7  }
0x1b7: {  	v8 =	vadd.f32 v49, v8;
	[tilespmem:s11+$0x40] =	vst v54  }
0x1b8: {  	v4 =	vmul.f32 v4, v53;
	v0 =	vld [tilespmem:$0x1FF50]  }
0x1b9: {  	v51 =	vmul.f32 v55, v16;
	v56 =	vperm.xlane v8, v20  }
0x1ba: {  	v4 =	vsub.f32 $1.500000000e+00, v4;
	v57 =	vmul.f32 v46, v18  }
0x1bb: {  	v55 =	vmul.f32 v52, v12;
	v49 =	vadd.f32 v56, v8;
	v8 =	vadd.f32 v51, v14  }
0x1bc: {  	v59 =	vadd.f32 v57, v17  }
0x1bd: {  	v44 =	vmul.f32 v4, v53;
	[tilespmem:s11+$0x50] =	vst v8;
	v4 =	vadd.f32 v55, v0  }
0x1be: {  	[tilespmem:s11+$0x0] =	vst v59  }
0x1bf: {  	[tilespmem:s11+$0x60] =	vst v4  }
0x1c0: {  	v0 =	vld [tilespmem:$0x1FF20];
	_ =	sdelay $0x1  }
0x1c1: {  	v36 =	vsub.f32 v36, v28;
	v58 =	vsub.f32 v42, v28  }
0x1c2: {  	v5 =	vmul.f32 v5, v60;
	v42 =	vsub.f32 v41, v28;
	v56 =	vsub.f32 v40, v28  }
0x1c3: {  	s18 =	simm.s32 $0x2;
	v41 =	vsub.f32 v43, v28;
	v40 =	vsub.f32 v45, v28;
	v46 =	vmul.f32 $7.812500000e-03, v6  }
0x1c4: {  	s22 =	simm.s32 $0xCB80;
	s16 =	sor.u32 $0x1, s21;
	s20 =	sadd.s32 $0x100, s20;
	v50 =	vmul.f32 v44, v58;
	v43 =	vmul.f32 v44, v56;
	v45 =	vadd.f32 v5, v0  }
.LBB2_5:
0x1c5: {  	v4 =	vld [tilespmem:s20+$0xFFFFFF20]  }
0x1c6: {  	v0 =	vld [tilespmem:$0x1FE90]  }
0x1c7: {  	v52 =	vld [tilespmem:s22+$0x50]  }
0x1c8: {  	v11 =	vld [tilespmem:s20+$0xFFFFFFE0]  }
0x1c9: {  	v53 =	vld [tilespmem:s22+$0x40]  }
0x1ca: {  	v54 =	vld [tilespmem:s22+$0xFFFFFF80]  }
0x1cb: {  	v55 =	vld [tilespmem:s20+$0xFFFFFFD0]  }
0x1cc: {  	v56 =	vld [tilespmem:s20+$0xFFFFFF80]  }
0x1cd: {  	v14 =	vld [tilespmem:$0x1FEE0]  }
0x1ce: {  	v20 =	vld [tilespmem:$0x1FFB0]  }
0x1cf: {  	v2 =	vld [tilespmem:$0x1FFA0]  }
0x1d0: {  	v13 =	vld [tilespmem:$0x1FF50];
	v5 =	vmul.f32 v46, v46;
	v6 =	vperm.xlane v47, v61  }
0x1d1: {  	v15 =	vld [tilespmem:$0x1FF20];
	v8 =	vmul.f32 $7.812500000e-03, v48;
	v9 =	vperm.xlane v49, v61  }
0x1d2: {  	v1 =	vmov v31;
	v12 =	vld [tilespmem:$0x1FF40];
	v6 =	vadd.f32 v47, v6  }
0x1d3: {  	[tilespmem:$0x1FE90] =	vst v1;
	v1 =	vld [tilespmem:$0x1FF90];
	v5 =	vsub.f32 v8, v5;
	v58 =	vadd.f32 v9, v49  }
0x1d4: {  	v31 =	vmul.f32 v44, v42;
	v7 =	vsub.f32 v0, v28;
	v0 =	vmovc v33;
	v33 =	vld [tilespmem:s22+$0xFFFFFFB0];
	v59 =	vperm.xlane v6, v3  }
0x1d5: {  	v40 =	vmul.f32 v44, v40;
	v5 =	vadd.f32 $9.999999960e-13, v5;
	v61 =	vperm.xlane v58, v3;
	v3 =	vld [tilespmem:$0x1FF80]  }
0x1d6: {  	v9 =	vmul.f32 v50, v62;
	[tilespmem:$0x1FE80] =	vst v0;
	v0 =	vld [tilespmem:$0x1FF70];
	v7 =	vmul.f32 v44, v7;
	v6 =	vadd.f32 v6, v59  }
0x1d7: {  	v16 =	vshrl.u32 v5, $0x1;
	v8 =	vadd.f32 v61, v58;
	v58 =	vld [tilespmem:s22+$0xFFFFFFF0];
	v5 =	vmul.f32 $5.000000000e-01, v5  }
0x1d8: {  	v10 =	vsub.f32 v21, v28;
	v28 =	vmovc v46;
	v57 =	vsub.s32 $0x5F3759DF, v16;
	v16 =	vld [tilespmem:$0x1FF60];
	v46 =	vmul.f32 $7.812500000e-03, v6  }
0x1d9: {  	v35 =	vsub.f32 v35, v28;
	v59 =	vld [tilespmem:s20+$0xFFFFFF60];
	v7 =	vmul.f32 v7, v63;
	v42 =	vmul.f32 v57, v5  }
0x1da: {  	v51 =	vsub.f32 v30, v28;
	v61 =	vld [tilespmem:s22+$0x0];
	v8 =	vmul.f32 $7.812500000e-03, v8;
	v30 =	vmul.f32 v46, v46  }
0x1db: {  	v62 =	vmul.f32 v44, v36;
	v36 =	vmovc v35;
	v35 =	vld [tilespmem:s20+$0xFFFFFF40];
	v7 =	vadd.f32 v7, v3;
	v18 =	vmul.f32 v57, v42  }
0x1dc: {  	v17 =	vmul.f32 v44, v41;
	v48 =	vsub.f32 v38, v46;
	v38 =	vld [tilespmem:s22+$0xFFFFFFD0];
	v8 =	vsub.f32 v8, v30  }
0x1dd: {  	v10 =	vmul.f32 v44, v10;
	v9 =	vadd.f32 v9, v16;
	v44 =	vsub.f32 $1.500000000e+00, v18;
	v18 =	vld [tilespmem:$0x1FF10]  }
0x1de: {  	v31 =	vmul.f32 v31, v2;
	[tilespmem:s11+$0xFFFFFFA0] =	vst v7;
	v7 =	vmul.f32 v17, v0;
	v17 =	vld [tilespmem:$0x1FF00];
	v8 =	vadd.f32 $9.999999960e-13, v8  }
0x1df: {  	v53 =	vadd.f32 v55, v53;
	v11 =	vadd.f32 v11, v52;
	v10 =	vmul.f32 v10, v60;
	v41 =	vld [tilespmem:s22+$0xFFFFFFA0];
	[tilespmem:s11+$0xFFFFFF90] =	vst v9  }
0x1e0: {  	v52 =	vsub.f32 v22, v28;
	v30 =	vmul.f32 v40, v20;
	v9 =	vld [tilespmem:s22+$0xFFFFFF90];
	v19 =	vshrl.u32 v8, $0x1  }
0x1e1: {  	v10 =	vadd.f32 v10, v15;
	v40 =	vsub.f32 v32, v28;
	v32 =	vsub.s32 $0x5F3759DF, v19;
	v19 =	vld [tilespmem:$0x1FF30]  }
0x1e2: {  	v47 =	vsub.f32 v34, v46;
	v34 =	vmul.f32 v43, v1;
	v30 =	vadd.f32 v30, v13;
	v43 =	vld [tilespmem:s20+$0xFFFFFF30]  }
0x1e3: {  	v49 =	vsub.f32 v37, v46;
	v42 =	vsub.f32 v24, v28;
	v37 =	vld [tilespmem:s20+$0xFFFFFF10];
	v8 =	vmul.f32 $5.000000000e-01, v8  }
0x1e4: {  	v6 =	vmul.f32 v62, v14;
	v24 =	vadd.f32 v35, v33;
	v35 =	vld [tilespmem:s20+$0xFFFFFFF0];
	[tilespmem:s11+$0xFFFFFFE0] =	vst v30;
	v30 =	vadd.f32 v31, v12  }
0x1e5: {  	v50 =	vsub.f32 v39, v46;
	v60 =	vld [tilespmem:s22+$0xFFFFFFC0];
	[tilespmem:s11+$0xFFFFFFF0] =	vst v10;
	v34 =	vadd.f32 v34, v18;
	v31 =	vmul.f32 v32, v8  }
0x1e6: {  	v10 =	vmul.f32 v57, v44;
	v4 =	vadd.f32 v4, v9;
	v9 =	vld [tilespmem:s20+$0xFFFFFF50];
	[tilespmem:s11+$0xFFFFFFB0] =	vst v30;
	v6 =	vadd.f32 v6, v19  }
0x1e7: {  	v7 =	vadd.f32 v7, v17;
	v57 =	vmul.f32 v32, v31;
	v31 =	vadd.f32 v43, v41;
	v43 =	vld [tilespmem:s20+$0x0];
	[tilespmem:s11+$0xFFFFFF80] =	vst v34  }
0x1e8: {  	v29 =	vsub.f32 v29, v46;
	v5 =	vmul.f32 v10, v5;
	v30 =	vadd.f32 v37, v54;
	[tilespmem:s11+$0xFFFFFFC0] =	vst v6;
	v6 =	vld [tilespmem:s22+$0x60]  }
0x1e9: {  	v55 =	vmul.f32 v53, v53;
	v33 =	vadd.f32 v56, v58;
	v54 =	vld [tilespmem:s22+$0x70];
	v41 =	vsub.f32 v27, v28;
	[tilespmem:s11+$0xFFFFFFD0] =	vst v7  }
0x1ea: {  	v5 =	vmul.f32 v5, v10;
	v44 =	vsub.f32 $1.500000000e+00, v57;
	v56 =	vadd.f32 v4, v30;
	v7 =	vld [tilespmem:s20+$0xFFFFFF70]  }
0x1eb: {  	v27 =	vadd.f32 v59, v38;
	v37 =	vmul.f32 v4, v4;
	v63 =	vmul.f32 v30, v30;
	v62 =	vld [tilespmem:s22+$0xFFFFFFE0]  }
0x1ec: {  	v39 =	vld [tilespmem:s20+$0xFFFFFFC0];
	v5 =	vsub.f32 $1.500000000e+00, v5;
	[tilespmem:s11+$0x70] =	vst v45;
	v45 =	vmul.f32 v32, v44;
	v44 =	vadd.f32 v31, v56  }
0x1ed: {  	v38 =	vld [tilespmem:s22+$0x20];
	v22 =	vmovc v4;
	v4 =	vmul.f32 v31, v31;
	v59 =	vadd.f32 v37, v63;
	v34 =	vadd.f32 v35, v6  }
0x1ee: {  	v37 =	vld [tilespmem:s22+$0x30];
	v8 =	vmul.f32 v45, v8;
	v35 =	vadd.f32 v9, v60;
	v9 =	vadd.f32 v24, v44  }
0x1ef: {  	v57 =	vmul.f32 v33, v33;
	v56 =	vld [tilespmem:s20+$0xFFFFFFA0];
	v54 =	vadd.f32 v43, v54;
	v4 =	vadd.f32 v4, v59  }
0x1f0: {  	v8 =	vmul.f32 v8, v45;
	v32 =	vadd.f32 v7, v62;
	v7 =	vld [tilespmem:s20+$0xFFFFFFB0];
	v9 =	vadd.f32 v35, v9  }
0x1f1: {  	v63 =	vld [tilespmem:s20+$0xFFFFFF90];
	v44 =	vmul.f32 v5, v10;
	v10 =	vsub.f32 v26, v46;
	v26 =	vmovc v53;
	v53 =	vmul.f32 v24, v24  }
0x1f2: {  	v6 =	vmul.f32 v11, v11;
	v62 =	vld [tilespmem:s22+$0x10];
	v8 =	vsub.f32 $1.500000000e+00, v8;
	v9 =	vadd.f32 v27, v9  }
0x1f3: {  	v21 =	vld [tilespmem:$0x1FFF0];
	v5 =	vsub.f32 v25, v46;
	v25 =	vmovc v11;
	v4 =	vadd.f32 v53, v4;
	v11 =	vmul.f32 v35, v35  }
0x1f4: {  	v37 =	vadd.f32 v39, v37;
	v8 =	vmul.f32 v8, v45;
	v9 =	vadd.f32 v32, v9  }
0x1f5: {  	v59 =	vmul.f32 v27, v27;
	v4 =	vadd.f32 v11, v4;
	v38 =	vadd.f32 v7, v38  }
0x1f6: {  	v7 =	vmul.f32 v8, v29;
	v29 =	vadd.f32 v63, v61;
	v9 =	vadd.f32 v33, v9  }
0x1f7: {  	v43 =	vmul.f32 v44, v51;
	v39 =	vadd.f32 v56, v62;
	v4 =	vadd.f32 v59, v4;
	v59 =	vld [tilespmem:$0x1FFE0]  }
0x1f8: {  	v45 =	vmul.f32 v8, v50;
	v50 =	vperm.xlane v9, v21  }
0x1f9: {  	v51 =	vmul.f32 v29, v29;
	v56 =	vmul.f32 v39, v39  }
0x1fa: {  	v60 =	vmul.f32 v54, v54;
	v53 =	vadd.f32 v39, v29;
	v9 =	vadd.f32 v9, v50  }
0x1fb: {  	v46 =	vsub.f32 v23, v46;
	v11 =	vmul.f32 v32, v32;
	v50 =	vadd.f32 v56, v51  }
0x1fc: {  	v51 =	vadd.f32 v38, v53;
	v53 =	vmul.f32 v38, v38;
	v56 =	vperm.xlane v9, v59  }
0x1fd: {  	v58 =	vmul.f32 v34, v34;
	v48 =	vmul.f32 v8, v48;
	v4 =	vadd.f32 v11, v4  }
0x1fe: {  	v62 =	vld [tilespmem:$0x1FEC0];
	v50 =	vadd.f32 v53, v50;
	v9 =	vadd.f32 v9, v56;
	v56 =	vmul.f32 v37, v37  }
0x1ff: {  	v10 =	vmul.f32 v8, v10;
	v63 =	vld [tilespmem:$0x1FED0];
	v4 =	vadd.f32 v57, v4;
	v51 =	vadd.f32 v37, v51  }
0x200: {  	v49 =	vmul.f32 v8, v49;
	v5 =	vmul.f32 v8, v5;
	v11 =	vadd.f32 v56, v50  }
0x201: {  	v23 =	vmovc v54;
	v10 =	vmul.f32 v10, v14;
	v54 =	vperm.xlane v4, v21;
	v57 =	vadd.f32 v26, v51  }
0x202: {  	v5 =	vmul.f32 v5, v0;
	v7 =	vmul.f32 v7, v1;
	v11 =	vadd.f32 v55, v11  }
0x203: {  	v61 =	vld [tilespmem:$0x1FFC0];
	v45 =	vmul.f32 v45, v62;
	v4 =	vadd.f32 v54, v4;
	v50 =	vadd.f32 v25, v57  }
0x204: {  	v10 =	vadd.f32 v10, v19;
	v48 =	vmul.f32 v48, v63;
	v6 =	vadd.f32 v6, v11  }
0x205: {  	v45 =	vadd.f32 v45, v16;
	v14 =	vperm.xlane v4, v59;
	v57 =	vadd.f32 v34, v50  }
0x206: {  	v48 =	vadd.f32 v48, v3;
	v56 =	vmul.f32 v8, v47;
	v6 =	vadd.f32 v58, v6  }
0x207: {  	v3 =	vld [tilespmem:$0x1FFD0];
	v4 =	vadd.f32 v14, v4;
	v55 =	vmul.f32 v49, v2;
	v47 =	vadd.f32 v23, v57  }
0x208: {  	s11 =	smov.u32 s5;
	v5 =	vadd.f32 v5, v17;
	v16 =	vperm.xlane v9, v61;
	v6 =	vadd.f32 v60, v6  }
0x209: {  	[tilespmem:s11+$0x10] =	vst v45;
	v54 =	vperm.xlane v4, v61;
	v45 =	vadd.f32 v55, v12;
	v53 =	vperm.xlane v47, v21;
	v60 =	vld [tilespmem:$0x1FEF0]  }
0x20a: {  	s18 =	sadd.s32 $0x2, s18;
	v7 =	vadd.f32 v7, v18;
	v9 =	vadd.f32 v9, v16;
	v55 =	vperm.xlane v6, v21  }
0x20b: {  	p0 =	slt.u32 s18, $0x26;
	v11 =	vmul.f32 v56, v20;
	v4 =	vadd.f32 v54, v4;
	[tilespmem:s11+$0x30] =	vst v45;
	v45 =	vadd.f32 v47, v53  }
.Ltmp3:
0x20c: {  	[tilespmem:s11+$0x50] =	vst v5;
	v5 =	vmul.f32 v8, v46;
	v56 =	vperm.xlane v9, v3;
	v6 =	vadd.f32 v55, v6;
	(pc) =	sbr.rel @p0 .LBB2_5-.Ltmp3, $4  }
0x20d: {  	[tilespmem:s11+$0x40] =	vst v10;
	v11 =	vadd.f32 v11, v13;
	v10 =	vperm.xlane v4, v3;
	v58 =	vperm.xlane v45, v59  }
0x20e: {  	[tilespmem:s11+$0x0] =	vst v7;
	v57 =	vadd.f32 v9, v56;
	v5 =	vmul.f32 v5, v60;
	v59 =	vperm.xlane v6, v59  }
0x20f: {  	[tilespmem:s11+$0x20] =	vst v48;
	v50 =	vmul.f32 v44, v52;
	v48 =	vadd.f32 v10, v4;
	v47 =	vadd.f32 v45, v58  }
0x210: {  	s5 =	smov.u32 s22;
	s20 =	sadd.s32 $0x100, s20;
	s22 =	sadd.s32 $0x100, s22;
	[tilespmem:s11+$0x60] =	vst v11;
	v46 =	vmul.f32 $7.812500000e-03, v57;
	v21 =	vld [tilespmem:$0x1FE80];
	v45 =	vadd.f32 v5, v15;
	v49 =	vadd.f32 v59, v6  }
0x211: {  	v4 =	vperm.xlane v47, v61;
	_ =	sdelay $0x1  }
0x212: {  	v5 =	vperm.xlane v49, v61;
	v4 =	vadd.f32 v47, v4;
	_ =	sdelay $0x1  }
0x213: {  	v5 =	vadd.f32 v5, v49;
	v6 =	vperm.xlane v4, v3;
	_ =	sdelay $0x1  }
0x214: {  	v7 =	vperm.xlane v5, v3;
	v4 =	vadd.f32 v4, v6;
	_ =	sdelay $0x1  }
0x215: {  	v5 =	vadd.f32 v7, v5;
	v4 =	vmul.f32 $7.812500000e-03, v4  }
0x216: {  	v8 =	vmul.f32 $7.812500000e-03, v48;
	v51 =	vmul.f32 v46, v46  }
0x217: {  	v5 =	vmul.f32 $7.812500000e-03, v5;
	v49 =	vmul.f32 v4, v4  }
0x218: {  	v52 =	vsub.f32 v8, v51  }
0x219: {  	v5 =	vsub.f32 v5, v49  }
0x21a: {  	v6 =	vadd.f32 $9.999999960e-13, v52  }
0x21b: {  	v5 =	vadd.f32 $9.999999960e-13, v5  }
0x21c: {  	v9 =	vshrl.u32 v6, $0x1  }
0x21d: {  	v0 =	vld [tilespmem:$0x1FE90];
	v6 =	vmul.f32 $5.000000000e-01, v6;
	v54 =	vshrl.u32 v5, $0x1;
	v5 =	vmul.f32 $5.000000000e-01, v5  }
0x21e: {  	v9 =	vsub.s32 $0x5F3759DF, v9;
	v8 =	vsub.s32 $0x5F3759DF, v54  }
0x21f: {  	v59 =	vld [tilespmem:$0x1FEE0];
	v11 =	vsub.f32 v21, v28;
	v21 =	vmul.f32 v9, v6;
	v10 =	vmul.f32 v8, v5  }
0x220: {  	v20 =	vmul.f32 v44, v42;
	v36 =	vmul.f32 v44, v36  }
0x221: {  	v12 =	vld [tilespmem:$0x1FFB0];
	v21 =	vmul.f32 v9, v21;
	v10 =	vmul.f32 v8, v10  }
0x222: {  	v40 =	vmul.f32 v44, v40;
	v56 =	vmul.f32 v44, v41;
	v13 =	vld [tilespmem:$0x1FF60];
	v53 =	vsub.f32 v0, v28  }
0x223: {  	v2 =	vld [tilespmem:$0x1FF80];
	v28 =	vmul.f32 v50, v62;
	v21 =	vsub.f32 $1.500000000e+00, v21;
	v10 =	vsub.f32 $1.500000000e+00, v10  }
0x224: {  	v18 =	vld [tilespmem:$0x1FF90];
	v36 =	vmul.f32 v36, v59;
	v7 =	vmul.f32 v44, v53  }
0x225: {  	v41 =	vld [tilespmem:$0x1FF50];
	v35 =	vsub.f32 v35, v46;
	v9 =	vmul.f32 v9, v21;
	v8 =	vmul.f32 v8, v10  }
0x226: {  	v1 =	vld [tilespmem:$0x1FFA0];
	v30 =	vsub.f32 v30, v46;
	v57 =	vmul.f32 v40, v12;
	v7 =	vmul.f32 v7, v63  }
0x227: {  	v0 =	vld [tilespmem:$0x1FF20];
	v28 =	vadd.f32 v28, v13;
	v6 =	vmul.f32 v9, v6;
	v5 =	vmul.f32 v8, v5  }
0x228: {  	v11 =	vmul.f32 v44, v11;
	v55 =	vsub.f32 v39, v4;
	v7 =	vadd.f32 v7, v2  }
0x229: {  	v16 =	vld [tilespmem:$0x1FF70];
	v34 =	vsub.f32 v34, v4;
	v6 =	vmul.f32 v6, v9;
	v5 =	vmul.f32 v5, v8  }
0x22a: {  	v11 =	vmul.f32 v11, v60;
	v39 =	vadd.f32 v57, v41;
	v37 =	vsub.f32 v37, v4;
	[tilespmem:s11+$0xFFFFFFA0] =	vst v7  }
0x22b: {  	v58 =	vmul.f32 v43, v18;
	v19 =	vld [tilespmem:$0x1FF40];
	v6 =	vsub.f32 $1.500000000e+00, v6;
	v5 =	vsub.f32 $1.500000000e+00, v5  }
0x22c: {  	v20 =	vmul.f32 v20, v1;
	v11 =	vadd.f32 v11, v0;
	v47 =	vsub.f32 v26, v4;
	[tilespmem:s11+$0xFFFFFF90] =	vst v28  }
0x22d: {  	v48 =	vsub.f32 v25, v4;
	v15 =	vld [tilespmem:$0x1FF30];
	v6 =	vmul.f32 v6, v9;
	v5 =	vmul.f32 v5, v8  }
0x22e: {  	v49 =	vsub.f32 v29, v4;
	v17 =	vld [tilespmem:$0x1FF10];
	[tilespmem:s11+$0xFFFFFFE0] =	vst v39;
	v21 =	vsub.f32 v38, v4;
	v38 =	vmul.f32 v56, v16  }
0x22f: {  	v14 =	vld [tilespmem:$0x1FF00];
	v4 =	vsub.f32 v23, v4;
	v26 =	vmul.f32 v6, v30;
	v10 =	vmul.f32 v5, v55  }
0x230: {  	v42 =	vadd.f32 v20, v19;
	v21 =	vmul.f32 v5, v21;
	v25 =	vmul.f32 v5, v37  }
0x231: {  	[tilespmem:s11+$0xFFFFFFF0] =	vst v11;
	v20 =	vsub.f32 v24, v46;
	v11 =	vmul.f32 v5, v47;
	v7 =	vmul.f32 v5, v48  }
0x232: {  	[tilespmem:s11+$0x70] =	vst v45;
	v43 =	vadd.f32 v36, v15;
	v52 =	vmul.f32 v5, v34;
	v8 =	vmul.f32 v5, v49  }
0x233: {  	v24 =	vadd.f32 v58, v17;
	[tilespmem:s11+$0xFFFFFFB0] =	vst v42;
	v4 =	vmul.f32 v5, v4;
	v5 =	vmul.f32 v26, v18  }
0x234: {  	v32 =	vsub.f32 v32, v46;
	v44 =	vadd.f32 v38, v14;
	[tilespmem:s11+$0xFFFFFFC0] =	vst v43;
	v10 =	vmul.f32 v10, v62  }
0x235: {  	v22 =	vsub.f32 v22, v46;
	[tilespmem:s11+$0xFFFFFF80] =	vst v24;
	v21 =	vmul.f32 v21, v63;
	v5 =	vadd.f32 v5, v17  }
0x236: {  	v27 =	vsub.f32 v27, v46;
	[tilespmem:s11+$0xFFFFFFD0] =	vst v44;
	v24 =	vmul.f32 v25, v1;
	v50 =	vadd.f32 v10, v13  }
0x237: {  	v54 =	vmul.f32 v6, v22;
	v51 =	vmul.f32 v11, v59;
	v21 =	vadd.f32 v21, v2;
	[tilespmem:s5+$0xFFFFFF80] =	vst v5  }
0x238: {  	v22 =	vsub.f32 v33, v46;
	v7 =	vmul.f32 v7, v16;
	v53 =	vadd.f32 v24, v19;
	[tilespmem:s5+$0x10] =	vst v50  }
0x239: {  	v33 =	vmul.f32 v6, v20;
	v11 =	vmul.f32 v52, v12;
	v10 =	vadd.f32 v51, v15;
	[tilespmem:s5+$0x20] =	vst v21  }
0x23a: {  	v25 =	vsub.f32 v31, v46;
	v8 =	vmul.f32 v8, v18;
	v7 =	vadd.f32 v7, v14;
	[tilespmem:s5+$0x30] =	vst v53  }
0x23b: {  	v58 =	vmul.f32 v54, v62;
	v34 =	vmul.f32 v6, v35;
	v55 =	vadd.f32 v11, v41;
	[tilespmem:s5+$0x40] =	vst v10  }
0x23c: {  	v4 =	vmul.f32 v4, v60;
	v57 =	vadd.f32 v8, v17;
	v21 =	vmul.f32 v6, v25;
	[tilespmem:s5+$0x50] =	vst v7  }
0x23d: {  	v8 =	vadd.f32 v58, v13;
	[tilespmem:s5+$0x60] =	vst v55;
	v10 =	vmul.f32 v33, v1;
	v7 =	vmul.f32 v34, v59  }
0x23e: {  	v4 =	vadd.f32 v4, v0;
	[tilespmem:s5+$0x0] =	vst v57;
	v56 =	vmul.f32 v21, v63;
	v21 =	vmul.f32 v6, v32  }
0x23f: {  	[tilespmem:s5+$0xFFFFFF90] =	vst v8;
	v32 =	vmul.f32 v6, v22;
	v37 =	vadd.f32 v10, v19  }
0x240: {  	[tilespmem:s5+$0x70] =	vst v4;
	v6 =	vmul.f32 v6, v27;
	v7 =	vadd.f32 v7, v15;
	v20 =	vmul.f32 v21, v12  }
0x241: {  	v11 =	vadd.f32 v56, v2;
	v9 =	vmul.f32 v32, v60;
	[tilespmem:s5+$0xFFFFFFB0] =	vst v37  }
0x242: {  	v6 =	vmul.f32 v6, v16;
	[tilespmem:s5+$0xFFFFFFC0] =	vst v7;
	v35 =	vadd.f32 v20, v41  }
0x243: {  	s18 =	sadd.s32 s8, s16;
	[tilespmem:s5+$0xFFFFFFA0] =	vst v11;
	v36 =	vadd.f32 v9, v0  }
0x244: {  	s11 =	smul.u32 $0x280, s18;
	v6 =	vadd.f32 v6, v14;
	[tilespmem:s5+$0xFFFFFFE0] =	vst v35  }
0x245: {  	[tilespmem:s5+$0xFFFFFFF0] =	vst v36  }
0x246: {  	s22 =	simm.s32 $0xC900;
	s20 =	sadd.s32 s6, s11;
	[tilespmem:s5+$0xFFFFFFD0] =	vst v6  }
0x247: {  	[hbm4b:s20+s7] =	stream.linear.scatter [tilespmem:s22], [sflag:$0x6], $0x1400, $0x38;
	[tilespmem:$0x10500] =	vst v63  }
0x248: {  	_ =	swait.ge [sflag:s25], $0x1400  }
0x249: {  	[sflag:s25] =	ssyncset.done $0x0  }
0x24a: {  	[sflag:s25] =	ssyncadd.s32 $0xFFFFEC00  }
0x24b: {  	s11 =	simm.s32 $0xDD80;
	v4 =	vld [tilespmem:s10+$0xFFFFFF20]  }
0x24c: {  	v5 =	vld [tilespmem:s11+$0x50]  }
0x24d: {  	v38 =	vld [tilespmem:s10+$0xFFFFFFE0]  }
0x24e: {  	v50 =	vld [tilespmem:s11+$0xFFFFFFB0]  }
0x24f: {  	v51 =	vld [tilespmem:s11+$0x40]  }
0x250: {  	v52 =	vld [tilespmem:s11+$0xFFFFFF80]  }
0x251: {  	v53 =	vld [tilespmem:s10+$0xFFFFFFD0]  }
0x252: {  	v54 =	vld [tilespmem:s10+$0xFFFFFF40]  }
0x253: {  	v21 =	vld [tilespmem:s10+$0xFFFFFF60]  }
0x254: {  	v22 =	vld [tilespmem:s10+$0xFFFFFFC0]  }
0x255: {  	v23 =	vld [tilespmem:s11+$0xFFFFFFD0]  }
0x256: {  	v20 =	vld [tilespmem:s11+$0xFFFFFFA0]  }
0x257: {  	v24 =	vld [tilespmem:s11+$0xFFFFFF90]  }
0x258: {  	v25 =	vld [tilespmem:s10+$0xFFFFFF30]  }
0x259: {  	v26 =	vld [tilespmem:s10+$0xFFFFFF10]  }
0x25a: {  	v28 =	vld [tilespmem:s11+$0x0]  }
0x25b: {  	v29 =	vld [tilespmem:s10+$0xFFFFFFA0]  }
0x25c: {  	v30 =	vld [tilespmem:s10+$0xFFFFFFB0]  }
0x25d: {  	v31 =	vld [tilespmem:s11+$0x10]  }
0x25e: {  	v55 =	vld [tilespmem:s10+$0xFFFFFF90]  }
0x25f: {  	v56 =	vld [tilespmem:s11+$0x20]  }
0x260: {  	v57 =	vld [tilespmem:s11+$0x30];
	v42 =	vadd.f32 v4, v24  }
0x261: {  	v58 =	vld [tilespmem:s10+$0xFFFFFFF0];
	v40 =	vadd.f32 v26, v52;
	v41 =	vadd.f32 v54, v50  }
0x262: {  	v34 =	vld [tilespmem:s11+$0x60];
	v44 =	vadd.f32 v53, v51;
	v0 =	vadd.f32 v25, v20  }
0x263: {  	v27 =	vld [tilespmem:s11+$0xFFFFFFC0];
	v46 =	vadd.f32 v55, v28;
	v51 =	vadd.f32 v29, v31  }
0x264: {  	v4 =	vld [tilespmem:s10+$0xFFFFFF50];
	v47 =	vadd.f32 v38, v5;
	v50 =	vadd.f32 v30, v56  }
0x265: {  	v35 =	vld [tilespmem:s10+$0x0];
	v43 =	vadd.f32 v21, v23;
	v48 =	vadd.f32 v22, v57  }
0x266: {  	v5 =	vld [tilespmem:s11+$0x70];
	v45 =	vmul.f32 v46, v46;
	v24 =	vadd.f32 v51, v46;
	v25 =	vmul.f32 v51, v51  }
0x267: {  	v52 =	vadd.f32 v58, v34;
	v9 =	vadd.f32 v42, v40  }
0x268: {  	v21 =	vmul.f32 v50, v50;
	v6 =	vadd.f32 v25, v45;
	v49 =	vadd.f32 v50, v24  }
0x269: {  	v23 =	vld [tilespmem:s10+$0xFFFFFF70];
	v22 =	vmul.f32 v42, v42;
	v9 =	vadd.f32 v0, v9;
	v36 =	vadd.f32 v4, v27  }
0x26a: {  	v55 =	vmul.f32 v48, v48;
	v4 =	vld [tilespmem:s11+$0xFFFFFFE0];
	v6 =	vadd.f32 v21, v6;
	v7 =	vadd.f32 v48, v49  }
0x26b: {  	v56 =	vmul.f32 v40, v40;
	v49 =	vadd.f32 v35, v5;
	v9 =	vadd.f32 v41, v9  }
0x26c: {  	[tilespmem:$0x1FE70] =	vst v0;
	v5 =	vmul.f32 v44, v44;
	v6 =	vadd.f32 v55, v6;
	v7 =	vadd.f32 v44, v7  }
0x26d: {  	v58 =	vmul.f32 v0, v0;
	v57 =	vadd.f32 v22, v56;
	v32 =	vld [tilespmem:s10+$0xFFFFFF80];
	v9 =	vadd.f32 v36, v9  }
0x26e: {  	v21 =	vmul.f32 v47, v47;
	v34 =	vld [tilespmem:s11+$0xFFFFFFF0];
	v5 =	vadd.f32 v5, v6;
	v33 =	vadd.f32 v47, v7  }
0x26f: {  	v0 =	vld [tilespmem:$0x1FFF0];
	v35 =	vmul.f32 v41, v41;
	v45 =	vadd.f32 v23, v4;
	v4 =	vadd.f32 v58, v57  }
0x270: {  	v37 =	vmul.f32 v52, v52;
	v5 =	vadd.f32 v21, v5;
	v6 =	vadd.f32 v52, v33  }
0x271: {  	v38 =	vmul.f32 v36, v36;
	v9 =	vadd.f32 v43, v9;
	v4 =	vadd.f32 v35, v4  }
0x272: {  	v22 =	vmul.f32 v49, v49;
	v5 =	vadd.f32 v37, v5;
	v6 =	vadd.f32 v49, v6  }
0x273: {  	v20 =	vld [tilespmem:$0x1FFE0];
	v39 =	vmul.f32 v43, v43;
	v21 =	vadd.f32 v32, v34;
	v9 =	vadd.f32 v45, v9  }
0x274: {  	v4 =	vadd.f32 v38, v4;
	v5 =	vadd.f32 v22, v5;
	v53 =	vperm.xlane v6, v0  }
0x275: {  	s18 =	sadd.s32 $0x100, s10;
	v54 =	vmul.f32 v45, v45;
	v9 =	vadd.f32 v21, v9  }
0x276: {  	s5 =	simm.s32 $0xDE80;
	v8 =	vld [tilespmem:s18+$0xFFFFFFE0];
	v4 =	vadd.f32 v39, v4;
	v55 =	vperm.xlane v5, v0;
	v6 =	vadd.f32 v6, v53  }
0x277: {  	v11 =	vld [tilespmem:s5+$0xFFFFFFB0];
	v56 =	vmul.f32 v21, v21;
	v38 =	vperm.xlane v9, v0  }
0x278: {  	v25 =	vld [tilespmem:s5+$0x40];
	v4 =	vadd.f32 v54, v4;
	v5 =	vadd.f32 v55, v5;
	v57 =	vperm.xlane v6, v20  }
0x279: {  	v26 =	vld [tilespmem:s5+$0xFFFFFF80];
	v9 =	vadd.f32 v9, v38  }
0x27a: {  	v29 =	vld [tilespmem:s18+$0xFFFFFF80];
	v4 =	vadd.f32 v56, v4;
	v39 =	vperm.xlane v5, v20;
	v6 =	vadd.f32 v6, v57  }
0x27b: {  	v31 =	vld [tilespmem:s5+$0xFFFFFFA0];
	v24 =	vperm.xlane v9, v20  }
0x27c: {  	v58 =	vld [tilespmem:s18+$0xFFFFFF20];
	v22 =	vperm.xlane v4, v0;
	v5 =	vadd.f32 v39, v5;
	v53 =	vperm.xlane v6, v61  }
0x27d: {  	v33 =	vld [tilespmem:s5+$0xFFFFFFF0];
	v9 =	vadd.f32 v9, v24  }
0x27e: {  	v54 =	vld [tilespmem:s18+$0xFFFFFF30];
	v4 =	vadd.f32 v22, v4;
	v22 =	vperm.xlane v5, v61;
	v6 =	vadd.f32 v6, v53  }
0x27f: {  	v23 =	vld [tilespmem:s5+$0x50];
	v28 =	vperm.xlane v9, v61  }
0x280: {  	v24 =	vld [tilespmem:s18+$0xFFFFFF40];
	v27 =	vperm.xlane v4, v20;
	v5 =	vadd.f32 v22, v5;
	v22 =	vperm.xlane v6, v3  }
0x281: {  	v7 =	vld [tilespmem:s18+$0xFFFFFFD0];
	v9 =	vadd.f32 v9, v28  }
0x282: {  	v32 =	vld [tilespmem:s18+$0xFFFFFF60];
	v4 =	vadd.f32 v27, v4;
	v27 =	vperm.xlane v5, v3;
	v6 =	vadd.f32 v6, v22  }
0x283: {  	v33 =	vadd.f32 v29, v33;
	v31 =	vadd.f32 v54, v31;
	v30 =	vperm.xlane v9, v3;
	v22 =	vld [tilespmem:s5+$0xFFFFFF90]  }
0x284: {  	v28 =	vperm.xlane v4, v61;
	v5 =	vadd.f32 v27, v5;
	v6 =	vmul.f32 $7.812500000e-03, v6;
	v27 =	vld [tilespmem:s18+$0xFFFFFF10]  }
0x285: {  	v34 =	vld [tilespmem:s5+$0xFFFFFFE0];
	v24 =	vadd.f32 v24, v11;
	v9 =	vadd.f32 v9, v30  }
0x286: {  	v37 =	vld [tilespmem:s5+$0xFFFFFFD0];
	v4 =	vadd.f32 v28, v4;
	v5 =	vmul.f32 $7.812500000e-03, v5;
	v51 =	vsub.f32 v51, v6  }
0x287: {  	v38 =	vld [tilespmem:s5+$0xFFFFFFC0];
	v28 =	vmul.f32 v6, v6;
	v50 =	vsub.f32 v50, v6;
	v52 =	vsub.f32 v52, v6  }
0x288: {  	v39 =	vld [tilespmem:s18+$0xFFFFFFF0];
	v55 =	vperm.xlane v4, v3;
	v48 =	vsub.f32 v48, v6;
	v57 =	vadd.f32 v58, v22  }
0x289: {  	v58 =	vld [tilespmem:s18+$0xFFFFFF50];
	v5 =	vsub.f32 v5, v28;
	v30 =	vadd.f32 v27, v26  }
0x28a: {  	v53 =	vld [tilespmem:s5+$0x60];
	v46 =	vsub.f32 v46, v6;
	v28 =	vmul.f32 $7.812500000e-03, v9;
	v4 =	vadd.f32 v55, v4  }
0x28b: {  	v11 =	vld [tilespmem:s18+$0xFFFFFF70];
	v5 =	vadd.f32 $9.999999960e-13, v5;
	v27 =	vadd.f32 v57, v30  }
0x28c: {  	v47 =	vsub.f32 v47, v6;
	v9 =	vld [tilespmem:s5+$0x0];
	v26 =	vmul.f32 v28, v28;
	v4 =	vmul.f32 $7.812500000e-03, v4  }
0x28d: {  	v55 =	vld [tilespmem:s18+$0x0];
	v56 =	vshrl.u32 v5, $0x1;
	v5 =	vmul.f32 $5.000000000e-01, v5;
	v27 =	vadd.f32 v31, v27  }
0x28e: {  	v4 =	vsub.f32 v4, v26;
	v35 =	vadd.f32 v58, v38;
	v54 =	vsub.s32 $0x5F3759DF, v56;
	v56 =	vld [tilespmem:s5+$0x70]  }
0x28f: {  	v26 =	vmul.f32 v54, v5;
	v10 =	vadd.f32 v24, v27;
	v27 =	vadd.f32 v32, v37;
	v37 =	vld [tilespmem:s18+$0xFFFFFFA0]  }
0x290: {  	v58 =	vmul.f32 v30, v30;
	v4 =	vadd.f32 $9.999999960e-13, v4;
	v32 =	vadd.f32 v11, v34;
	v11 =	vld [tilespmem:s18+$0xFFFFFF90]  }
0x291: {  	v22 =	vmovc v57;
	v38 =	vmul.f32 v54, v26;
	v26 =	vadd.f32 v7, v25;
	v7 =	vmul.f32 v57, v57;
	v57 =	vld [tilespmem:s5+$0x10]  }
0x292: {  	v25 =	vadd.f32 v8, v23;
	v8 =	vld [tilespmem:s18+$0xFFFFFFB0];
	v10 =	vadd.f32 v35, v10  }
0x293: {  	v29 =	vmul.f32 v31, v31;
	v34 =	vadd.f32 v39, v53;
	v7 =	vadd.f32 v7, v58;
	v58 =	vld [tilespmem:s5+$0x20]  }
0x294: {  	v38 =	vsub.f32 $1.500000000e+00, v38;
	v10 =	vadd.f32 v27, v10  }
0x295: {  	v53 =	vmul.f32 v24, v24;
	v23 =	vadd.f32 v55, v56;
	v7 =	vadd.f32 v29, v7  }
0x296: {  	v29 =	vadd.f32 v11, v9;
	v10 =	vadd.f32 v32, v10  }
0x297: {  	v11 =	vmul.f32 v35, v35;
	v39 =	vadd.f32 v37, v57;
	v7 =	vadd.f32 v53, v7  }
0x298: {  	v54 =	vmul.f32 v54, v38;
	v10 =	vadd.f32 v33, v10;
	v38 =	vadd.f32 v8, v58  }
0x299: {  	v55 =	vld [tilespmem:s18+$0xFFFFFFC0];
	v8 =	vmul.f32 v29, v29;
	v7 =	vadd.f32 v11, v7;
	v11 =	vmul.f32 v27, v27  }
0x29a: {  	v56 =	vshrl.u32 v4, $0x1;
	v9 =	vld [tilespmem:s5+$0x30];
	v53 =	vmul.f32 v39, v39;
	v37 =	vperm.xlane v10, v0  }
0x29b: {  	v4 =	vmul.f32 $5.000000000e-01, v4;
	v7 =	vadd.f32 v11, v7;
	v11 =	vmul.f32 v32, v32  }
0x29c: {  	v8 =	vadd.f32 v53, v8;
	v57 =	vmul.f32 v38, v38;
	v10 =	vadd.f32 v10, v37  }
0x29d: {  	v56 =	vsub.s32 $0x5F3759DF, v56;
	v7 =	vadd.f32 v11, v7;
	v11 =	vadd.f32 v39, v29  }
0x29e: {  	v5 =	vmul.f32 v54, v5;
	v8 =	vadd.f32 v57, v8;
	v57 =	vmul.f32 v33, v33  }
0x29f: {  	v37 =	vadd.f32 v55, v9;
	v58 =	vperm.xlane v10, v20;
	v11 =	vadd.f32 v38, v11  }
0x2a0: {  	v5 =	vmul.f32 v5, v54;
	v7 =	vadd.f32 v57, v7;
	v57 =	vmul.f32 v56, v4  }
0x2a1: {  	v9 =	vadd.f32 v10, v58;
	v58 =	vmul.f32 v37, v37;
	v11 =	vadd.f32 v37, v11  }
0x2a2: {  	v5 =	vsub.f32 $1.500000000e+00, v5;
	v53 =	vmul.f32 v56, v57;
	v57 =	vperm.xlane v7, v0  }
0x2a3: {  	v8 =	vadd.f32 v58, v8;
	v58 =	vmul.f32 v26, v26;
	v11 =	vadd.f32 v26, v11  }
0x2a4: {  	v5 =	vmul.f32 v5, v54;
	v53 =	vsub.f32 $1.500000000e+00, v53;
	v7 =	vadd.f32 v57, v7  }
0x2a5: {  	v8 =	vadd.f32 v58, v8;
	v58 =	vmul.f32 v25, v25;
	v11 =	vadd.f32 v25, v11  }
0x2a6: {  	v44 =	vsub.f32 v44, v6;
	v53 =	vmul.f32 v56, v53;
	v56 =	vperm.xlane v7, v20  }
0x2a7: {  	v55 =	vmul.f32 v34, v34;
	v8 =	vadd.f32 v58, v8;
	v11 =	vadd.f32 v34, v11  }
0x2a8: {  	v46 =	vmul.f32 v5, v46;
	v58 =	vperm.xlane v9, v61;
	v7 =	vadd.f32 v56, v7  }
0x2a9: {  	v57 =	vmul.f32 v23, v23;
	v8 =	vadd.f32 v55, v8;
	v11 =	vadd.f32 v23, v11  }
0x2aa: {  	v51 =	vmul.f32 v5, v51;
	v9 =	vadd.f32 v9, v58;
	v58 =	vperm.xlane v7, v61  }
0x2ab: {  	v50 =	vmul.f32 v5, v50;
	v8 =	vadd.f32 v57, v8;
	v57 =	vperm.xlane v11, v0  }
0x2ac: {  	v54 =	vmul.f32 v5, v48;
	v44 =	vmul.f32 v5, v44;
	v7 =	vadd.f32 v58, v7  }
0x2ad: {  	v52 =	vmul.f32 v5, v52;
	v51 =	vmul.f32 v51, v62;
	v10 =	vadd.f32 v11, v57  }
0x2ae: {  	v55 =	vmul.f32 v5, v47;
	v58 =	vperm.xlane v7, v3  }
0x2af: {  	v6 =	vsub.f32 v49, v6;
	v56 =	vperm.xlane v9, v3;
	v57 =	vperm.xlane v10, v20  }
0x2b0: {  	v48 =	vadd.f32 v58, v7;
	v58 =	vadd.f32 v51, v13;
	v13 =	vmul.f32 v54, v1  }
0x2b1: {  	v5 =	vmul.f32 v5, v6;
	v47 =	vadd.f32 v10, v57;
	v57 =	vmul.f32 v50, v63  }
0x2b2: {  	v6 =	vadd.f32 v9, v56;
	v50 =	vmul.f32 v44, v59;
	v9 =	vadd.f32 v13, v19  }
0x2b3: {  	[tilespmem:s11+$0x10] =	vst v58;
	v7 =	vadd.f32 v57, v2  }
0x2b4: {  	v49 =	vperm.xlane v8, v0;
	v54 =	vadd.f32 v50, v15;
	[tilespmem:s11+$0x30] =	vst v9  }
0x2b5: {  	v4 =	vmul.f32 v53, v4;
	[tilespmem:s11+$0x20] =	vst v7  }
0x2b6: {  	v8 =	vadd.f32 v49, v8;
	[tilespmem:s11+$0x40] =	vst v54  }
0x2b7: {  	v4 =	vmul.f32 v4, v53;
	v0 =	vld [tilespmem:$0x1FF50]  }
0x2b8: {  	v51 =	vmul.f32 v55, v16;
	v56 =	vperm.xlane v8, v20  }
0x2b9: {  	v4 =	vsub.f32 $1.500000000e+00, v4;
	v57 =	vmul.f32 v46, v18  }
0x2ba: {  	v55 =	vmul.f32 v52, v12;
	v49 =	vadd.f32 v56, v8;
	v8 =	vadd.f32 v51, v14  }
0x2bb: {  	v59 =	vadd.f32 v57, v17  }
0x2bc: {  	v44 =	vmul.f32 v4, v53;
	[tilespmem:s11+$0x50] =	vst v8;
	v4 =	vadd.f32 v55, v0  }
0x2bd: {  	[tilespmem:s11+$0x0] =	vst v59  }
0x2be: {  	[tilespmem:s11+$0x60] =	vst v4  }
0x2bf: {  	v0 =	vld [tilespmem:$0x1FF20];
	_ =	sdelay $0x1  }
0x2c0: {  	v36 =	vsub.f32 v36, v28;
	v58 =	vsub.f32 v42, v28  }
0x2c1: {  	v5 =	vmul.f32 v5, v60;
	v42 =	vsub.f32 v41, v28;
	v56 =	vsub.f32 v40, v28  }
0x2c2: {  	s16 =	simm.s32 $0x2;
	v41 =	vsub.f32 v43, v28;
	v40 =	vsub.f32 v45, v28;
	v46 =	vmul.f32 $7.812500000e-03, v6  }
0x2c3: {  	s20 =	simm.s32 $0xDF80;
	s10 =	sor.u32 $0x2, s21;
	s18 =	sadd.s32 $0x100, s18;
	v50 =	vmul.f32 v44, v58;
	v43 =	vmul.f32 v44, v56;
	v45 =	vadd.f32 v5, v0  }
.LBB2_7:
0x2c4: {  	v4 =	vld [tilespmem:s18+$0xFFFFFF20]  }
0x2c5: {  	v0 =	vld [tilespmem:$0x1FE70]  }
0x2c6: {  	v52 =	vld [tilespmem:s20+$0x50]  }
0x2c7: {  	v11 =	vld [tilespmem:s18+$0xFFFFFFE0]  }
0x2c8: {  	v53 =	vld [tilespmem:s20+$0x40]  }
0x2c9: {  	v54 =	vld [tilespmem:s20+$0xFFFFFF80]  }
0x2ca: {  	v55 =	vld [tilespmem:s18+$0xFFFFFFD0]  }
0x2cb: {  	v56 =	vld [tilespmem:s18+$0xFFFFFF80]  }
0x2cc: {  	v14 =	vld [tilespmem:$0x1FEE0]  }
0x2cd: {  	v20 =	vld [tilespmem:$0x1FFB0]  }
0x2ce: {  	v2 =	vld [tilespmem:$0x1FFA0]  }
0x2cf: {  	v13 =	vld [tilespmem:$0x1FF50];
	v5 =	vmul.f32 v46, v46;
	v6 =	vperm.xlane v47, v61  }
0x2d0: {  	v15 =	vld [tilespmem:$0x1FF20];
	v8 =	vmul.f32 $7.812500000e-03, v48;
	v9 =	vperm.xlane v49, v61  }
0x2d1: {  	v1 =	vmov v31;
	v12 =	vld [tilespmem:$0x1FF40];
	v6 =	vadd.f32 v47, v6  }
0x2d2: {  	[tilespmem:$0x1FE70] =	vst v1;
	v1 =	vld [tilespmem:$0x1FF90];
	v5 =	vsub.f32 v8, v5;
	v58 =	vadd.f32 v9, v49  }
0x2d3: {  	v31 =	vmul.f32 v44, v42;
	v7 =	vsub.f32 v0, v28;
	v0 =	vmovc v33;
	v33 =	vld [tilespmem:s20+$0xFFFFFFB0];
	v59 =	vperm.xlane v6, v3  }
0x2d4: {  	v40 =	vmul.f32 v44, v40;
	v5 =	vadd.f32 $9.999999960e-13, v5;
	v61 =	vperm.xlane v58, v3;
	v3 =	vld [tilespmem:$0x1FF80]  }
0x2d5: {  	v9 =	vmul.f32 v50, v62;
	[tilespmem:$0x1FE60] =	vst v0;
	v0 =	vld [tilespmem:$0x1FF70];
	v7 =	vmul.f32 v44, v7;
	v6 =	vadd.f32 v6, v59  }
0x2d6: {  	v16 =	vshrl.u32 v5, $0x1;
	v8 =	vadd.f32 v61, v58;
	v58 =	vld [tilespmem:s20+$0xFFFFFFF0];
	v5 =	vmul.f32 $5.000000000e-01, v5  }
0x2d7: {  	v10 =	vsub.f32 v21, v28;
	v28 =	vmovc v46;
	v57 =	vsub.s32 $0x5F3759DF, v16;
	v16 =	vld [tilespmem:$0x1FF60];
	v46 =	vmul.f32 $7.812500000e-03, v6  }
0x2d8: {  	v35 =	vsub.f32 v35, v28;
	v59 =	vld [tilespmem:s18+$0xFFFFFF60];
	v7 =	vmul.f32 v7, v63;
	v42 =	vmul.f32 v57, v5  }
0x2d9: {  	v51 =	vsub.f32 v30, v28;
	v61 =	vld [tilespmem:s20+$0x0];
	v8 =	vmul.f32 $7.812500000e-03, v8;
	v30 =	vmul.f32 v46, v46  }
0x2da: {  	v62 =	vmul.f32 v44, v36;
	v36 =	vmovc v35;
	v35 =	vld [tilespmem:s18+$0xFFFFFF40];
	v7 =	vadd.f32 v7, v3;
	v18 =	vmul.f32 v57, v42  }
0x2db: {  	v17 =	vmul.f32 v44, v41;
	v48 =	vsub.f32 v38, v46;
	v38 =	vld [tilespmem:s20+$0xFFFFFFD0];
	v8 =	vsub.f32 v8, v30  }
0x2dc: {  	v10 =	vmul.f32 v44, v10;
	v9 =	vadd.f32 v9, v16;
	v44 =	vsub.f32 $1.500000000e+00, v18;
	v18 =	vld [tilespmem:$0x1FF10]  }
0x2dd: {  	v31 =	vmul.f32 v31, v2;
	[tilespmem:s11+$0xFFFFFFA0] =	vst v7;
	v7 =	vmul.f32 v17, v0;
	v17 =	vld [tilespmem:$0x1FF00];
	v8 =	vadd.f32 $9.999999960e-13, v8  }
0x2de: {  	v53 =	vadd.f32 v55, v53;
	v11 =	vadd.f32 v11, v52;
	v10 =	vmul.f32 v10, v60;
	v41 =	vld [tilespmem:s20+$0xFFFFFFA0];
	[tilespmem:s11+$0xFFFFFF90] =	vst v9  }
0x2df: {  	v52 =	vsub.f32 v22, v28;
	v30 =	vmul.f32 v40, v20;
	v9 =	vld [tilespmem:s20+$0xFFFFFF90];
	v19 =	vshrl.u32 v8, $0x1  }
0x2e0: {  	v10 =	vadd.f32 v10, v15;
	v40 =	vsub.f32 v32, v28;
	v32 =	vsub.s32 $0x5F3759DF, v19;
	v19 =	vld [tilespmem:$0x1FF30]  }
0x2e1: {  	v47 =	vsub.f32 v34, v46;
	v34 =	vmul.f32 v43, v1;
	v30 =	vadd.f32 v30, v13;
	v43 =	vld [tilespmem:s18+$0xFFFFFF30]  }
0x2e2: {  	v49 =	vsub.f32 v37, v46;
	v42 =	vsub.f32 v24, v28;
	v37 =	vld [tilespmem:s18+$0xFFFFFF10];
	v8 =	vmul.f32 $5.000000000e-01, v8  }
0x2e3: {  	v6 =	vmul.f32 v62, v14;
	v24 =	vadd.f32 v35, v33;
	v35 =	vld [tilespmem:s18+$0xFFFFFFF0];
	[tilespmem:s11+$0xFFFFFFE0] =	vst v30;
	v30 =	vadd.f32 v31, v12  }
0x2e4: {  	v50 =	vsub.f32 v39, v46;
	v60 =	vld [tilespmem:s20+$0xFFFFFFC0];
	[tilespmem:s11+$0xFFFFFFF0] =	vst v10;
	v34 =	vadd.f32 v34, v18;
	v31 =	vmul.f32 v32, v8  }
0x2e5: {  	v10 =	vmul.f32 v57, v44;
	v4 =	vadd.f32 v4, v9;
	v9 =	vld [tilespmem:s18+$0xFFFFFF50];
	[tilespmem:s11+$0xFFFFFFB0] =	vst v30;
	v6 =	vadd.f32 v6, v19  }
0x2e6: {  	v7 =	vadd.f32 v7, v17;
	v57 =	vmul.f32 v32, v31;
	v31 =	vadd.f32 v43, v41;
	v43 =	vld [tilespmem:s18+$0x0];
	[tilespmem:s11+$0xFFFFFF80] =	vst v34  }
0x2e7: {  	v29 =	vsub.f32 v29, v46;
	v5 =	vmul.f32 v10, v5;
	v30 =	vadd.f32 v37, v54;
	[tilespmem:s11+$0xFFFFFFC0] =	vst v6;
	v6 =	vld [tilespmem:s20+$0x60]  }
0x2e8: {  	v55 =	vmul.f32 v53, v53;
	v33 =	vadd.f32 v56, v58;
	v54 =	vld [tilespmem:s20+$0x70];
	v41 =	vsub.f32 v27, v28;
	[tilespmem:s11+$0xFFFFFFD0] =	vst v7  }
0x2e9: {  	v5 =	vmul.f32 v5, v10;
	v44 =	vsub.f32 $1.500000000e+00, v57;
	v56 =	vadd.f32 v4, v30;
	v7 =	vld [tilespmem:s18+$0xFFFFFF70]  }
0x2ea: {  	v27 =	vadd.f32 v59, v38;
	v37 =	vmul.f32 v4, v4;
	v63 =	vmul.f32 v30, v30;
	v62 =	vld [tilespmem:s20+$0xFFFFFFE0]  }
0x2eb: {  	v39 =	vld [tilespmem:s18+$0xFFFFFFC0];
	v5 =	vsub.f32 $1.500000000e+00, v5;
	[tilespmem:s11+$0x70] =	vst v45;
	v45 =	vmul.f32 v32, v44;
	v44 =	vadd.f32 v31, v56  }
0x2ec: {  	v38 =	vld [tilespmem:s20+$0x20];
	v22 =	vmovc v4;
	v4 =	vmul.f32 v31, v31;
	v59 =	vadd.f32 v37, v63;
	v34 =	vadd.f32 v35, v6  }
0x2ed: {  	v37 =	vld [tilespmem:s20+$0x30];
	v8 =	vmul.f32 v45, v8;
	v35 =	vadd.f32 v9, v60;
	v9 =	vadd.f32 v24, v44  }
0x2ee: {  	v57 =	vmul.f32 v33, v33;
	v56 =	vld [tilespmem:s18+$0xFFFFFFA0];
	v54 =	vadd.f32 v43, v54;
	v4 =	vadd.f32 v4, v59  }
0x2ef: {  	v8 =	vmul.f32 v8, v45;
	v32 =	vadd.f32 v7, v62;
	v7 =	vld [tilespmem:s18+$0xFFFFFFB0];
	v9 =	vadd.f32 v35, v9  }
0x2f0: {  	v63 =	vld [tilespmem:s18+$0xFFFFFF90];
	v44 =	vmul.f32 v5, v10;
	v10 =	vsub.f32 v26, v46;
	v26 =	vmovc v53;
	v53 =	vmul.f32 v24, v24  }
0x2f1: {  	v6 =	vmul.f32 v11, v11;
	v62 =	vld [tilespmem:s20+$0x10];
	v8 =	vsub.f32 $1.500000000e+00, v8;
	v9 =	vadd.f32 v27, v9  }
0x2f2: {  	v21 =	vld [tilespmem:$0x1FFF0];
	v5 =	vsub.f32 v25, v46;
	v25 =	vmovc v11;
	v4 =	vadd.f32 v53, v4;
	v11 =	vmul.f32 v35, v35  }
0x2f3: {  	v37 =	vadd.f32 v39, v37;
	v8 =	vmul.f32 v8, v45;
	v9 =	vadd.f32 v32, v9  }
0x2f4: {  	v59 =	vmul.f32 v27, v27;
	v4 =	vadd.f32 v11, v4;
	v38 =	vadd.f32 v7, v38  }
0x2f5: {  	v7 =	vmul.f32 v8, v29;
	v29 =	vadd.f32 v63, v61;
	v9 =	vadd.f32 v33, v9  }
0x2f6: {  	v43 =	vmul.f32 v44, v51;
	v39 =	vadd.f32 v56, v62;
	v4 =	vadd.f32 v59, v4;
	v59 =	vld [tilespmem:$0x1FFE0]  }
0x2f7: {  	v45 =	vmul.f32 v8, v50;
	v50 =	vperm.xlane v9, v21  }
0x2f8: {  	v51 =	vmul.f32 v29, v29;
	v56 =	vmul.f32 v39, v39  }
0x2f9: {  	v60 =	vmul.f32 v54, v54;
	v53 =	vadd.f32 v39, v29;
	v9 =	vadd.f32 v9, v50  }
0x2fa: {  	v46 =	vsub.f32 v23, v46;
	v11 =	vmul.f32 v32, v32;
	v50 =	vadd.f32 v56, v51  }
0x2fb: {  	v51 =	vadd.f32 v38, v53;
	v53 =	vmul.f32 v38, v38;
	v56 =	vperm.xlane v9, v59  }
0x2fc: {  	v58 =	vmul.f32 v34, v34;
	v48 =	vmul.f32 v8, v48;
	v4 =	vadd.f32 v11, v4  }
0x2fd: {  	v62 =	vld [tilespmem:$0x1FEC0];
	v50 =	vadd.f32 v53, v50;
	v9 =	vadd.f32 v9, v56;
	v56 =	vmul.f32 v37, v37  }
0x2fe: {  	v10 =	vmul.f32 v8, v10;
	v63 =	vld [tilespmem:$0x1FED0];
	v4 =	vadd.f32 v57, v4;
	v51 =	vadd.f32 v37, v51  }
0x2ff: {  	v49 =	vmul.f32 v8, v49;
	v5 =	vmul.f32 v8, v5;
	v11 =	vadd.f32 v56, v50  }
0x300: {  	v23 =	vmovc v54;
	v10 =	vmul.f32 v10, v14;
	v54 =	vperm.xlane v4, v21;
	v57 =	vadd.f32 v26, v51  }
0x301: {  	v5 =	vmul.f32 v5, v0;
	v7 =	vmul.f32 v7, v1;
	v11 =	vadd.f32 v55, v11  }
0x302: {  	v61 =	vld [tilespmem:$0x1FFC0];
	v45 =	vmul.f32 v45, v62;
	v4 =	vadd.f32 v54, v4;
	v50 =	vadd.f32 v25, v57  }
0x303: {  	v10 =	vadd.f32 v10, v19;
	v48 =	vmul.f32 v48, v63;
	v6 =	vadd.f32 v6, v11  }
0x304: {  	v45 =	vadd.f32 v45, v16;
	v14 =	vperm.xlane v4, v59;
	v57 =	vadd.f32 v34, v50  }
0x305: {  	v48 =	vadd.f32 v48, v3;
	v56 =	vmul.f32 v8, v47;
	v6 =	vadd.f32 v58, v6  }
0x306: {  	v3 =	vld [tilespmem:$0x1FFD0];
	v4 =	vadd.f32 v14, v4;
	v55 =	vmul.f32 v49, v2;
	v47 =	vadd.f32 v23, v57  }
0x307: {  	s11 =	smov.u32 s5;
	v5 =	vadd.f32 v5, v17;
	v16 =	vperm.xlane v9, v61;
	v6 =	vadd.f32 v60, v6  }
0x308: {  	[tilespmem:s11+$0x10] =	vst v45;
	v54 =	vperm.xlane v4, v61;
	v45 =	vadd.f32 v55, v12;
	v53 =	vperm.xlane v47, v21;
	v60 =	vld [tilespmem:$0x1FEF0]  }
0x309: {  	s16 =	sadd.s32 $0x2, s16;
	v7 =	vadd.f32 v7, v18;
	v9 =	vadd.f32 v9, v16;
	v55 =	vperm.xlane v6, v21  }
0x30a: {  	p0 =	slt.u32 s16, $0x26;
	v11 =	vmul.f32 v56, v20;
	v4 =	vadd.f32 v54, v4;
	[tilespmem:s11+$0x30] =	vst v45;
	v45 =	vadd.f32 v47, v53  }
.Ltmp4:
0x30b: {  	[tilespmem:s11+$0x50] =	vst v5;
	v5 =	vmul.f32 v8, v46;
	v56 =	vperm.xlane v9, v3;
	v6 =	vadd.f32 v55, v6;
	(pc) =	sbr.rel @p0 .LBB2_7-.Ltmp4, $4  }
0x30c: {  	[tilespmem:s11+$0x40] =	vst v10;
	v11 =	vadd.f32 v11, v13;
	v10 =	vperm.xlane v4, v3;
	v58 =	vperm.xlane v45, v59  }
0x30d: {  	[tilespmem:s11+$0x0] =	vst v7;
	v57 =	vadd.f32 v9, v56;
	v5 =	vmul.f32 v5, v60;
	v59 =	vperm.xlane v6, v59  }
0x30e: {  	[tilespmem:s11+$0x20] =	vst v48;
	v50 =	vmul.f32 v44, v52;
	v48 =	vadd.f32 v10, v4;
	v47 =	vadd.f32 v45, v58  }
0x30f: {  	s5 =	smov.u32 s20;
	s18 =	sadd.s32 $0x100, s18;
	s20 =	sadd.s32 $0x100, s20;
	[tilespmem:s11+$0x60] =	vst v11;
	v46 =	vmul.f32 $7.812500000e-03, v57;
	v21 =	vld [tilespmem:$0x1FE60];
	v45 =	vadd.f32 v5, v15;
	v49 =	vadd.f32 v59, v6  }
0x310: {  	v4 =	vperm.xlane v47, v61;
	_ =	sdelay $0x1  }
0x311: {  	v5 =	vperm.xlane v49, v61;
	v4 =	vadd.f32 v47, v4;
	_ =	sdelay $0x1  }
0x312: {  	v5 =	vadd.f32 v5, v49;
	v6 =	vperm.xlane v4, v3;
	_ =	sdelay $0x1  }
0x313: {  	v7 =	vperm.xlane v5, v3;
	v4 =	vadd.f32 v4, v6;
	_ =	sdelay $0x1  }
0x314: {  	v5 =	vadd.f32 v7, v5;
	v4 =	vmul.f32 $7.812500000e-03, v4  }
0x315: {  	v8 =	vmul.f32 $7.812500000e-03, v48;
	v51 =	vmul.f32 v46, v46  }
0x316: {  	v5 =	vmul.f32 $7.812500000e-03, v5;
	v49 =	vmul.f32 v4, v4  }
0x317: {  	v52 =	vsub.f32 v8, v51  }
0x318: {  	v5 =	vsub.f32 v5, v49  }
0x319: {  	v6 =	vadd.f32 $9.999999960e-13, v52  }
0x31a: {  	v5 =	vadd.f32 $9.999999960e-13, v5  }
0x31b: {  	v9 =	vshrl.u32 v6, $0x1  }
0x31c: {  	v0 =	vld [tilespmem:$0x1FE70];
	v6 =	vmul.f32 $5.000000000e-01, v6;
	v54 =	vshrl.u32 v5, $0x1;
	v5 =	vmul.f32 $5.000000000e-01, v5  }
0x31d: {  	v9 =	vsub.s32 $0x5F3759DF, v9;
	v8 =	vsub.s32 $0x5F3759DF, v54  }
0x31e: {  	v59 =	vld [tilespmem:$0x1FEE0];
	v11 =	vsub.f32 v21, v28;
	v21 =	vmul.f32 v9, v6;
	v10 =	vmul.f32 v8, v5  }
0x31f: {  	v20 =	vmul.f32 v44, v42;
	v36 =	vmul.f32 v44, v36  }
0x320: {  	v12 =	vld [tilespmem:$0x1FFB0];
	v21 =	vmul.f32 v9, v21;
	v10 =	vmul.f32 v8, v10  }
0x321: {  	v40 =	vmul.f32 v44, v40;
	v56 =	vmul.f32 v44, v41;
	v13 =	vld [tilespmem:$0x1FF60];
	v53 =	vsub.f32 v0, v28  }
0x322: {  	v2 =	vld [tilespmem:$0x1FF80];
	v28 =	vmul.f32 v50, v62;
	v21 =	vsub.f32 $1.500000000e+00, v21;
	v10 =	vsub.f32 $1.500000000e+00, v10  }
0x323: {  	v18 =	vld [tilespmem:$0x1FF90];
	v36 =	vmul.f32 v36, v59;
	v7 =	vmul.f32 v44, v53  }
0x324: {  	v41 =	vld [tilespmem:$0x1FF50];
	v35 =	vsub.f32 v35, v46;
	v9 =	vmul.f32 v9, v21;
	v8 =	vmul.f32 v8, v10  }
0x325: {  	v1 =	vld [tilespmem:$0x1FFA0];
	v30 =	vsub.f32 v30, v46;
	v57 =	vmul.f32 v40, v12;
	v7 =	vmul.f32 v7, v63  }
0x326: {  	v0 =	vld [tilespmem:$0x1FF20];
	v28 =	vadd.f32 v28, v13;
	v6 =	vmul.f32 v9, v6;
	v5 =	vmul.f32 v8, v5  }
0x327: {  	v11 =	vmul.f32 v44, v11;
	v55 =	vsub.f32 v39, v4;
	v7 =	vadd.f32 v7, v2  }
0x328: {  	v16 =	vld [tilespmem:$0x1FF70];
	v34 =	vsub.f32 v34, v4;
	v6 =	vmul.f32 v6, v9;
	v5 =	vmul.f32 v5, v8  }
0x329: {  	v11 =	vmul.f32 v11, v60;
	v39 =	vadd.f32 v57, v41;
	v37 =	vsub.f32 v37, v4;
	[tilespmem:s11+$0xFFFFFFA0] =	vst v7  }
0x32a: {  	v58 =	vmul.f32 v43, v18;
	v19 =	vld [tilespmem:$0x1FF40];
	v6 =	vsub.f32 $1.500000000e+00, v6;
	v5 =	vsub.f32 $1.500000000e+00, v5  }
0x32b: {  	v20 =	vmul.f32 v20, v1;
	v11 =	vadd.f32 v11, v0;
	v47 =	vsub.f32 v26, v4;
	[tilespmem:s11+$0xFFFFFF90] =	vst v28  }
0x32c: {  	v48 =	vsub.f32 v25, v4;
	v15 =	vld [tilespmem:$0x1FF30];
	v6 =	vmul.f32 v6, v9;
	v5 =	vmul.f32 v5, v8  }
0x32d: {  	v49 =	vsub.f32 v29, v4;
	v17 =	vld [tilespmem:$0x1FF10];
	[tilespmem:s11+$0xFFFFFFE0] =	vst v39;
	v21 =	vsub.f32 v38, v4;
	v38 =	vmul.f32 v56, v16  }
0x32e: {  	v14 =	vld [tilespmem:$0x1FF00];
	v4 =	vsub.f32 v23, v4;
	v26 =	vmul.f32 v6, v30;
	v10 =	vmul.f32 v5, v55  }
0x32f: {  	v42 =	vadd.f32 v20, v19;
	v21 =	vmul.f32 v5, v21;
	v25 =	vmul.f32 v5, v37  }
0x330: {  	[tilespmem:s11+$0xFFFFFFF0] =	vst v11;
	v20 =	vsub.f32 v24, v46;
	v11 =	vmul.f32 v5, v47;
	v7 =	vmul.f32 v5, v48  }
0x331: {  	[tilespmem:s11+$0x70] =	vst v45;
	v43 =	vadd.f32 v36, v15;
	v52 =	vmul.f32 v5, v34;
	v8 =	vmul.f32 v5, v49  }
0x332: {  	v24 =	vadd.f32 v58, v17;
	[tilespmem:s11+$0xFFFFFFB0] =	vst v42;
	v4 =	vmul.f32 v5, v4;
	v5 =	vmul.f32 v26, v18  }
0x333: {  	v32 =	vsub.f32 v32, v46;
	v44 =	vadd.f32 v38, v14;
	[tilespmem:s11+$0xFFFFFFC0] =	vst v43;
	v10 =	vmul.f32 v10, v62  }
0x334: {  	v22 =	vsub.f32 v22, v46;
	[tilespmem:s11+$0xFFFFFF80] =	vst v24;
	v21 =	vmul.f32 v21, v63;
	v5 =	vadd.f32 v5, v17  }
0x335: {  	v27 =	vsub.f32 v27, v46;
	[tilespmem:s11+$0xFFFFFFD0] =	vst v44;
	v24 =	vmul.f32 v25, v1;
	v50 =	vadd.f32 v10, v13  }
0x336: {  	v54 =	vmul.f32 v6, v22;
	v51 =	vmul.f32 v11, v59;
	v21 =	vadd.f32 v21, v2;
	[tilespmem:s5+$0xFFFFFF80] =	vst v5  }
0x337: {  	v22 =	vsub.f32 v33, v46;
	v7 =	vmul.f32 v7, v16;
	v53 =	vadd.f32 v24, v19;
	[tilespmem:s5+$0x10] =	vst v50  }
0x338: {  	v33 =	vmul.f32 v6, v20;
	v11 =	vmul.f32 v52, v12;
	v10 =	vadd.f32 v51, v15;
	[tilespmem:s5+$0x20] =	vst v21  }
0x339: {  	v25 =	vsub.f32 v31, v46;
	v8 =	vmul.f32 v8, v18;
	v7 =	vadd.f32 v7, v14;
	[tilespmem:s5+$0x30] =	vst v53  }
0x33a: {  	v58 =	vmul.f32 v54, v62;
	v34 =	vmul.f32 v6, v35;
	v55 =	vadd.f32 v11, v41;
	[tilespmem:s5+$0x40] =	vst v10  }
0x33b: {  	v4 =	vmul.f32 v4, v60;
	v57 =	vadd.f32 v8, v17;
	v21 =	vmul.f32 v6, v25;
	[tilespmem:s5+$0x50] =	vst v7  }
0x33c: {  	v8 =	vadd.f32 v58, v13;
	[tilespmem:s5+$0x60] =	vst v55;
	v10 =	vmul.f32 v33, v1;
	v7 =	vmul.f32 v34, v59  }
0x33d: {  	v4 =	vadd.f32 v4, v0;
	[tilespmem:s5+$0x0] =	vst v57;
	v56 =	vmul.f32 v21, v63;
	v21 =	vmul.f32 v6, v32  }
0x33e: {  	[tilespmem:s5+$0xFFFFFF90] =	vst v8;
	v32 =	vmul.f32 v6, v22;
	v37 =	vadd.f32 v10, v19  }
0x33f: {  	[tilespmem:s5+$0x70] =	vst v4;
	v6 =	vmul.f32 v6, v27;
	v7 =	vadd.f32 v7, v15;
	v20 =	vmul.f32 v21, v12  }
0x340: {  	v11 =	vadd.f32 v56, v2;
	v9 =	vmul.f32 v32, v60;
	[tilespmem:s5+$0xFFFFFFB0] =	vst v37  }
0x341: {  	v6 =	vmul.f32 v6, v16;
	[tilespmem:s5+$0xFFFFFFC0] =	vst v7;
	v35 =	vadd.f32 v20, v41  }
0x342: {  	s10 =	sadd.s32 s8, s10;
	[tilespmem:s5+$0xFFFFFFA0] =	vst v11;
	v36 =	vadd.f32 v9, v0  }
0x343: {  	s10 =	smul.u32 $0x280, s10;
	v6 =	vadd.f32 v6, v14;
	[tilespmem:s5+$0xFFFFFFE0] =	vst v35  }
0x344: {  	[tilespmem:s5+$0xFFFFFFF0] =	vst v36  }
0x345: {  	s20 =	simm.s32 $0xDD00;
	s18 =	sadd.s32 s6, s10;
	[tilespmem:s5+$0xFFFFFFD0] =	vst v6  }
0x346: {  	[hbm4b:s18+s7] =	stream.linear.scatter [tilespmem:s20], [sflag:$0x7], $0x1400, $0x38;
	[tilespmem:$0x10500] =	vst v63  }
0x347: {  	_ =	swait.ge [sflag:s26], $0x1400  }
0x348: {  	[sflag:s26] =	ssyncset.done $0x0  }
0x349: {  	[sflag:s26] =	ssyncadd.s32 $0xFFFFEC00  }
0x34a: {  	s10 =	simm.s32 $0xF180;
	v4 =	vld [tilespmem:s9+$0xFFFFFF20]  }
0x34b: {  	v5 =	vld [tilespmem:s10+$0x50]  }
0x34c: {  	v38 =	vld [tilespmem:s9+$0xFFFFFFE0]  }
0x34d: {  	v50 =	vld [tilespmem:s10+$0xFFFFFFB0]  }
0x34e: {  	v51 =	vld [tilespmem:s10+$0x40]  }
0x34f: {  	v52 =	vld [tilespmem:s10+$0xFFFFFF80]  }
0x350: {  	v53 =	vld [tilespmem:s9+$0xFFFFFFD0]  }
0x351: {  	v54 =	vld [tilespmem:s9+$0xFFFFFF40]  }
0x352: {  	v21 =	vld [tilespmem:s9+$0xFFFFFF60]  }
0x353: {  	v22 =	vld [tilespmem:s9+$0xFFFFFFC0]  }
0x354: {  	v23 =	vld [tilespmem:s10+$0xFFFFFFD0]  }
0x355: {  	v20 =	vld [tilespmem:s10+$0xFFFFFFA0]  }
0x356: {  	v24 =	vld [tilespmem:s10+$0xFFFFFF90]  }
0x357: {  	v25 =	vld [tilespmem:s9+$0xFFFFFF30]  }
0x358: {  	v26 =	vld [tilespmem:s9+$0xFFFFFF10]  }
0x359: {  	v28 =	vld [tilespmem:s10+$0x0]  }
0x35a: {  	v29 =	vld [tilespmem:s9+$0xFFFFFFA0]  }
0x35b: {  	v30 =	vld [tilespmem:s9+$0xFFFFFFB0]  }
0x35c: {  	v31 =	vld [tilespmem:s10+$0x10]  }
0x35d: {  	v55 =	vld [tilespmem:s9+$0xFFFFFF90]  }
0x35e: {  	v56 =	vld [tilespmem:s10+$0x20]  }
0x35f: {  	v57 =	vld [tilespmem:s10+$0x30];
	v42 =	vadd.f32 v4, v24  }
0x360: {  	v58 =	vld [tilespmem:s9+$0xFFFFFFF0];
	v40 =	vadd.f32 v26, v52;
	v41 =	vadd.f32 v54, v50  }
0x361: {  	v34 =	vld [tilespmem:s10+$0x60];
	v44 =	vadd.f32 v53, v51;
	v0 =	vadd.f32 v25, v20  }
0x362: {  	v27 =	vld [tilespmem:s10+$0xFFFFFFC0];
	v46 =	vadd.f32 v55, v28;
	v51 =	vadd.f32 v29, v31  }
0x363: {  	v4 =	vld [tilespmem:s9+$0xFFFFFF50];
	v47 =	vadd.f32 v38, v5;
	v50 =	vadd.f32 v30, v56  }
0x364: {  	v35 =	vld [tilespmem:s9+$0x0];
	v43 =	vadd.f32 v21, v23;
	v48 =	vadd.f32 v22, v57  }
0x365: {  	v5 =	vld [tilespmem:s10+$0x70];
	v45 =	vmul.f32 v46, v46;
	v24 =	vadd.f32 v51, v46;
	v25 =	vmul.f32 v51, v51  }
0x366: {  	v52 =	vadd.f32 v58, v34;
	v9 =	vadd.f32 v42, v40  }
0x367: {  	v21 =	vmul.f32 v50, v50;
	v6 =	vadd.f32 v25, v45;
	v49 =	vadd.f32 v50, v24  }
0x368: {  	v23 =	vld [tilespmem:s9+$0xFFFFFF70];
	v22 =	vmul.f32 v42, v42;
	v9 =	vadd.f32 v0, v9;
	v36 =	vadd.f32 v4, v27  }
0x369: {  	v55 =	vmul.f32 v48, v48;
	v4 =	vld [tilespmem:s10+$0xFFFFFFE0];
	v6 =	vadd.f32 v21, v6;
	v7 =	vadd.f32 v48, v49  }
0x36a: {  	v56 =	vmul.f32 v40, v40;
	v49 =	vadd.f32 v35, v5;
	v9 =	vadd.f32 v41, v9  }
0x36b: {  	[tilespmem:$0x1FE50] =	vst v0;
	v5 =	vmul.f32 v44, v44;
	v6 =	vadd.f32 v55, v6;
	v7 =	vadd.f32 v44, v7  }
0x36c: {  	v58 =	vmul.f32 v0, v0;
	v57 =	vadd.f32 v22, v56;
	v32 =	vld [tilespmem:s9+$0xFFFFFF80];
	v9 =	vadd.f32 v36, v9  }
0x36d: {  	v21 =	vmul.f32 v47, v47;
	v34 =	vld [tilespmem:s10+$0xFFFFFFF0];
	v5 =	vadd.f32 v5, v6;
	v33 =	vadd.f32 v47, v7  }
0x36e: {  	v0 =	vld [tilespmem:$0x1FFF0];
	v35 =	vmul.f32 v41, v41;
	v45 =	vadd.f32 v23, v4;
	v4 =	vadd.f32 v58, v57  }
0x36f: {  	v37 =	vmul.f32 v52, v52;
	v5 =	vadd.f32 v21, v5;
	v6 =	vadd.f32 v52, v33  }
0x370: {  	v38 =	vmul.f32 v36, v36;
	v9 =	vadd.f32 v43, v9;
	v4 =	vadd.f32 v35, v4  }
0x371: {  	v22 =	vmul.f32 v49, v49;
	v5 =	vadd.f32 v37, v5;
	v6 =	vadd.f32 v49, v6  }
0x372: {  	v20 =	vld [tilespmem:$0x1FFE0];
	v39 =	vmul.f32 v43, v43;
	v21 =	vadd.f32 v32, v34;
	v9 =	vadd.f32 v45, v9  }
0x373: {  	v4 =	vadd.f32 v38, v4;
	v5 =	vadd.f32 v22, v5;
	v53 =	vperm.xlane v6, v0  }
0x374: {  	s16 =	sadd.s32 $0x100, s9;
	v54 =	vmul.f32 v45, v45;
	v9 =	vadd.f32 v21, v9  }
0x375: {  	s5 =	simm.s32 $0xF280;
	v8 =	vld [tilespmem:s16+$0xFFFFFFE0];
	v4 =	vadd.f32 v39, v4;
	v55 =	vperm.xlane v5, v0;
	v6 =	vadd.f32 v6, v53  }
0x376: {  	v11 =	vld [tilespmem:s5+$0xFFFFFFB0];
	v56 =	vmul.f32 v21, v21;
	v38 =	vperm.xlane v9, v0  }
0x377: {  	v25 =	vld [tilespmem:s5+$0x40];
	v4 =	vadd.f32 v54, v4;
	v5 =	vadd.f32 v55, v5;
	v57 =	vperm.xlane v6, v20  }
0x378: {  	v26 =	vld [tilespmem:s5+$0xFFFFFF80];
	v9 =	vadd.f32 v9, v38  }
0x379: {  	v29 =	vld [tilespmem:s16+$0xFFFFFF80];
	v4 =	vadd.f32 v56, v4;
	v39 =	vperm.xlane v5, v20;
	v6 =	vadd.f32 v6, v57  }
0x37a: {  	v31 =	vld [tilespmem:s5+$0xFFFFFFA0];
	v24 =	vperm.xlane v9, v20  }
0x37b: {  	v58 =	vld [tilespmem:s16+$0xFFFFFF20];
	v22 =	vperm.xlane v4, v0;
	v5 =	vadd.f32 v39, v5;
	v53 =	vperm.xlane v6, v61  }
0x37c: {  	v33 =	vld [tilespmem:s5+$0xFFFFFFF0];
	v9 =	vadd.f32 v9, v24  }
0x37d: {  	v54 =	vld [tilespmem:s16+$0xFFFFFF30];
	v4 =	vadd.f32 v22, v4;
	v22 =	vperm.xlane v5, v61;
	v6 =	vadd.f32 v6, v53  }
0x37e: {  	v23 =	vld [tilespmem:s5+$0x50];
	v28 =	vperm.xlane v9, v61  }
0x37f: {  	v24 =	vld [tilespmem:s16+$0xFFFFFF40];
	v27 =	vperm.xlane v4, v20;
	v5 =	vadd.f32 v22, v5;
	v22 =	vperm.xlane v6, v3  }
0x380: {  	v7 =	vld [tilespmem:s16+$0xFFFFFFD0];
	v9 =	vadd.f32 v9, v28  }
0x381: {  	v32 =	vld [tilespmem:s16+$0xFFFFFF60];
	v4 =	vadd.f32 v27, v4;
	v27 =	vperm.xlane v5, v3;
	v6 =	vadd.f32 v6, v22  }
0x382: {  	v33 =	vadd.f32 v29, v33;
	v31 =	vadd.f32 v54, v31;
	v30 =	vperm.xlane v9, v3;
	v22 =	vld [tilespmem:s5+$0xFFFFFF90]  }
0x383: {  	v28 =	vperm.xlane v4, v61;
	v5 =	vadd.f32 v27, v5;
	v6 =	vmul.f32 $7.812500000e-03, v6;
	v27 =	vld [tilespmem:s16+$0xFFFFFF10]  }
0x384: {  	v34 =	vld [tilespmem:s5+$0xFFFFFFE0];
	v24 =	vadd.f32 v24, v11;
	v9 =	vadd.f32 v9, v30  }
0x385: {  	v37 =	vld [tilespmem:s5+$0xFFFFFFD0];
	v4 =	vadd.f32 v28, v4;
	v5 =	vmul.f32 $7.812500000e-03, v5;
	v51 =	vsub.f32 v51, v6  }
0x386: {  	v38 =	vld [tilespmem:s5+$0xFFFFFFC0];
	v28 =	vmul.f32 v6, v6;
	v50 =	vsub.f32 v50, v6;
	v52 =	vsub.f32 v52, v6  }
0x387: {  	v39 =	vld [tilespmem:s16+$0xFFFFFFF0];
	v55 =	vperm.xlane v4, v3;
	v48 =	vsub.f32 v48, v6;
	v57 =	vadd.f32 v58, v22  }
0x388: {  	v58 =	vld [tilespmem:s16+$0xFFFFFF50];
	v5 =	vsub.f32 v5, v28;
	v30 =	vadd.f32 v27, v26  }
0x389: {  	v53 =	vld [tilespmem:s5+$0x60];
	v46 =	vsub.f32 v46, v6;
	v28 =	vmul.f32 $7.812500000e-03, v9;
	v4 =	vadd.f32 v55, v4  }
0x38a: {  	v11 =	vld [tilespmem:s16+$0xFFFFFF70];
	v5 =	vadd.f32 $9.999999960e-13, v5;
	v27 =	vadd.f32 v57, v30  }
0x38b: {  	v47 =	vsub.f32 v47, v6;
	v9 =	vld [tilespmem:s5+$0x0];
	v26 =	vmul.f32 v28, v28;
	v4 =	vmul.f32 $7.812500000e-03, v4  }
0x38c: {  	v55 =	vld [tilespmem:s16+$0x0];
	v56 =	vshrl.u32 v5, $0x1;
	v5 =	vmul.f32 $5.000000000e-01, v5;
	v27 =	vadd.f32 v31, v27  }
0x38d: {  	v4 =	vsub.f32 v4, v26;
	v35 =	vadd.f32 v58, v38;
	v54 =	vsub.s32 $0x5F3759DF, v56;
	v56 =	vld [tilespmem:s5+$0x70]  }
0x38e: {  	v26 =	vmul.f32 v54, v5;
	v10 =	vadd.f32 v24, v27;
	v27 =	vadd.f32 v32, v37;
	v37 =	vld [tilespmem:s16+$0xFFFFFFA0]  }
0x38f: {  	v58 =	vmul.f32 v30, v30;
	v4 =	vadd.f32 $9.999999960e-13, v4;
	v32 =	vadd.f32 v11, v34;
	v11 =	vld [tilespmem:s16+$0xFFFFFF90]  }
0x390: {  	v22 =	vmovc v57;
	v38 =	vmul.f32 v54, v26;
	v26 =	vadd.f32 v7, v25;
	v7 =	vmul.f32 v57, v57;
	v57 =	vld [tilespmem:s5+$0x10]  }
0x391: {  	v25 =	vadd.f32 v8, v23;
	v8 =	vld [tilespmem:s16+$0xFFFFFFB0];
	v10 =	vadd.f32 v35, v10  }
0x392: {  	v29 =	vmul.f32 v31, v31;
	v34 =	vadd.f32 v39, v53;
	v7 =	vadd.f32 v7, v58;
	v58 =	vld [tilespmem:s5+$0x20]  }
0x393: {  	v38 =	vsub.f32 $1.500000000e+00, v38;
	v10 =	vadd.f32 v27, v10  }
0x394: {  	v53 =	vmul.f32 v24, v24;
	v23 =	vadd.f32 v55, v56;
	v7 =	vadd.f32 v29, v7  }
0x395: {  	v29 =	vadd.f32 v11, v9;
	v10 =	vadd.f32 v32, v10  }
0x396: {  	v11 =	vmul.f32 v35, v35;
	v39 =	vadd.f32 v37, v57;
	v7 =	vadd.f32 v53, v7  }
0x397: {  	v54 =	vmul.f32 v54, v38;
	v10 =	vadd.f32 v33, v10;
	v38 =	vadd.f32 v8, v58  }
0x398: {  	v55 =	vld [tilespmem:s16+$0xFFFFFFC0];
	v8 =	vmul.f32 v29, v29;
	v7 =	vadd.f32 v11, v7;
	v11 =	vmul.f32 v27, v27  }
0x399: {  	v56 =	vshrl.u32 v4, $0x1;
	v9 =	vld [tilespmem:s5+$0x30];
	v53 =	vmul.f32 v39, v39;
	v37 =	vperm.xlane v10, v0  }
0x39a: {  	v4 =	vmul.f32 $5.000000000e-01, v4;
	v7 =	vadd.f32 v11, v7;
	v11 =	vmul.f32 v32, v32  }
0x39b: {  	v8 =	vadd.f32 v53, v8;
	v57 =	vmul.f32 v38, v38;
	v10 =	vadd.f32 v10, v37  }
0x39c: {  	v56 =	vsub.s32 $0x5F3759DF, v56;
	v7 =	vadd.f32 v11, v7;
	v11 =	vadd.f32 v39, v29  }
0x39d: {  	v5 =	vmul.f32 v54, v5;
	v8 =	vadd.f32 v57, v8;
	v57 =	vmul.f32 v33, v33  }
0x39e: {  	v37 =	vadd.f32 v55, v9;
	v58 =	vperm.xlane v10, v20;
	v11 =	vadd.f32 v38, v11  }
0x39f: {  	v5 =	vmul.f32 v5, v54;
	v7 =	vadd.f32 v57, v7;
	v57 =	vmul.f32 v56, v4  }
0x3a0: {  	v9 =	vadd.f32 v10, v58;
	v58 =	vmul.f32 v37, v37;
	v11 =	vadd.f32 v37, v11  }
0x3a1: {  	v5 =	vsub.f32 $1.500000000e+00, v5;
	v53 =	vmul.f32 v56, v57;
	v57 =	vperm.xlane v7, v0  }
0x3a2: {  	v8 =	vadd.f32 v58, v8;
	v58 =	vmul.f32 v26, v26;
	v11 =	vadd.f32 v26, v11  }
0x3a3: {  	v5 =	vmul.f32 v5, v54;
	v53 =	vsub.f32 $1.500000000e+00, v53;
	v7 =	vadd.f32 v57, v7  }
0x3a4: {  	v8 =	vadd.f32 v58, v8;
	v58 =	vmul.f32 v25, v25;
	v11 =	vadd.f32 v25, v11  }
0x3a5: {  	v44 =	vsub.f32 v44, v6;
	v53 =	vmul.f32 v56, v53;
	v56 =	vperm.xlane v7, v20  }
0x3a6: {  	v55 =	vmul.f32 v34, v34;
	v8 =	vadd.f32 v58, v8;
	v11 =	vadd.f32 v34, v11  }
0x3a7: {  	v46 =	vmul.f32 v5, v46;
	v58 =	vperm.xlane v9, v61;
	v7 =	vadd.f32 v56, v7  }
0x3a8: {  	v57 =	vmul.f32 v23, v23;
	v8 =	vadd.f32 v55, v8;
	v11 =	vadd.f32 v23, v11  }
0x3a9: {  	v51 =	vmul.f32 v5, v51;
	v9 =	vadd.f32 v9, v58;
	v58 =	vperm.xlane v7, v61  }
0x3aa: {  	v50 =	vmul.f32 v5, v50;
	v8 =	vadd.f32 v57, v8;
	v57 =	vperm.xlane v11, v0  }
0x3ab: {  	v54 =	vmul.f32 v5, v48;
	v44 =	vmul.f32 v5, v44;
	v7 =	vadd.f32 v58, v7  }
0x3ac: {  	v52 =	vmul.f32 v5, v52;
	v51 =	vmul.f32 v51, v62;
	v10 =	vadd.f32 v11, v57  }
0x3ad: {  	v55 =	vmul.f32 v5, v47;
	v58 =	vperm.xlane v7, v3  }
0x3ae: {  	v6 =	vsub.f32 v49, v6;
	v56 =	vperm.xlane v9, v3;
	v57 =	vperm.xlane v10, v20  }
0x3af: {  	v48 =	vadd.f32 v58, v7;
	v58 =	vadd.f32 v51, v13;
	v13 =	vmul.f32 v54, v1  }
0x3b0: {  	v5 =	vmul.f32 v5, v6;
	v47 =	vadd.f32 v10, v57;
	v57 =	vmul.f32 v50, v63  }
0x3b1: {  	v6 =	vadd.f32 v9, v56;
	v50 =	vmul.f32 v44, v59;
	v9 =	vadd.f32 v13, v19  }
0x3b2: {  	[tilespmem:s10+$0x10] =	vst v58;
	v7 =	vadd.f32 v57, v2  }
0x3b3: {  	v49 =	vperm.xlane v8, v0;
	v54 =	vadd.f32 v50, v15;
	[tilespmem:s10+$0x30] =	vst v9  }
0x3b4: {  	v4 =	vmul.f32 v53, v4;
	[tilespmem:s10+$0x20] =	vst v7  }
0x3b5: {  	v8 =	vadd.f32 v49, v8;
	[tilespmem:s10+$0x40] =	vst v54  }
0x3b6: {  	v4 =	vmul.f32 v4, v53;
	v0 =	vld [tilespmem:$0x1FF50]  }
0x3b7: {  	v51 =	vmul.f32 v55, v16;
	v56 =	vperm.xlane v8, v20  }
0x3b8: {  	v4 =	vsub.f32 $1.500000000e+00, v4;
	v57 =	vmul.f32 v46, v18  }
0x3b9: {  	v55 =	vmul.f32 v52, v12;
	v49 =	vadd.f32 v56, v8;
	v8 =	vadd.f32 v51, v14  }
0x3ba: {  	v59 =	vadd.f32 v57, v17  }
0x3bb: {  	v44 =	vmul.f32 v4, v53;
	[tilespmem:s10+$0x50] =	vst v8;
	v4 =	vadd.f32 v55, v0  }
0x3bc: {  	[tilespmem:s10+$0x0] =	vst v59  }
0x3bd: {  	[tilespmem:s10+$0x60] =	vst v4  }
0x3be: {  	v0 =	vld [tilespmem:$0x1FF20];
	_ =	sdelay $0x1  }
0x3bf: {  	v36 =	vsub.f32 v36, v28;
	v58 =	vsub.f32 v42, v28  }
0x3c0: {  	v5 =	vmul.f32 v5, v60;
	v42 =	vsub.f32 v41, v28;
	v56 =	vsub.f32 v40, v28  }
0x3c1: {  	s11 =	simm.s32 $0x2;
	v41 =	vsub.f32 v43, v28;
	v40 =	vsub.f32 v45, v28;
	v46 =	vmul.f32 $7.812500000e-03, v6  }
0x3c2: {  	s18 =	simm.s32 $0xF380;
	s9 =	sor.u32 $0x3, s21;
	s16 =	sadd.s32 $0x100, s16;
	v50 =	vmul.f32 v44, v58;
	v43 =	vmul.f32 v44, v56;
	v45 =	vadd.f32 v5, v0  }
.LBB2_9:
0x3c3: {  	v4 =	vld [tilespmem:s16+$0xFFFFFF20]  }
0x3c4: {  	v0 =	vld [tilespmem:$0x1FE50]  }
0x3c5: {  	v52 =	vld [tilespmem:s18+$0x50]  }
0x3c6: {  	v11 =	vld [tilespmem:s16+$0xFFFFFFE0]  }
0x3c7: {  	v53 =	vld [tilespmem:s18+$0x40]  }
0x3c8: {  	v54 =	vld [tilespmem:s18+$0xFFFFFF80]  }
0x3c9: {  	v55 =	vld [tilespmem:s16+$0xFFFFFFD0]  }
0x3ca: {  	v56 =	vld [tilespmem:s16+$0xFFFFFF80]  }
0x3cb: {  	v14 =	vld [tilespmem:$0x1FEE0]  }
0x3cc: {  	v20 =	vld [tilespmem:$0x1FFB0]  }
0x3cd: {  	v2 =	vld [tilespmem:$0x1FFA0]  }
0x3ce: {  	v13 =	vld [tilespmem:$0x1FF50];
	v5 =	vmul.f32 v46, v46;
	v6 =	vperm.xlane v47, v61  }
0x3cf: {  	v15 =	vld [tilespmem:$0x1FF20];
	v8 =	vmul.f32 $7.812500000e-03, v48;
	v9 =	vperm.xlane v49, v61  }
0x3d0: {  	v1 =	vmov v31;
	v12 =	vld [tilespmem:$0x1FF40];
	v6 =	vadd.f32 v47, v6  }
0x3d1: {  	[tilespmem:$0x1FE50] =	vst v1;
	v1 =	vld [tilespmem:$0x1FF90];
	v5 =	vsub.f32 v8, v5;
	v58 =	vadd.f32 v9, v49  }
0x3d2: {  	v31 =	vmul.f32 v44, v42;
	v7 =	vsub.f32 v0, v28;
	v0 =	vmovc v33;
	v33 =	vld [tilespmem:s18+$0xFFFFFFB0];
	v59 =	vperm.xlane v6, v3  }
0x3d3: {  	v40 =	vmul.f32 v44, v40;
	v5 =	vadd.f32 $9.999999960e-13, v5;
	v61 =	vperm.xlane v58, v3;
	v3 =	vld [tilespmem:$0x1FF80]  }
0x3d4: {  	v9 =	vmul.f32 v50, v62;
	[tilespmem:$0x1FE40] =	vst v0;
	v0 =	vld [tilespmem:$0x1FF70];
	v7 =	vmul.f32 v44, v7;
	v6 =	vadd.f32 v6, v59  }
0x3d5: {  	v16 =	vshrl.u32 v5, $0x1;
	v8 =	vadd.f32 v61, v58;
	v58 =	vld [tilespmem:s18+$0xFFFFFFF0];
	v5 =	vmul.f32 $5.000000000e-01, v5  }
0x3d6: {  	v10 =	vsub.f32 v21, v28;
	v28 =	vmovc v46;
	v57 =	vsub.s32 $0x5F3759DF, v16;
	v16 =	vld [tilespmem:$0x1FF60];
	v46 =	vmul.f32 $7.812500000e-03, v6  }
0x3d7: {  	v35 =	vsub.f32 v35, v28;
	v59 =	vld [tilespmem:s16+$0xFFFFFF60];
	v7 =	vmul.f32 v7, v63;
	v42 =	vmul.f32 v57, v5  }
0x3d8: {  	v51 =	vsub.f32 v30, v28;
	v61 =	vld [tilespmem:s18+$0x0];
	v8 =	vmul.f32 $7.812500000e-03, v8;
	v30 =	vmul.f32 v46, v46  }
0x3d9: {  	v62 =	vmul.f32 v44, v36;
	v36 =	vmovc v35;
	v35 =	vld [tilespmem:s16+$0xFFFFFF40];
	v7 =	vadd.f32 v7, v3;
	v18 =	vmul.f32 v57, v42  }
0x3da: {  	v17 =	vmul.f32 v44, v41;
	v48 =	vsub.f32 v38, v46;
	v38 =	vld [tilespmem:s18+$0xFFFFFFD0];
	v8 =	vsub.f32 v8, v30  }
0x3db: {  	v10 =	vmul.f32 v44, v10;
	v9 =	vadd.f32 v9, v16;
	v44 =	vsub.f32 $1.500000000e+00, v18;
	v18 =	vld [tilespmem:$0x1FF10]  }
0x3dc: {  	v31 =	vmul.f32 v31, v2;
	[tilespmem:s10+$0xFFFFFFA0] =	vst v7;
	v7 =	vmul.f32 v17, v0;
	v17 =	vld [tilespmem:$0x1FF00];
	v8 =	vadd.f32 $9.999999960e-13, v8  }
0x3dd: {  	v53 =	vadd.f32 v55, v53;
	v11 =	vadd.f32 v11, v52;
	v10 =	vmul.f32 v10, v60;
	v41 =	vld [tilespmem:s18+$0xFFFFFFA0];
	[tilespmem:s10+$0xFFFFFF90] =	vst v9  }
0x3de: {  	v52 =	vsub.f32 v22, v28;
	v30 =	vmul.f32 v40, v20;
	v9 =	vld [tilespmem:s18+$0xFFFFFF90];
	v19 =	vshrl.u32 v8, $0x1  }
0x3df: {  	v10 =	vadd.f32 v10, v15;
	v40 =	vsub.f32 v32, v28;
	v32 =	vsub.s32 $0x5F3759DF, v19;
	v19 =	vld [tilespmem:$0x1FF30]  }
0x3e0: {  	v47 =	vsub.f32 v34, v46;
	v34 =	vmul.f32 v43, v1;
	v30 =	vadd.f32 v30, v13;
	v43 =	vld [tilespmem:s16+$0xFFFFFF30]  }
0x3e1: {  	v49 =	vsub.f32 v37, v46;
	v42 =	vsub.f32 v24, v28;
	v37 =	vld [tilespmem:s16+$0xFFFFFF10];
	v8 =	vmul.f32 $5.000000000e-01, v8  }
0x3e2: {  	v6 =	vmul.f32 v62, v14;
	v24 =	vadd.f32 v35, v33;
	v35 =	vld [tilespmem:s16+$0xFFFFFFF0];
	[tilespmem:s10+$0xFFFFFFE0] =	vst v30;
	v30 =	vadd.f32 v31, v12  }
0x3e3: {  	v50 =	vsub.f32 v39, v46;
	v60 =	vld [tilespmem:s18+$0xFFFFFFC0];
	[tilespmem:s10+$0xFFFFFFF0] =	vst v10;
	v34 =	vadd.f32 v34, v18;
	v31 =	vmul.f32 v32, v8  }
0x3e4: {  	v10 =	vmul.f32 v57, v44;
	v4 =	vadd.f32 v4, v9;
	v9 =	vld [tilespmem:s16+$0xFFFFFF50];
	[tilespmem:s10+$0xFFFFFFB0] =	vst v30;
	v6 =	vadd.f32 v6, v19  }
0x3e5: {  	v7 =	vadd.f32 v7, v17;
	v57 =	vmul.f32 v32, v31;
	v31 =	vadd.f32 v43, v41;
	v43 =	vld [tilespmem:s16+$0x0];
	[tilespmem:s10+$0xFFFFFF80] =	vst v34  }
0x3e6: {  	v29 =	vsub.f32 v29, v46;
	v5 =	vmul.f32 v10, v5;
	v30 =	vadd.f32 v37, v54;
	[tilespmem:s10+$0xFFFFFFC0] =	vst v6;
	v6 =	vld [tilespmem:s18+$0x60]  }
0x3e7: {  	v55 =	vmul.f32 v53, v53;
	v33 =	vadd.f32 v56, v58;
	v54 =	vld [tilespmem:s18+$0x70];
	v41 =	vsub.f32 v27, v28;
	[tilespmem:s10+$0xFFFFFFD0] =	vst v7  }
0x3e8: {  	v5 =	vmul.f32 v5, v10;
	v44 =	vsub.f32 $1.500000000e+00, v57;
	v56 =	vadd.f32 v4, v30;
	v7 =	vld [tilespmem:s16+$0xFFFFFF70]  }
0x3e9: {  	v27 =	vadd.f32 v59, v38;
	v37 =	vmul.f32 v4, v4;
	v63 =	vmul.f32 v30, v30;
	v62 =	vld [tilespmem:s18+$0xFFFFFFE0]  }
0x3ea: {  	v39 =	vld [tilespmem:s16+$0xFFFFFFC0];
	v5 =	vsub.f32 $1.500000000e+00, v5;
	[tilespmem:s10+$0x70] =	vst v45;
	v45 =	vmul.f32 v32, v44;
	v44 =	vadd.f32 v31, v56  }
0x3eb: {  	v38 =	vld [tilespmem:s18+$0x20];
	v22 =	vmovc v4;
	v4 =	vmul.f32 v31, v31;
	v59 =	vadd.f32 v37, v63;
	v34 =	vadd.f32 v35, v6  }
0x3ec: {  	v37 =	vld [tilespmem:s18+$0x30];
	v8 =	vmul.f32 v45, v8;
	v35 =	vadd.f32 v9, v60;
	v9 =	vadd.f32 v24, v44  }
0x3ed: {  	v57 =	vmul.f32 v33, v33;
	v56 =	vld [tilespmem:s16+$0xFFFFFFA0];
	v54 =	vadd.f32 v43, v54;
	v4 =	vadd.f32 v4, v59  }
0x3ee: {  	v8 =	vmul.f32 v8, v45;
	v32 =	vadd.f32 v7, v62;
	v7 =	vld [tilespmem:s16+$0xFFFFFFB0];
	v9 =	vadd.f32 v35, v9  }
0x3ef: {  	v63 =	vld [tilespmem:s16+$0xFFFFFF90];
	v44 =	vmul.f32 v5, v10;
	v10 =	vsub.f32 v26, v46;
	v26 =	vmovc v53;
	v53 =	vmul.f32 v24, v24  }
0x3f0: {  	v6 =	vmul.f32 v11, v11;
	v62 =	vld [tilespmem:s18+$0x10];
	v8 =	vsub.f32 $1.500000000e+00, v8;
	v9 =	vadd.f32 v27, v9  }
0x3f1: {  	v21 =	vld [tilespmem:$0x1FFF0];
	v5 =	vsub.f32 v25, v46;
	v25 =	vmovc v11;
	v4 =	vadd.f32 v53, v4;
	v11 =	vmul.f32 v35, v35  }
0x3f2: {  	v37 =	vadd.f32 v39, v37;
	v8 =	vmul.f32 v8, v45;
	v9 =	vadd.f32 v32, v9  }
0x3f3: {  	v59 =	vmul.f32 v27, v27;
	v4 =	vadd.f32 v11, v4;
	v38 =	vadd.f32 v7, v38  }
0x3f4: {  	v7 =	vmul.f32 v8, v29;
	v29 =	vadd.f32 v63, v61;
	v9 =	vadd.f32 v33, v9  }
0x3f5: {  	v43 =	vmul.f32 v44, v51;
	v39 =	vadd.f32 v56, v62;
	v4 =	vadd.f32 v59, v4;
	v59 =	vld [tilespmem:$0x1FFE0]  }
0x3f6: {  	v45 =	vmul.f32 v8, v50;
	v50 =	vperm.xlane v9, v21  }
0x3f7: {  	v51 =	vmul.f32 v29, v29;
	v56 =	vmul.f32 v39, v39  }
0x3f8: {  	v60 =	vmul.f32 v54, v54;
	v53 =	vadd.f32 v39, v29;
	v9 =	vadd.f32 v9, v50  }
0x3f9: {  	v46 =	vsub.f32 v23, v46;
	v11 =	vmul.f32 v32, v32;
	v50 =	vadd.f32 v56, v51  }
0x3fa: {  	v51 =	vadd.f32 v38, v53;
	v53 =	vmul.f32 v38, v38;
	v56 =	vperm.xlane v9, v59  }
0x3fb: {  	v58 =	vmul.f32 v34, v34;
	v48 =	vmul.f32 v8, v48;
	v4 =	vadd.f32 v11, v4  }
0x3fc: {  	v62 =	vld [tilespmem:$0x1FEC0];
	v50 =	vadd.f32 v53, v50;
	v9 =	vadd.f32 v9, v56;
	v56 =	vmul.f32 v37, v37  }
0x3fd: {  	v10 =	vmul.f32 v8, v10;
	v63 =	vld [tilespmem:$0x1FED0];
	v4 =	vadd.f32 v57, v4;
	v51 =	vadd.f32 v37, v51  }
0x3fe: {  	v49 =	vmul.f32 v8, v49;
	v5 =	vmul.f32 v8, v5;
	v11 =	vadd.f32 v56, v50  }
0x3ff: {  	v23 =	vmovc v54;
	v10 =	vmul.f32 v10, v14;
	v54 =	vperm.xlane v4, v21;
	v57 =	vadd.f32 v26, v51  }
0x400: {  	v5 =	vmul.f32 v5, v0;
	v7 =	vmul.f32 v7, v1;
	v11 =	vadd.f32 v55, v11  }
0x401: {  	v61 =	vld [tilespmem:$0x1FFC0];
	v45 =	vmul.f32 v45, v62;
	v4 =	vadd.f32 v54, v4;
	v50 =	vadd.f32 v25, v57  }
0x402: {  	v10 =	vadd.f32 v10, v19;
	v48 =	vmul.f32 v48, v63;
	v6 =	vadd.f32 v6, v11  }
0x403: {  	v45 =	vadd.f32 v45, v16;
	v14 =	vperm.xlane v4, v59;
	v57 =	vadd.f32 v34, v50  }
0x404: {  	v48 =	vadd.f32 v48, v3;
	v56 =	vmul.f32 v8, v47;
	v6 =	vadd.f32 v58, v6  }
0x405: {  	v3 =	vld [tilespmem:$0x1FFD0];
	v4 =	vadd.f32 v14, v4;
	v55 =	vmul.f32 v49, v2;
	v47 =	vadd.f32 v23, v57  }
0x406: {  	s10 =	smov.u32 s5;
	v5 =	vadd.f32 v5, v17;
	v16 =	vperm.xlane v9, v61;
	v6 =	vadd.f32 v60, v6  }
0x407: {  	[tilespmem:s10+$0x10] =	vst v45;
	v54 =	vperm.xlane v4, v61;
	v45 =	vadd.f32 v55, v12;
	v53 =	vperm.xlane v47, v21;
	v60 =	vld [tilespmem:$0x1FEF0]  }
0x408: {  	s11 =	sadd.s32 $0x2, s11;
	v7 =	vadd.f32 v7, v18;
	v9 =	vadd.f32 v9, v16;
	v55 =	vperm.xlane v6, v21  }
0x409: {  	p0 =	slt.u32 s11, $0x26;
	v11 =	vmul.f32 v56, v20;
	v4 =	vadd.f32 v54, v4;
	[tilespmem:s10+$0x30] =	vst v45;
	v45 =	vadd.f32 v47, v53  }
.Ltmp5:
0x40a: {  	[tilespmem:s10+$0x50] =	vst v5;
	v5 =	vmul.f32 v8, v46;
	v56 =	vperm.xlane v9, v3;
	v6 =	vadd.f32 v55, v6;
	(pc) =	sbr.rel @p0 .LBB2_9-.Ltmp5, $4  }
0x40b: {  	[tilespmem:s10+$0x40] =	vst v10;
	v11 =	vadd.f32 v11, v13;
	v10 =	vperm.xlane v4, v3;
	v58 =	vperm.xlane v45, v59  }
0x40c: {  	[tilespmem:s10+$0x0] =	vst v7;
	v57 =	vadd.f32 v9, v56;
	v5 =	vmul.f32 v5, v60;
	v59 =	vperm.xlane v6, v59  }
0x40d: {  	[tilespmem:s10+$0x20] =	vst v48;
	v50 =	vmul.f32 v44, v52;
	v48 =	vadd.f32 v10, v4;
	v47 =	vadd.f32 v45, v58  }
0x40e: {  	s5 =	smov.u32 s18;
	s16 =	sadd.s32 $0x100, s16;
	s18 =	sadd.s32 $0x100, s18;
	[tilespmem:s10+$0x60] =	vst v11;
	v46 =	vmul.f32 $7.812500000e-03, v57;
	v21 =	vld [tilespmem:$0x1FE40];
	v45 =	vadd.f32 v5, v15;
	v49 =	vadd.f32 v59, v6  }
0x40f: {  	v4 =	vperm.xlane v47, v61;
	_ =	sdelay $0x1  }
0x410: {  	v5 =	vperm.xlane v49, v61;
	v4 =	vadd.f32 v47, v4;
	_ =	sdelay $0x1  }
0x411: {  	v5 =	vadd.f32 v5, v49;
	v6 =	vperm.xlane v4, v3  }
0x412: {  	v8 =	vmul.f32 $7.812500000e-03, v48  }
0x413: {  	v0 =	vld [tilespmem:$0x1FE50];
	v57 =	vmul.f32 v46, v46;
	v7 =	vperm.xlane v5, v3;
	v4 =	vadd.f32 v4, v6;
	_ =	sdelay $0x1  }
0x414: {  	v58 =	vsub.f32 v8, v57;
	v5 =	vadd.f32 v7, v5;
	v4 =	vmul.f32 $7.812500000e-03, v4  }
0x415: {  	v2 =	vld [tilespmem:$0x1FFE0];
	v20 =	vmul.f32 v44, v42;
	v36 =	vmul.f32 v44, v36  }
0x416: {  	v1 =	vld [tilespmem:$0x1FFF0];
	v6 =	vadd.f32 $9.999999960e-13, v58;
	v5 =	vmul.f32 $7.812500000e-03, v5;
	v56 =	vmul.f32 v4, v4  }
0x417: {  	v40 =	vmul.f32 v44, v40;
	v14 =	vld [tilespmem:$0x1FEE0];
	v52 =	vmul.f32 v44, v41;
	v59 =	vsub.f32 v0, v28  }
0x418: {  	v0 =	vld [tilespmem:$0x1FF80];
	v9 =	vshrl.u32 v6, $0x1;
	v6 =	vmul.f32 $5.000000000e-01, v6;
	v5 =	vsub.f32 v5, v56  }
0x419: {  	v13 =	vld [tilespmem:$0x1FF60];
	v11 =	vsub.f32 v21, v28;
	v7 =	vmul.f32 v44, v59;
	v9 =	vsub.s32 $0x5F3759DF, v9  }
0x41a: {  	v41 =	vld [tilespmem:$0x1FF90];
	v49 =	vmul.f32 v50, v62;
	v48 =	vmul.f32 v9, v6;
	v5 =	vadd.f32 $9.999999960e-13, v5  }
0x41b: {  	v12 =	vld [tilespmem:$0x1FF50];
	v11 =	vmul.f32 v44, v11;
	v7 =	vmul.f32 v7, v63  }
0x41c: {  	v44 =	vld [tilespmem:$0x1FFB0];
	v21 =	vmul.f32 v9, v48;
	v47 =	vshrl.u32 v5, $0x1;
	v5 =	vmul.f32 $5.000000000e-01, v5  }
0x41d: {  	v42 =	vld [tilespmem:$0x1FFA0];
	v7 =	vadd.f32 v7, v0;
	v8 =	vsub.s32 $0x5F3759DF, v47  }
0x41e: {  	v18 =	vld [tilespmem:$0x1FF20];
	v28 =	vadd.f32 v49, v13;
	v21 =	vsub.f32 $1.500000000e+00, v21;
	v10 =	vmul.f32 v8, v5  }
0x41f: {  	v16 =	vld [tilespmem:$0x1FF70];
	[tilespmem:s10+$0xFFFFFFA0] =	vst v7  }
0x420: {  	v19 =	vld [tilespmem:$0x1FF40];
	[tilespmem:s10+$0xFFFFFF90] =	vst v28;
	v9 =	vmul.f32 v9, v21;
	v10 =	vmul.f32 v8, v10  }
0x421: {  	v35 =	vsub.f32 v35, v46;
	v53 =	vmul.f32 v40, v44;
	v15 =	vld [tilespmem:$0x1FF30]  }
0x422: {  	v30 =	vsub.f32 v30, v46;
	v6 =	vmul.f32 v9, v6;
	v10 =	vsub.f32 $1.500000000e+00, v10  }
0x423: {  	v36 =	vmul.f32 v36, v14;
	v50 =	vsub.f32 v39, v4;
	v39 =	vadd.f32 v53, v12  }
0x424: {  	v32 =	vsub.f32 v32, v46;
	v6 =	vmul.f32 v6, v9;
	v8 =	vmul.f32 v8, v10  }
0x425: {  	v22 =	vsub.f32 v22, v46;
	v54 =	vmul.f32 v43, v41;
	v20 =	vmul.f32 v20, v42;
	v17 =	vld [tilespmem:$0x1FF10];
	[tilespmem:s10+$0xFFFFFFE0] =	vst v39  }
0x426: {  	v56 =	vadd.f32 v36, v15;
	v36 =	vld [tilespmem:$0x1FF00];
	v6 =	vsub.f32 $1.500000000e+00, v6;
	v5 =	vmul.f32 v8, v5  }
0x427: {  	v11 =	vmul.f32 v11, v60;
	v51 =	vsub.f32 v38, v4;
	v59 =	vsub.f32 v26, v4  }
0x428: {  	v55 =	vadd.f32 v20, v19;
	v6 =	vmul.f32 v6, v9;
	v5 =	vmul.f32 v5, v8  }
0x429: {  	v38 =	vmul.f32 v52, v16;
	v20 =	vsub.f32 v24, v46;
	[tilespmem:s10+$0x70] =	vst v45;
	v45 =	vsub.f32 v31, v46  }
0x42a: {  	v57 =	vadd.f32 v54, v17;
	v26 =	vmul.f32 v6, v30;
	v5 =	vsub.f32 $1.500000000e+00, v5  }
0x42b: {  	v58 =	vadd.f32 v38, v36;
	v48 =	vmul.f32 v6, v45;
	v49 =	vmul.f32 v6, v22  }
0x42c: {  	v27 =	vsub.f32 v27, v46;
	[tilespmem:s10+$0xFFFFFF80] =	vst v57;
	v53 =	vmul.f32 v6, v32;
	v5 =	vmul.f32 v5, v8  }
0x42d: {  	v37 =	vsub.f32 v37, v4;
	v57 =	vmul.f32 v6, v20;
	[tilespmem:s10+$0xFFFFFFD0] =	vst v58;
	v58 =	vmul.f32 v6, v35  }
0x42e: {  	v11 =	vadd.f32 v11, v18;
	v52 =	vmul.f32 v48, v63;
	v10 =	vmul.f32 v5, v50  }
0x42f: {  	v34 =	vsub.f32 v34, v4;
	v20 =	vmul.f32 v53, v44;
	v21 =	vmul.f32 v5, v51  }
0x430: {  	v28 =	vsub.f32 v25, v4;
	[tilespmem:s10+$0xFFFFFFF0] =	vst v11;
	v30 =	vmul.f32 v5, v37;
	v10 =	vmul.f32 v10, v62  }
0x431: {  	[tilespmem:s10+$0xFFFFFFB0] =	vst v55;
	v11 =	vmul.f32 v5, v59;
	v59 =	vadd.f32 v20, v12;
	v21 =	vmul.f32 v21, v63  }
0x432: {  	[tilespmem:s10+$0xFFFFFFC0] =	vst v56;
	v7 =	vmul.f32 v5, v28;
	v38 =	vmul.f32 v30, v42;
	v39 =	vadd.f32 v10, v13  }
0x433: {  	v43 =	vmul.f32 v5, v34;
	v40 =	vmul.f32 v11, v14;
	[tilespmem:s5+$0xFFFFFFE0] =	vst v59;
	v21 =	vadd.f32 v21, v0  }
0x434: {  	v37 =	vsub.f32 v29, v4;
	v7 =	vmul.f32 v7, v16;
	v47 =	vadd.f32 v38, v19;
	[tilespmem:s5+$0x10] =	vst v39  }
0x435: {  	v4 =	vsub.f32 v23, v4;
	v11 =	vmul.f32 v43, v44;
	v10 =	vadd.f32 v40, v15;
	[tilespmem:s5+$0x20] =	vst v21  }
0x436: {  	v50 =	vsub.f32 v33, v46;
	v8 =	vmul.f32 v5, v37;
	v7 =	vadd.f32 v7, v36;
	[tilespmem:s5+$0x30] =	vst v47  }
0x437: {  	v4 =	vmul.f32 v5, v4;
	v5 =	vmul.f32 v26, v41;
	v51 =	vadd.f32 v11, v12;
	[tilespmem:s5+$0x40] =	vst v10  }
0x438: {  	v56 =	vmul.f32 v6, v50;
	v8 =	vmul.f32 v8, v41;
	v11 =	vadd.f32 v52, v0;
	[tilespmem:s5+$0x50] =	vst v7  }
0x439: {  	v55 =	vmul.f32 v49, v62;
	v6 =	vmul.f32 v6, v27;
	v5 =	vadd.f32 v5, v17;
	[tilespmem:s5+$0x60] =	vst v51  }
0x43a: {  	v9 =	vmul.f32 v56, v60;
	v54 =	vadd.f32 v8, v17;
	[tilespmem:s5+$0xFFFFFFA0] =	vst v11  }
0x43b: {  	v6 =	vmul.f32 v6, v16;
	v8 =	vadd.f32 v55, v13;
	[tilespmem:s5+$0xFFFFFF80] =	vst v5  }
0x43c: {  	v4 =	vmul.f32 v4, v60;
	v62 =	vadd.f32 v9, v18;
	[tilespmem:s5+$0x0] =	vst v54  }
0x43d: {  	v10 =	vmul.f32 v57, v42;
	v6 =	vadd.f32 v6, v36;
	[tilespmem:s5+$0xFFFFFF90] =	vst v8  }
0x43e: {  	v7 =	vmul.f32 v58, v14;
	v4 =	vadd.f32 v4, v18;
	[tilespmem:s5+$0xFFFFFFF0] =	vst v62  }
0x43f: {  	s9 =	sadd.s32 s8, s9;
	v63 =	vadd.f32 v10, v19;
	[tilespmem:s5+$0xFFFFFFD0] =	vst v6  }
0x440: {  	s9 =	smul.u32 $0x280, s9;
	v7 =	vadd.f32 v7, v15;
	[tilespmem:s5+$0x70] =	vst v4  }
0x441: {  	p0 =	seq.s32 s19, $0x27;
	[tilespmem:s5+$0xFFFFFFB0] =	vst v63  }
.Ltmp6:
0x442: {  	s11 =	simm.s32 $0xF100;
	s21 =	sadd.s32 s6, s9;
	[tilespmem:s5+$0xFFFFFFC0] =	vst v7;
	(pc) =	sbr.rel @p0 .LBB2_12-.Ltmp6, $4  }
0x443: {  	[hbm4b:s21+s7] =	stream.linear.scatter [tilespmem:s11], [sflag:$0x8], $0x1400, $0x38;
	[tilespmem:$0x10500] =	vst v63  }
0x444: {  	_ =	swait.ge [sflag:s28], $0x1400  }
0x445: {  	[sflag:s28] =	ssyncset.done $0x0  }
0x446: {  	[sflag:s28] =	ssyncadd.s32 $0xFFFFEC00  }
0x447: {  	s5 =	sshll.u32 s19, $0x9  }
0x448: {  	s5 =	sand.u32 $0x3FFFFE00, s5  }
0x449: {  	s10 =	simm.s32 $0xB500;
	s9 =	sadd.s32 $0x200, s5  }
0x44a: {  	[tilespmem:s10], [sflag:$0x1] =	stream.indirect.gather [hbm4b:s0+s15], $0x80, s9, s15, $0xb8;
	[tilespmem:$0x10500] =	vst v63  }
0x44b: {  	_ =	swait.ge [sflag:s29], $0x1400  }
0x44c: {  	[sflag:s29] =	ssyncset.done $0x0  }
0x44d: {  	s21 =	sadd.s32 $0x280, s5;
	[sflag:s29] =	ssyncadd.s32 $0xFFFFEC00  }
0x44e: {  	[tilespmem:s22], [sflag:$0x2] =	stream.indirect.gather [hbm4b:s0+s15], $0x80, s21, s15, $0xb8;
	[tilespmem:$0x10500] =	vst v63  }
0x44f: {  	_ =	swait.ge [sflag:s30], $0x1400  }
0x450: {  	s19 =	sadd.s32 $0x1, s19;
	[sflag:s30] =	ssyncset.done $0x0  }
0x451: {  	s17 =	sadd.s32 $0xFFFFFFA0, s17;
	s22 =	sadd.s32 $0x300, s5;
	[sflag:s30] =	ssyncadd.s32 $0xFFFFEC00  }
0x452: {  	[tilespmem:s20], [sflag:$0x3] =	stream.indirect.gather [hbm4b:s0+s15], $0x80, s22, s15, $0xb8;
	[tilespmem:$0x10500] =	vst v63  }
.Ltmp7:
0x453: {  	s14 =	sadd.s32 $0x4, s14;
	s1 =	sadd.s32 $0x5000, s1;
	(pc) =	sbr.rel .LBB2_2-.Ltmp7, $4  }
0x454: {  	v24 =	vmov v13;
	s13 =	sadd.s32 $0x4, s13;
	s2 =	sadd.s32 $0x5000, s2;
	_ =	swait.ge [sflag:s31], $0x1400  }
0x455: {  	v28 =	vmovc v12;
	v11 =	vmovc v19;
	v10 =	vmov v16;
	v23 =	vmov v15;
	v5 =	vmov v17;
	s12 =	sadd.s32 $0x4, s12;
	s3 =	sadd.s32 $0x5000, s3;
	[sflag:s31] =	ssyncset.done $0x0  }
0x456: {  	v6 =	vmovc v36;
	v7 =	vmovc v18;
	s4 =	sadd.s32 $0x4, s4;
	v12 =	vmov v41;
	v13 =	vmov v42;
	v15 =	vmov v44;
	s5 =	sadd.s32 $0x380, s5;
	[sflag:s31] =	ssyncadd.s32 $0xFFFFEC00  }
0x457: {  	v14 =	vmovc v0;
	v0 =	vmovc v1;
	v8 =	vmov v24;
	v9 =	vmov v23;
	v4 =	vmov v28;
	[tilespmem:s11], [sflag:$0x4] =	stream.indirect.gather [hbm4b:s0+s15], $0x80, s5, s15, $0xb8;
	[tilespmem:$0x10500] =	vst v63  }
.LBB2_13:
0x458: {  	_ =	sfence.sel $0x180000  }
0x459: {  	[bflag:$0x0] =	sbarrier.arrive $0xFFFF  }
0x45a: {  	_ =	strace $0x90000047  }
0x45b: {  	s0 =	stileid.u32;
	[bflag:$0x2] =	sbarrier.arrive $0xFFFF  }
0x45c: {  	p0 =	sne.s32 s0, $0x0;
	s0 =	rddreg [dreg:$0x6]  }
0x45d: {  	s0 =	sadd.s32 @!p0 $0x100000, s0  }
0x45e: {  	[sflag:s0] =	ssyncadd.tile.s32 @!p0 $0x1;
	_ =	shalt  }
.Lfunc_end2:
_tile_overlayer_lowered:
.L_overlay_start_2:
0x45f: {  	(tag) =	ssettag $0x2  }
0x460: {  	s0 =	rddreg [dreg:$0x0];
	s2 =	stileid.u32  }
0x461: {  	s1 =	rddreg [dreg:$0x1];
	p0 =	sne.s32 s2, $0x0  }
0x462: {  	s3 =	rddreg [dreg:$0x2];
	[bflag:$0x3] =	sbarrier.arrive $0xFFFF;
	s2 =	simm.s32 @!p0 $0x1C09  }
0x463: {  	[timem:s3], [sflag:s2] =	dma.local @!p0 [hbm:s0], s1  }
0x464: {  	s0 =	simm.s32 @!p0 $0x9  }
0x465: {  	_ =	swait.ge @!p0 [sflag:s0], s1  }
0x466: {  	s1 =	ssub.s32 @!p0 $0x0, s1;
	[sflag:s0] =	ssyncset.done @!p0 $0x0  }
0x467: {  	[sflag:s0] =	ssyncadd.s32 @!p0 s1  }
0x468: {  	[bflag:$0x3] =	sbarrier.arrive $0xFFFF  }
0x469: {  	_ =	shalt  }

</sc_bundles>
